<compile_context>
chip_gen: v7x
topology: tpu7x:2x2x1
jax: 0.10.2.dev20260603
libtpu: 0.0.44.dev20260713+nightly
codegen_flags: <defaults>
</compile_context>

<pallas_src>
import functools

import jax
import jax.numpy as jnp
from jax import lax
from jax.experimental import pallas as pl
from jax.experimental.pallas import tpu as pltpu
from jax.experimental.pallas import tpu_sc as plsc

_L = 16


@functools.lru_cache(maxsize=None)
def _make_gather(n_rows: int, d_model: int):
    info = plsc.get_sparse_core_info()
    nw = info.num_cores * info.num_subcores
    rows_per_w = n_rows // nw
    r = 56
    sizes = [r] * (rows_per_w // r)
    if rows_per_w % r:
        sizes.append(rows_per_w % r)
    offs = [sum(sizes[:i]) for i in range(len(sizes))]
    n_chunks = len(sizes)

    mesh = plsc.VectorSubcoreMesh(core_axis_name="c", subcore_axis_name="s")

    @functools.partial(
        pl.kernel,
        mesh=mesh,
        out_type=jax.ShapeDtypeStruct((n_rows, d_model), jnp.float32),
        scratch_types=[
            pltpu.VMEM((_L,), jnp.int32),
            pltpu.VMEM((32,), jnp.int32),
            pltpu.VMEM((32,), jnp.int32),
            pltpu.VMEM((2, r, d_model), jnp.float32),
            pltpu.SemaphoreType.DMA,
        ],
    )
    def k(seq_hbm, table_hbm, out_hbm, seq_v, idx0_v, idx1_v, rows_v, sem):
        wid = lax.axis_index("s") * info.num_cores + lax.axis_index("c")
        base = wid * rows_per_w
        pltpu.sync_copy(seq_hbm, seq_v)
        sl = seq_v[...]
        sl_s = sl[0]
        start = lax.rem(base, sl_s)
        fast = jnp.logical_and((start + rows_per_w) <= sl_s,
                               lax.rem(start, 8) == 0)

        @pl.when(fast)
        def _():
            s_al = pl.multiple_of(start, 8)

            def start_lin(c):
                return pltpu.async_copy(
                    table_hbm.at[pl.ds(s_al + offs[c], sizes[c])],
                    rows_v.at[c % 2, pl.ds(0, sizes[c])], sem)

            g = start_lin(0)
            for c in range(n_chunks):
                g_next = start_lin(c + 1) if c + 1 < n_chunks else None
                g.wait()
                pltpu.sync_copy(rows_v.at[c % 2, pl.ds(0, sizes[c])],
                                out_hbm.at[pl.ds(base + offs[c], sizes[c])])
                g = g_next

        @pl.when(jnp.logical_not(fast))
        def _():
            rs = 32
            ns = rows_per_w // rs

            def start_gather(c):
                b = c % 2
                idx_v = idx0_v if b == 0 else idx1_v
                row0 = base + c * rs
                for j in range(rs // _L):
                    idx_v[pl.ds(j * _L, _L)] = lax.rem(
                        (row0 + j * _L) + lax.iota(jnp.int32, _L), sl)
                return pltpu.async_copy(table_hbm.at[idx_v],
                                        rows_v.at[b, pl.ds(0, rs)], sem)

            g = start_gather(0)
            for c in range(ns):
                g_next = start_gather(c + 1) if c + 1 < ns else None
                g.wait()
                pltpu.sync_copy(rows_v.at[c % 2, pl.ds(0, rs)],
                                out_hbm.at[pl.ds(base + c * rs, rs)])
                g = g_next

    return k


def kernel(seq_len, table):
    n_rows, d_model = table.shape
    seq_arr = jnp.full((_L,), seq_len, dtype=jnp.int32)
    return _make_gather(n_rows, d_model)(seq_arr, table)

# --- scband reference (transcript-rebuilt; emitter-appended) ---
"""Pipeline reference for scband-positional-embedding-5970004541620 (READ-ONLY COPY).

The authoritative reference and input builder live on the scoring server;
editing this copy changes nothing except your own understanding.
"""

import jax, jax.numpy as jnp
import numpy as np

BLOCK_SIZE = 8192
D_MODEL = 1024

def setup_inputs(seed: int = 0) -> dict:
    key = jax.random.key(seed)
    table = jax.random.normal(key, (BLOCK_SIZE, D_MODEL), dtype=jnp.float32)
    return {"seq_len": 8192, "table": table}

def reference(seq_len, table):
    positions = jnp.arange(table.shape[0]) % seq_len
    return jnp.take(table, positions, axis=0)

if __name__ == "__main__":
    import jax
    _d = setup_inputs()
    print(jax.jit(kernel)(*tuple(_d.values())))

</pallas_src>

<mosaic_0001>
#map = affine_map<(d0, d1) -> (0)>
#map1 = affine_map<(d0, d1) -> (0, 0)>
module attributes {stable_mosaic.version = 14 : i64} {
  func.func @k(%arg0: i32, %arg1: i32, %arg2: memref<16xi32, #tpu.memory_space<hbm>>, %arg3: memref<8192x1024xf32, #tpu.memory_space<hbm>>, %arg4: memref<8192x1024xf32, #tpu.memory_space<hbm>>, %arg5: memref<16xi32, #tpu.memory_space<vmem>>, %arg6: memref<32xi32, #tpu.memory_space<vmem>>, %arg7: memref<32xi32, #tpu.memory_space<vmem>>, %arg8: memref<2x56x1024xf32, #tpu.memory_space<vmem>>, %arg9: memref<!tpu.dma_semaphore, #tpu.memory_space<semaphore_mem>>) attributes {dimension_semantics = [#tpu.dimension_semantics<core_parallel>, #tpu.dimension_semantics<subcore_parallel>], iteration_bounds = array<i64: 2, 16>, scalar_prefetch = 0 : i64, scratch_operands = 5 : i64, tpu.core_type = #tpu.core_type<sc_vector_subcore>, window_params = [{transform_indices = #map}, {transform_indices = #map1}, {transform_indices = #map1}]} {
    %mul3A = arith.constant 2 : i32
    %mul3A_0 = arith.muli %arg1, %mul3A : i32
    %add3A = arith.addi %mul3A_0, %arg0 : i32
    %mul3A_1 = arith.constant 256 : i32
    %mul3A_2 = arith.muli %add3A, %mul3A_1 : i32
    "tpu.region"() ({
      %run_scoped3A = tpu.sem_alloc : memref<!tpu.dma_semaphore, #tpu.memory_space<semaphore_mem>>
      tpu.enqueue_dma source(%arg2 : memref<16xi32, #tpu.memory_space<hbm>>) target(%arg5 : memref<16xi32, #tpu.memory_space<vmem>>) target_semaphore(%run_scoped3A : memref<!tpu.dma_semaphore, #tpu.memory_space<semaphore_mem>>)
      tpu.wait_dma2 semaphore(%run_scoped3A : memref<!tpu.dma_semaphore, #tpu.memory_space<semaphore_mem>>) src(%arg2 : memref<16xi32, #tpu.memory_space<hbm>>) dst(%arg5 : memref<16xi32, #tpu.memory_space<vmem>>)
      tpu.yield
    }) : () -> ()
    %get3A = arith.constant 0 : index
    %get3A_3 = tpu.vector_load %arg5[%get3A] {strides = array<i32>} : memref<16xi32, #tpu.memory_space<vmem>>, vector<16xi32>,
    %get3A_4 = vector.shape_cast %get3A_3 : vector<16xi32> to vector<16xi32>
    %slice3A = vector.extract_strided_slice %get3A_4 {offsets = [0], sizes = [1], strides = [1]} : vector<16xi32> to vector<1xi32>
    %squeeze3A = vector.extract %slice3A[0] : i32 from vector<1xi32>
    %rem3A = arith.remsi %mul3A_2, %squeeze3A : i32
    %add3A_5 = arith.constant 256 : i32
    %add3A_6 = arith.addi %rem3A, %add3A_5 : i32
    %le3A = arith.cmpi sle, %add3A_6, %squeeze3A : i32
    %rem3A_7 = arith.constant 8 : i32
    %rem3A_8 = arith.remsi %rem3A, %rem3A_7 : i32
    %eq3A = arith.constant 0 : i32
    %eq3A_9 = arith.cmpi eq, %rem3A_8, %eq3A : i32
    %and3A = arith.andi %le3A, %eq3A_9 : i1
    %convert_element_type3A = arith.extui %and3A : i1 to i32
    %cond3A = arith.constant 0 : i32
    %cond3A_10 = arith.cmpi ne, %convert_element_type3A, %cond3A : i32
    scf.if %cond3A_10 {
      %multiple_of3A = tpu.assume_multiple %rem3A, 8 : i32
      %add3A_15 = arith.constant 0 : i32
      %add3A_16 = arith.addi %multiple_of3A, %add3A_15 : i32
      %dma_start3A = arith.constant 0 : i32
      %dma_start3A_17 = arith.constant 0 : i32
      %dma_start3A_18 = arith.constant 0 : i32
      %dma_start3A_19 = tpu.memref_slice %arg8[%dma_start3A, %dma_start3A_17, %dma_start3A_18] : memref<2x56x1024xf32, #tpu.memory_space<vmem>> -> memref<1x56x1024xf32, #tpu.memory_space<vmem>>
      %dma_start3A_20 = tpu.memref_squeeze %dma_start3A_19 : memref<1x56x1024xf32, #tpu.memory_space<vmem>> -> memref<56x1024xf32, #tpu.memory_space<vmem>>
      %dma_start3A_21 = arith.constant 0 : i32
      %dma_start3A_22 = tpu.memref_slice %arg3[%add3A_16, %dma_start3A_21] : memref<8192x1024xf32, #tpu.memory_space<hbm>> -> memref<56x1024xf32, #tpu.memory_space<hbm>>
      %dma_start3A_23 = arith.constant 0 : i32
      %dma_start3A_24 = arith.constant 0 : i32
      %dma_start3A_25 = tpu.memref_slice %arg8[%dma_start3A, %dma_start3A_23, %dma_start3A_24] : memref<2x56x1024xf32, #tpu.memory_space<vmem>> -> memref<1x56x1024xf32, #tpu.memory_space<vmem>>
      %dma_start3A_26 = tpu.memref_squeeze %dma_start3A_25 : memref<1x56x1024xf32, #tpu.memory_space<vmem>> -> memref<56x1024xf32, #tpu.memory_space<vmem>>
      %dma_start3A_27 = arith.constant 0 : i32
      %dma_start3A_28 = tpu.memref_slice %arg3[%add3A_16, %dma_start3A_27] : memref<8192x1024xf32, #tpu.memory_space<hbm>> -> memref<56x1024xf32, #tpu.memory_space<hbm>>
      tpu.enqueue_dma source(%dma_start3A_28 : memref<56x1024xf32, #tpu.memory_space<hbm>>) target(%dma_start3A_26 : memref<56x1024xf32, #tpu.memory_space<vmem>>) target_semaphore(%arg9 : memref<!tpu.dma_semaphore, #tpu.memory_space<semaphore_mem>>)
      %add3A_29 = arith.constant 56 : i32
      %add3A_30 = arith.addi %multiple_of3A, %add3A_29 : i32
      %dma_start3A_31 = arith.constant 1 : i32
      %dma_start3A_32 = arith.constant 0 : i32
      %dma_start3A_33 = arith.constant 0 : i32
      %dma_start3A_34 = tpu.memref_slice %arg8[%dma_start3A_31, %dma_start3A_32, %dma_start3A_33] : memref<2x56x1024xf32, #tpu.memory_space<vmem>> -> memref<1x56x1024xf32, #tpu.memory_space<vmem>>
      %dma_start3A_35 = tpu.memref_squeeze %dma_start3A_34 : memref<1x56x1024xf32, #tpu.memory_space<vmem>> -> memref<56x1024xf32, #tpu.memory_space<vmem>>
      %dma_start3A_36 = arith.constant 0 : i32
      %dma_start3A_37 = tpu.memref_slice %arg3[%add3A_30, %dma_start3A_36] : memref<8192x1024xf32, #tpu.memory_space<hbm>> -> memref<56x1024xf32, #tpu.memory_space<hbm>>
      %dma_start3A_38 = arith.constant 0 : i32
      %dma_start3A_39 = arith.constant 0 : i32
      %dma_start3A_40 = tpu.memref_slice %arg8[%dma_start3A_31, %dma_start3A_38, %dma_start3A_39] : memref<2x56x1024xf32, #tpu.memory_space<vmem>> -> memref<1x56x1024xf32, #tpu.memory_space<vmem>>
      %dma_start3A_41 = tpu.memref_squeeze %dma_start3A_40 : memref<1x56x1024xf32, #tpu.memory_space<vmem>> -> memref<56x1024xf32, #tpu.memory_space<vmem>>
      %dma_start3A_42 = arith.constant 0 : i32
      %dma_start3A_43 = tpu.memref_slice %arg3[%add3A_30, %dma_start3A_42] : memref<8192x1024xf32, #tpu.memory_space<hbm>> -> memref<56x1024xf32, #tpu.memory_space<hbm>>
      tpu.enqueue_dma source(%dma_start3A_43 : memref<56x1024xf32, #tpu.memory_space<hbm>>) target(%dma_start3A_41 : memref<56x1024xf32, #tpu.memory_space<vmem>>) target_semaphore(%arg9 : memref<!tpu.dma_semaphore, #tpu.memory_space<semaphore_mem>>)
      %dma_wait3A = arith.constant 0 : i32
      %dma_wait3A_44 = arith.constant 0 : i32
      %dma_wait3A_45 = arith.constant 0 : i32
      %dma_wait3A_46 = tpu.memref_slice %arg8[%dma_wait3A, %dma_wait3A_44, %dma_wait3A_45] : memref<2x56x1024xf32, #tpu.memory_space<vmem>> -> memref<1x56x1024xf32, #tpu.memory_space<vmem>>
      %dma_wait3A_47 = tpu.memref_squeeze %dma_wait3A_46 : memref<1x56x1024xf32, #tpu.memory_space<vmem>> -> memref<56x1024xf32, #tpu.memory_space<vmem>>
      %dma_wait3A_48 = arith.constant 0 : i32
      %dma_wait3A_49 = tpu.memref_slice %arg3[%add3A_16, %dma_wait3A_48] : memref<8192x1024xf32, #tpu.memory_space<hbm>> -> memref<56x1024xf32, #tpu.memory_space<hbm>>
      %dma_wait3A_50 = arith.constant 0 : i32
      %dma_wait3A_51 = arith.constant 0 : i32
      %dma_wait3A_52 = tpu.memref_slice %arg8[%dma_wait3A, %dma_wait3A_50, %dma_wait3A_51] : memref<2x56x1024xf32, #tpu.memory_space<vmem>> -> memref<1x56x1024xf32, #tpu.memory_space<vmem>>
      %dma_wait3A_53 = tpu.memref_squeeze %dma_wait3A_52 : memref<1x56x1024xf32, #tpu.memory_space<vmem>> -> memref<56x1024xf32, #tpu.memory_space<vmem>>
      %dma_wait3A_54 = arith.constant 0 : i32
      %dma_wait3A_55 = tpu.memref_slice %arg3[%add3A_16, %dma_wait3A_54] : memref<8192x1024xf32, #tpu.memory_space<hbm>> -> memref<56x1024xf32, #tpu.memory_space<hbm>>
      tpu.wait_dma2 semaphore(%arg9 : memref<!tpu.dma_semaphore, #tpu.memory_space<semaphore_mem>>) src(%dma_wait3A_55 : memref<56x1024xf32, #tpu.memory_space<hbm>>) dst(%dma_wait3A_53 : memref<56x1024xf32, #tpu.memory_space<vmem>>)
      %add3A_56 = arith.constant 0 : i32
      %add3A_57 = arith.addi %mul3A_2, %add3A_56 : i32
      %run_scoped3A = arith.constant 0 : i32
      "tpu.region"() ({
        %run_scoped3A_167 = tpu.sem_alloc : memref<!tpu.dma_semaphore, #tpu.memory_space<semaphore_mem>>
        %dma_start3A_168 = arith.constant 0 : i32
        %dma_start3A_169 = arith.constant 0 : i32
        %dma_start3A_170 = tpu.memref_slice %arg8[%run_scoped3A, %dma_start3A_168, %dma_start3A_169] : memref<2x56x1024xf32, #tpu.memory_space<vmem>> -> memref<1x56x1024xf32, #tpu.memory_space<vmem>>
        %dma_start3A_171 = tpu.memref_squeeze %dma_start3A_170 : memref<1x56x1024xf32, #tpu.memory_space<vmem>> -> memref<56x1024xf32, #tpu.memory_space<vmem>>
        %dma_start3A_172 = arith.constant 0 : i32
        %dma_start3A_173 = tpu.memref_slice %arg4[%add3A_57, %dma_start3A_172] : memref<8192x1024xf32, #tpu.memory_space<hbm>> -> memref<56x1024xf32, #tpu.memory_space<hbm>>
        %dma_start3A_174 = arith.constant 0 : i32
        %dma_start3A_175 = tpu.memref_slice %arg4[%add3A_57, %dma_start3A_174] : memref<8192x1024xf32, #tpu.memory_space<hbm>> -> memref<56x1024xf32, #tpu.memory_space<hbm>>
        %dma_start3A_176 = arith.constant 0 : i32
        %dma_start3A_177 = arith.constant 0 : i32
        %dma_start3A_178 = tpu.memref_slice %arg8[%run_scoped3A, %dma_start3A_176, %dma_start3A_177] : memref<2x56x1024xf32, #tpu.memory_space<vmem>> -> memref<1x56x1024xf32, #tpu.memory_space<vmem>>
        %dma_start3A_179 = tpu.memref_squeeze %dma_start3A_178 : memref<1x56x1024xf32, #tpu.memory_space<vmem>> -> memref<56x1024xf32, #tpu.memory_space<vmem>>
        tpu.enqueue_dma source(%dma_start3A_179 : memref<56x1024xf32, #tpu.memory_space<vmem>>) target(%dma_start3A_175 : memref<56x1024xf32, #tpu.memory_space<hbm>>) target_semaphore(%run_scoped3A_167 : memref<!tpu.dma_semaphore, #tpu.memory_space<semaphore_mem>>)
        %dma_wait3A_180 = arith.constant 0 : i32
        %dma_wait3A_181 = arith.constant 0 : i32
        %dma_wait3A_182 = tpu.memref_slice %arg8[%run_scoped3A, %dma_wait3A_180, %dma_wait3A_181] : memref<2x56x1024xf32, #tpu.memory_space<vmem>> -> memref<1x56x1024xf32, #tpu.memory_space<vmem>>
        %dma_wait3A_183 = tpu.memref_squeeze %dma_wait3A_182 : memref<1x56x1024xf32, #tpu.memory_space<vmem>> -> memref<56x1024xf32, #tpu.memory_space<vmem>>
        %dma_wait3A_184 = arith.constant 0 : i32
        %dma_wait3A_185 = tpu.memref_slice %arg4[%add3A_57, %dma_wait3A_184] : memref<8192x1024xf32, #tpu.memory_space<hbm>> -> memref<56x1024xf32, #tpu.memory_space<hbm>>
        %dma_wait3A_186 = arith.constant 0 : i32
        %dma_wait3A_187 = tpu.memref_slice %arg4[%add3A_57, %dma_wait3A_186] : memref<8192x1024xf32, #tpu.memory_space<hbm>> -> memref<56x1024xf32, #tpu.memory_space<hbm>>
        %dma_wait3A_188 = arith.constant 0 : i32
        %dma_wait3A_189 = arith.constant 0 : i32
        %dma_wait3A_190 = tpu.memref_slice %arg8[%run_scoped3A, %dma_wait3A_188, %dma_wait3A_189] : memref<2x56x1024xf32, #tpu.memory_space<vmem>> -> memref<1x56x1024xf32, #tpu.memory_space<vmem>>
        %dma_wait3A_191 = tpu.memref_squeeze %dma_wait3A_190 : memref<1x56x1024xf32, #tpu.memory_space<vmem>> -> memref<56x1024xf32, #tpu.memory_space<vmem>>
        tpu.wait_dma2 semaphore(%run_scoped3A_167 : memref<!tpu.dma_semaphore, #tpu.memory_space<semaphore_mem>>) src(%dma_wait3A_191 : memref<56x1024xf32, #tpu.memory_space<vmem>>) dst(%dma_wait3A_187 : memref<56x1024xf32, #tpu.memory_space<hbm>>)
        tpu.yield
      }) : () -> ()
      %add3A_58 = arith.constant 112 : i32
      %add3A_59 = arith.addi %multiple_of3A, %add3A_58 : i32
      %dma_start3A_60 = arith.constant 0 : i32
      %dma_start3A_61 = arith.constant 0 : i32
      %dma_start3A_62 = arith.constant 0 : i32
      %dma_start3A_63 = tpu.memref_slice %arg8[%dma_start3A_60, %dma_start3A_61, %dma_start3A_62] : memref<2x56x1024xf32, #tpu.memory_space<vmem>> -> memref<1x56x1024xf32, #tpu.memory_space<vmem>>
      %dma_start3A_64 = tpu.memref_squeeze %dma_start3A_63 : memref<1x56x1024xf32, #tpu.memory_space<vmem>> -> memref<56x1024xf32, #tpu.memory_space<vmem>>
      %dma_start3A_65 = arith.constant 0 : i32
      %dma_start3A_66 = tpu.memref_slice %arg3[%add3A_59, %dma_start3A_65] : memref<8192x1024xf32, #tpu.memory_space<hbm>> -> memref<56x1024xf32, #tpu.memory_space<hbm>>
      %dma_start3A_67 = arith.constant 0 : i32
      %dma_start3A_68 = arith.constant 0 : i32
      %dma_start3A_69 = tpu.memref_slice %arg8[%dma_start3A_60, %dma_start3A_67, %dma_start3A_68] : memref<2x56x1024xf32, #tpu.memory_space<vmem>> -> memref<1x56x1024xf32, #tpu.memory_space<vmem>>
      %dma_start3A_70 = tpu.memref_squeeze %dma_start3A_69 : memref<1x56x1024xf32, #tpu.memory_space<vmem>> -> memref<56x1024xf32, #tpu.memory_space<vmem>>
      %dma_start3A_71 = arith.constant 0 : i32
      %dma_start3A_72 = tpu.memref_slice %arg3[%add3A_59, %dma_start3A_71] : memref<8192x1024xf32, #tpu.memory_space<hbm>> -> memref<56x1024xf32, #tpu.memory_space<hbm>>
      tpu.enqueue_dma source(%dma_start3A_72 : memref<56x1024xf32, #tpu.memory_space<hbm>>) target(%dma_start3A_70 : memref<56x1024xf32, #tpu.memory_space<vmem>>) target_semaphore(%arg9 : memref<!tpu.dma_semaphore, #tpu.memory_space<semaphore_mem>>)
      %dma_wait3A_73 = arith.constant 1 : i32
      %dma_wait3A_74 = arith.constant 0 : i32
      %dma_wait3A_75 = arith.constant 0 : i32
      %dma_wait3A_76 = tpu.memref_slice %arg8[%dma_wait3A_73, %dma_wait3A_74, %dma_wait3A_75] : memref<2x56x1024xf32, #tpu.memory_space<vmem>> -> memref<1x56x1024xf32, #tpu.memory_space<vmem>>
      %dma_wait3A_77 = tpu.memref_squeeze %dma_wait3A_76 : memref<1x56x1024xf32, #tpu.memory_space<vmem>> -> memref<56x1024xf32, #tpu.memory_space<vmem>>
      %dma_wait3A_78 = arith.constant 0 : i32
      %dma_wait3A_79 = tpu.memref_slice %arg3[%add3A_30, %dma_wait3A_78] : memref<8192x1024xf32, #tpu.memory_space<hbm>> -> memref<56x1024xf32, #tpu.memory_space<hbm>>
      %dma_wait3A_80 = arith.constant 0 : i32
      %dma_wait3A_81 = arith.constant 0 : i32
      %dma_wait3A_82 = tpu.memref_slice %arg8[%dma_wait3A_73, %dma_wait3A_80, %dma_wait3A_81] : memref<2x56x1024xf32, #tpu.memory_space<vmem>> -> memref<1x56x1024xf32, #tpu.memory_space<vmem>>
      %dma_wait3A_83 = tpu.memref_squeeze %dma_wait3A_82 : memref<1x56x1024xf32, #tpu.memory_space<vmem>> -> memref<56x1024xf32, #tpu.memory_space<vmem>>
      %dma_wait3A_84 = arith.constant 0 : i32
      %dma_wait3A_85 = tpu.memref_slice %arg3[%add3A_30, %dma_wait3A_84] : memref<8192x1024xf32, #tpu.memory_space<hbm>> -> memref<56x1024xf32, #tpu.memory_space<hbm>>
      tpu.wait_dma2 semaphore(%arg9 : memref<!tpu.dma_semaphore, #tpu.memory_space<semaphore_mem>>) src(%dma_wait3A_85 : memref<56x1024xf32, #tpu.memory_space<hbm>>) dst(%dma_wait3A_83 : memref<56x1024xf32, #tpu.memory_space<vmem>>)
      %add3A_86 = arith.constant 56 : i32
      %add3A_87 = arith.addi %mul3A_2, %add3A_86 : i32
      %run_scoped3A_88 = arith.constant 1 : i32
      "tpu.region"() ({
        %run_scoped3A_167 = tpu.sem_alloc : memref<!tpu.dma_semaphore, #tpu.memory_space<semaphore_mem>>
        %dma_start3A_168 = arith.constant 0 : i32
        %dma_start3A_169 = arith.constant 0 : i32
        %dma_start3A_170 = tpu.memref_slice %arg8[%run_scoped3A_88, %dma_start3A_168, %dma_start3A_169] : memref<2x56x1024xf32, #tpu.memory_space<vmem>> -> memref<1x56x1024xf32, #tpu.memory_space<vmem>>
        %dma_start3A_171 = tpu.memref_squeeze %dma_start3A_170 : memref<1x56x1024xf32, #tpu.memory_space<vmem>> -> memref<56x1024xf32, #tpu.memory_space<vmem>>
        %dma_start3A_172 = arith.constant 0 : i32
        %dma_start3A_173 = tpu.memref_slice %arg4[%add3A_87, %dma_start3A_172] : memref<8192x1024xf32, #tpu.memory_space<hbm>> -> memref<56x1024xf32, #tpu.memory_space<hbm>>
        %dma_start3A_174 = arith.constant 0 : i32
        %dma_start3A_175 = tpu.memref_slice %arg4[%add3A_87, %dma_start3A_174] : memref<8192x1024xf32, #tpu.memory_space<hbm>> -> memref<56x1024xf32, #tpu.memory_space<hbm>>
        %dma_start3A_176 = arith.constant 0 : i32
        %dma_start3A_177 = arith.constant 0 : i32
        %dma_start3A_178 = tpu.memref_slice %arg8[%run_scoped3A_88, %dma_start3A_176, %dma_start3A_177] : memref<2x56x1024xf32, #tpu.memory_space<vmem>> -> memref<1x56x1024xf32, #tpu.memory_space<vmem>>
        %dma_start3A_179 = tpu.memref_squeeze %dma_start3A_178 : memref<1x56x1024xf32, #tpu.memory_space<vmem>> -> memref<56x1024xf32, #tpu.memory_space<vmem>>
        tpu.enqueue_dma source(%dma_start3A_179 : memref<56x1024xf32, #tpu.memory_space<vmem>>) target(%dma_start3A_175 : memref<56x1024xf32, #tpu.memory_space<hbm>>) target_semaphore(%run_scoped3A_167 : memref<!tpu.dma_semaphore, #tpu.memory_space<semaphore_mem>>)
        %dma_wait3A_180 = arith.constant 0 : i32
        %dma_wait3A_181 = arith.constant 0 : i32
        %dma_wait3A_182 = tpu.memref_slice %arg8[%run_scoped3A_88, %dma_wait3A_180, %dma_wait3A_181] : memref<2x56x1024xf32, #tpu.memory_space<vmem>> -> memref<1x56x1024xf32, #tpu.memory_space<vmem>>
        %dma_wait3A_183 = tpu.memref_squeeze %dma_wait3A_182 : memref<1x56x1024xf32, #tpu.memory_space<vmem>> -> memref<56x1024xf32, #tpu.memory_space<vmem>>
        %dma_wait3A_184 = arith.constant 0 : i32
        %dma_wait3A_185 = tpu.memref_slice %arg4[%add3A_87, %dma_wait3A_184] : memref<8192x1024xf32, #tpu.memory_space<hbm>> -> memref<56x1024xf32, #tpu.memory_space<hbm>>
        %dma_wait3A_186 = arith.constant 0 : i32
        %dma_wait3A_187 = tpu.memref_slice %arg4[%add3A_87, %dma_wait3A_186] : memref<8192x1024xf32, #tpu.memory_space<hbm>> -> memref<56x1024xf32, #tpu.memory_space<hbm>>
        %dma_wait3A_188 = arith.constant 0 : i32
        %dma_wait3A_189 = arith.constant 0 : i32
        %dma_wait3A_190 = tpu.memref_slice %arg8[%run_scoped3A_88, %dma_wait3A_188, %dma_wait3A_189] : memref<2x56x1024xf32, #tpu.memory_space<vmem>> -> memref<1x56x1024xf32, #tpu.memory_space<vmem>>
        %dma_wait3A_191 = tpu.memref_squeeze %dma_wait3A_190 : memref<1x56x1024xf32, #tpu.memory_space<vmem>> -> memref<56x1024xf32, #tpu.memory_space<vmem>>
        tpu.wait_dma2 semaphore(%run_scoped3A_167 : memref<!tpu.dma_semaphore, #tpu.memory_space<semaphore_mem>>) src(%dma_wait3A_191 : memref<56x1024xf32, #tpu.memory_space<vmem>>) dst(%dma_wait3A_187 : memref<56x1024xf32, #tpu.memory_space<hbm>>)
        tpu.yield
      }) : () -> ()
      %add3A_89 = arith.constant 168 : i32
      %add3A_90 = arith.addi %multiple_of3A, %add3A_89 : i32
      %dma_start3A_91 = arith.constant 1 : i32
      %dma_start3A_92 = arith.constant 0 : i32
      %dma_start3A_93 = arith.constant 0 : i32
      %dma_start3A_94 = tpu.memref_slice %arg8[%dma_start3A_91, %dma_start3A_92, %dma_start3A_93] : memref<2x56x1024xf32, #tpu.memory_space<vmem>> -> memref<1x56x1024xf32, #tpu.memory_space<vmem>>
      %dma_start3A_95 = tpu.memref_squeeze %dma_start3A_94 : memref<1x56x1024xf32, #tpu.memory_space<vmem>> -> memref<56x1024xf32, #tpu.memory_space<vmem>>
      %dma_start3A_96 = arith.constant 0 : i32
      %dma_start3A_97 = tpu.memref_slice %arg3[%add3A_90, %dma_start3A_96] : memref<8192x1024xf32, #tpu.memory_space<hbm>> -> memref<56x1024xf32, #tpu.memory_space<hbm>>
      %dma_start3A_98 = arith.constant 0 : i32
      %dma_start3A_99 = arith.constant 0 : i32
      %dma_start3A_100 = tpu.memref_slice %arg8[%dma_start3A_91, %dma_start3A_98, %dma_start3A_99] : memref<2x56x1024xf32, #tpu.memory_space<vmem>> -> memref<1x56x1024xf32, #tpu.memory_space<vmem>>
      %dma_start3A_101 = tpu.memref_squeeze %dma_start3A_100 : memref<1x56x1024xf32, #tpu.memory_space<vmem>> -> memref<56x1024xf32, #tpu.memory_space<vmem>>
      %dma_start3A_102 = arith.constant 0 : i32
      %dma_start3A_103 = tpu.memref_slice %arg3[%add3A_90, %dma_start3A_102] : memref<8192x1024xf32, #tpu.memory_space<hbm>> -> memref<56x1024xf32, #tpu.memory_space<hbm>>
      tpu.enqueue_dma source(%dma_start3A_103 : memref<56x1024xf32, #tpu.memory_space<hbm>>) target(%dma_start3A_101 : memref<56x1024xf32, #tpu.memory_space<vmem>>) target_semaphore(%arg9 : memref<!tpu.dma_semaphore, #tpu.memory_space<semaphore_mem>>)
      %dma_wait3A_104 = arith.constant 0 : i32
      %dma_wait3A_105 = arith.constant 0 : i32
      %dma_wait3A_106 = arith.constant 0 : i32
      %dma_wait3A_107 = tpu.memref_slice %arg8[%dma_wait3A_104, %dma_wait3A_105, %dma_wait3A_106] : memref<2x56x1024xf32, #tpu.memory_space<vmem>> -> memref<1x56x1024xf32, #tpu.memory_space<vmem>>
      %dma_wait3A_108 = tpu.memref_squeeze %dma_wait3A_107 : memref<1x56x1024xf32, #tpu.memory_space<vmem>> -> memref<56x1024xf32, #tpu.memory_space<vmem>>
      %dma_wait3A_109 = arith.constant 0 : i32
      %dma_wait3A_110 = tpu.memref_slice %arg3[%add3A_59, %dma_wait3A_109] : memref<8192x1024xf32, #tpu.memory_space<hbm>> -> memref<56x1024xf32, #tpu.memory_space<hbm>>
      %dma_wait3A_111 = arith.constant 0 : i32
      %dma_wait3A_112 = arith.constant 0 : i32
      %dma_wait3A_113 = tpu.memref_slice %arg8[%dma_wait3A_104, %dma_wait3A_111, %dma_wait3A_112] : memref<2x56x1024xf32, #tpu.memory_space<vmem>> -> memref<1x56x1024xf32, #tpu.memory_space<vmem>>
      %dma_wait3A_114 = tpu.memref_squeeze %dma_wait3A_113 : memref<1x56x1024xf32, #tpu.memory_space<vmem>> -> memref<56x1024xf32, #tpu.memory_space<vmem>>
      %dma_wait3A_115 = arith.constant 0 : i32
      %dma_wait3A_116 = tpu.memref_slice %arg3[%add3A_59, %dma_wait3A_115] : memref<8192x1024xf32, #tpu.memory_space<hbm>> -> memref<56x1024xf32, #tpu.memory_space<hbm>>
      tpu.wait_dma2 semaphore(%arg9 : memref<!tpu.dma_semaphore, #tpu.memory_space<semaphore_mem>>) src(%dma_wait3A_116 : memref<56x1024xf32, #tpu.memory_space<hbm>>) dst(%dma_wait3A_114 : memref<56x1024xf32, #tpu.memory_space<vmem>>)
      %add3A_117 = arith.constant 112 : i32
      %add3A_118 = arith.addi %mul3A_2, %add3A_117 : i32
      %run_scoped3A_119 = arith.constant 0 : i32
      "tpu.region"() ({
        %run_scoped3A_167 = tpu.sem_alloc : memref<!tpu.dma_semaphore, #tpu.memory_space<semaphore_mem>>
        %dma_start3A_168 = arith.constant 0 : i32
        %dma_start3A_169 = arith.constant 0 : i32
        %dma_start3A_170 = tpu.memref_slice %arg8[%run_scoped3A_119, %dma_start3A_168, %dma_start3A_169] : memref<2x56x1024xf32, #tpu.memory_space<vmem>> -> memref<1x56x1024xf32, #tpu.memory_space<vmem>>
        %dma_start3A_171 = tpu.memref_squeeze %dma_start3A_170 : memref<1x56x1024xf32, #tpu.memory_space<vmem>> -> memref<56x1024xf32, #tpu.memory_space<vmem>>
        %dma_start3A_172 = arith.constant 0 : i32
        %dma_start3A_173 = tpu.memref_slice %arg4[%add3A_118, %dma_start3A_172] : memref<8192x1024xf32, #tpu.memory_space<hbm>> -> memref<56x1024xf32, #tpu.memory_space<hbm>>
        %dma_start3A_174 = arith.constant 0 : i32
        %dma_start3A_175 = tpu.memref_slice %arg4[%add3A_118, %dma_start3A_174] : memref<8192x1024xf32, #tpu.memory_space<hbm>> -> memref<56x1024xf32, #tpu.memory_space<hbm>>
        %dma_start3A_176 = arith.constant 0 : i32
        %dma_start3A_177 = arith.constant 0 : i32
        %dma_start3A_178 = tpu.memref_slice %arg8[%run_scoped3A_119, %dma_start3A_176, %dma_start3A_177] : memref<2x56x1024xf32, #tpu.memory_space<vmem>> -> memref<1x56x1024xf32, #tpu.memory_space<vmem>>
        %dma_start3A_179 = tpu.memref_squeeze %dma_start3A_178 : memref<1x56x1024xf32, #tpu.memory_space<vmem>> -> memref<56x1024xf32, #tpu.memory_space<vmem>>
        tpu.enqueue_dma source(%dma_start3A_179 : memref<56x1024xf32, #tpu.memory_space<vmem>>) target(%dma_start3A_175 : memref<56x1024xf32, #tpu.memory_space<hbm>>) target_semaphore(%run_scoped3A_167 : memref<!tpu.dma_semaphore, #tpu.memory_space<semaphore_mem>>)
        %dma_wait3A_180 = arith.constant 0 : i32
        %dma_wait3A_181 = arith.constant 0 : i32
        %dma_wait3A_182 = tpu.memref_slice %arg8[%run_scoped3A_119, %dma_wait3A_180, %dma_wait3A_181] : memref<2x56x1024xf32, #tpu.memory_space<vmem>> -> memref<1x56x1024xf32, #tpu.memory_space<vmem>>
        %dma_wait3A_183 = tpu.memref_squeeze %dma_wait3A_182 : memref<1x56x1024xf32, #tpu.memory_space<vmem>> -> memref<56x1024xf32, #tpu.memory_space<vmem>>
        %dma_wait3A_184 = arith.constant 0 : i32
        %dma_wait3A_185 = tpu.memref_slice %arg4[%add3A_118, %dma_wait3A_184] : memref<8192x1024xf32, #tpu.memory_space<hbm>> -> memref<56x1024xf32, #tpu.memory_space<hbm>>
        %dma_wait3A_186 = arith.constant 0 : i32
        %dma_wait3A_187 = tpu.memref_slice %arg4[%add3A_118, %dma_wait3A_186] : memref<8192x1024xf32, #tpu.memory_space<hbm>> -> memref<56x1024xf32, #tpu.memory_space<hbm>>
        %dma_wait3A_188 = arith.constant 0 : i32
        %dma_wait3A_189 = arith.constant 0 : i32
        %dma_wait3A_190 = tpu.memref_slice %arg8[%run_scoped3A_119, %dma_wait3A_188, %dma_wait3A_189] : memref<2x56x1024xf32, #tpu.memory_space<vmem>> -> memref<1x56x1024xf32, #tpu.memory_space<vmem>>
        %dma_wait3A_191 = tpu.memref_squeeze %dma_wait3A_190 : memref<1x56x1024xf32, #tpu.memory_space<vmem>> -> memref<56x1024xf32, #tpu.memory_space<vmem>>
        tpu.wait_dma2 semaphore(%run_scoped3A_167 : memref<!tpu.dma_semaphore, #tpu.memory_space<semaphore_mem>>) src(%dma_wait3A_191 : memref<56x1024xf32, #tpu.memory_space<vmem>>) dst(%dma_wait3A_187 : memref<56x1024xf32, #tpu.memory_space<hbm>>)
        tpu.yield
      }) : () -> ()
      %add3A_120 = arith.constant 224 : i32
      %add3A_121 = arith.addi %multiple_of3A, %add3A_120 : i32
      %dma_start3A_122 = arith.constant 0 : i32
      %dma_start3A_123 = arith.constant 0 : i32
      %dma_start3A_124 = arith.constant 0 : i32
      %dma_start3A_125 = tpu.memref_slice %arg8[%dma_start3A_122, %dma_start3A_123, %dma_start3A_124] : memref<2x56x1024xf32, #tpu.memory_space<vmem>> -> memref<1x32x1024xf32, #tpu.memory_space<vmem>>
      %dma_start3A_126 = tpu.memref_squeeze %dma_start3A_125 : memref<1x32x1024xf32, #tpu.memory_space<vmem>> -> memref<32x1024xf32, #tpu.memory_space<vmem>>
      %dma_start3A_127 = arith.constant 0 : i32
      %dma_start3A_128 = tpu.memref_slice %arg3[%add3A_121, %dma_start3A_127] : memref<8192x1024xf32, #tpu.memory_space<hbm>> -> memref<32x1024xf32, #tpu.memory_space<hbm>>
      %dma_start3A_129 = arith.constant 0 : i32
      %dma_start3A_130 = arith.constant 0 : i32
      %dma_start3A_131 = tpu.memref_slice %arg8[%dma_start3A_122, %dma_start3A_129, %dma_start3A_130] : memref<2x56x1024xf32, #tpu.memory_space<vmem>> -> memref<1x32x1024xf32, #tpu.memory_space<vmem>>
      %dma_start3A_132 = tpu.memref_squeeze %dma_start3A_131 : memref<1x32x1024xf32, #tpu.memory_space<vmem>> -> memref<32x1024xf32, #tpu.memory_space<vmem>>
      %dma_start3A_133 = arith.constant 0 : i32
      %dma_start3A_134 = tpu.memref_slice %arg3[%add3A_121, %dma_start3A_133] : memref<8192x1024xf32, #tpu.memory_space<hbm>> -> memref<32x1024xf32, #tpu.memory_space<hbm>>
      tpu.enqueue_dma source(%dma_start3A_134 : memref<32x1024xf32, #tpu.memory_space<hbm>>) target(%dma_start3A_132 : memref<32x1024xf32, #tpu.memory_space<vmem>>) target_semaphore(%arg9 : memref<!tpu.dma_semaphore, #tpu.memory_space<semaphore_mem>>)
      %dma_wait3A_135 = arith.constant 1 : i32
      %dma_wait3A_136 = arith.constant 0 : i32
      %dma_wait3A_137 = arith.constant 0 : i32
      %dma_wait3A_138 = tpu.memref_slice %arg8[%dma_wait3A_135, %dma_wait3A_136, %dma_wait3A_137] : memref<2x56x1024xf32, #tpu.memory_space<vmem>> -> memref<1x56x1024xf32, #tpu.memory_space<vmem>>
      %dma_wait3A_139 = tpu.memref_squeeze %dma_wait3A_138 : memref<1x56x1024xf32, #tpu.memory_space<vmem>> -> memref<56x1024xf32, #tpu.memory_space<vmem>>
      %dma_wait3A_140 = arith.constant 0 : i32
      %dma_wait3A_141 = tpu.memref_slice %arg3[%add3A_90, %dma_wait3A_140] : memref<8192x1024xf32, #tpu.memory_space<hbm>> -> memref<56x1024xf32, #tpu.memory_space<hbm>>
      %dma_wait3A_142 = arith.constant 0 : i32
      %dma_wait3A_143 = arith.constant 0 : i32
      %dma_wait3A_144 = tpu.memref_slice %arg8[%dma_wait3A_135, %dma_wait3A_142, %dma_wait3A_143] : memref<2x56x1024xf32, #tpu.memory_space<vmem>> -> memref<1x56x1024xf32, #tpu.memory_space<vmem>>
      %dma_wait3A_145 = tpu.memref_squeeze %dma_wait3A_144 : memref<1x56x1024xf32, #tpu.memory_space<vmem>> -> memref<56x1024xf32, #tpu.memory_space<vmem>>
      %dma_wait3A_146 = arith.constant 0 : i32
      %dma_wait3A_147 = tpu.memref_slice %arg3[%add3A_90, %dma_wait3A_146] : memref<8192x1024xf32, #tpu.memory_space<hbm>> -> memref<56x1024xf32, #tpu.memory_space<hbm>>
      tpu.wait_dma2 semaphore(%arg9 : memref<!tpu.dma_semaphore, #tpu.memory_space<semaphore_mem>>) src(%dma_wait3A_147 : memref<56x1024xf32, #tpu.memory_space<hbm>>) dst(%dma_wait3A_145 : memref<56x1024xf32, #tpu.memory_space<vmem>>)
      %add3A_148 = arith.constant 168 : i32
      %add3A_149 = arith.addi %mul3A_2, %add3A_148 : i32
      %run_scoped3A_150 = arith.constant 1 : i32
      "tpu.region"() ({
        %run_scoped3A_167 = tpu.sem_alloc : memref<!tpu.dma_semaphore, #tpu.memory_space<semaphore_mem>>
        %dma_start3A_168 = arith.constant 0 : i32
        %dma_start3A_169 = arith.constant 0 : i32
        %dma_start3A_170 = tpu.memref_slice %arg8[%run_scoped3A_150, %dma_start3A_168, %dma_start3A_169] : memref<2x56x1024xf32, #tpu.memory_space<vmem>> -> memref<1x56x1024xf32, #tpu.memory_space<vmem>>
        %dma_start3A_171 = tpu.memref_squeeze %dma_start3A_170 : memref<1x56x1024xf32, #tpu.memory_space<vmem>> -> memref<56x1024xf32, #tpu.memory_space<vmem>>
        %dma_start3A_172 = arith.constant 0 : i32
        %dma_start3A_173 = tpu.memref_slice %arg4[%add3A_149, %dma_start3A_172] : memref<8192x1024xf32, #tpu.memory_space<hbm>> -> memref<56x1024xf32, #tpu.memory_space<hbm>>
        %dma_start3A_174 = arith.constant 0 : i32
        %dma_start3A_175 = tpu.memref_slice %arg4[%add3A_149, %dma_start3A_174] : memref<8192x1024xf32, #tpu.memory_space<hbm>> -> memref<56x1024xf32, #tpu.memory_space<hbm>>
        %dma_start3A_176 = arith.constant 0 : i32
        %dma_start3A_177 = arith.constant 0 : i32
        %dma_start3A_178 = tpu.memref_slice %arg8[%run_scoped3A_150, %dma_start3A_176, %dma_start3A_177] : memref<2x56x1024xf32, #tpu.memory_space<vmem>> -> memref<1x56x1024xf32, #tpu.memory_space<vmem>>
        %dma_start3A_179 = tpu.memref_squeeze %dma_start3A_178 : memref<1x56x1024xf32, #tpu.memory_space<vmem>> -> memref<56x1024xf32, #tpu.memory_space<vmem>>
        tpu.enqueue_dma source(%dma_start3A_179 : memref<56x1024xf32, #tpu.memory_space<vmem>>) target(%dma_start3A_175 : memref<56x1024xf32, #tpu.memory_space<hbm>>) target_semaphore(%run_scoped3A_167 : memref<!tpu.dma_semaphore, #tpu.memory_space<semaphore_mem>>)
        %dma_wait3A_180 = arith.constant 0 : i32
        %dma_wait3A_181 = arith.constant 0 : i32
        %dma_wait3A_182 = tpu.memref_slice %arg8[%run_scoped3A_150, %dma_wait3A_180, %dma_wait3A_181] : memref<2x56x1024xf32, #tpu.memory_space<vmem>> -> memref<1x56x1024xf32, #tpu.memory_space<vmem>>
        %dma_wait3A_183 = tpu.memref_squeeze %dma_wait3A_182 : memref<1x56x1024xf32, #tpu.memory_space<vmem>> -> memref<56x1024xf32, #tpu.memory_space<vmem>>
        %dma_wait3A_184 = arith.constant 0 : i32
        %dma_wait3A_185 = tpu.memref_slice %arg4[%add3A_149, %dma_wait3A_184] : memref<8192x1024xf32, #tpu.memory_space<hbm>> -> memref<56x1024xf32, #tpu.memory_space<hbm>>
        %dma_wait3A_186 = arith.constant 0 : i32
        %dma_wait3A_187 = tpu.memref_slice %arg4[%add3A_149, %dma_wait3A_186] : memref<8192x1024xf32, #tpu.memory_space<hbm>> -> memref<56x1024xf32, #tpu.memory_space<hbm>>
        %dma_wait3A_188 = arith.constant 0 : i32
        %dma_wait3A_189 = arith.constant 0 : i32
        %dma_wait3A_190 = tpu.memref_slice %arg8[%run_scoped3A_150, %dma_wait3A_188, %dma_wait3A_189] : memref<2x56x1024xf32, #tpu.memory_space<vmem>> -> memref<1x56x1024xf32, #tpu.memory_space<vmem>>
        %dma_wait3A_191 = tpu.memref_squeeze %dma_wait3A_190 : memref<1x56x1024xf32, #tpu.memory_space<vmem>> -> memref<56x1024xf32, #tpu.memory_space<vmem>>
        tpu.wait_dma2 semaphore(%run_scoped3A_167 : memref<!tpu.dma_semaphore, #tpu.memory_space<semaphore_mem>>) src(%dma_wait3A_191 : memref<56x1024xf32, #tpu.memory_space<vmem>>) dst(%dma_wait3A_187 : memref<56x1024xf32, #tpu.memory_space<hbm>>)
        tpu.yield
      }) : () -> ()
      %dma_wait3A_151 = arith.constant 0 : i32
      %dma_wait3A_152 = arith.constant 0 : i32
      %dma_wait3A_153 = arith.constant 0 : i32
      %dma_wait3A_154 = tpu.memref_slice %arg8[%dma_wait3A_151, %dma_wait3A_152, %dma_wait3A_153] : memref<2x56x1024xf32, #tpu.memory_space<vmem>> -> memref<1x32x1024xf32, #tpu.memory_space<vmem>>
      %dma_wait3A_155 = tpu.memref_squeeze %dma_wait3A_154 : memref<1x32x1024xf32, #tpu.memory_space<vmem>> -> memref<32x1024xf32, #tpu.memory_space<vmem>>
      %dma_wait3A_156 = arith.constant 0 : i32
      %dma_wait3A_157 = tpu.memref_slice %arg3[%add3A_121, %dma_wait3A_156] : memref<8192x1024xf32, #tpu.memory_space<hbm>> -> memref<32x1024xf32, #tpu.memory_space<hbm>>
      %dma_wait3A_158 = arith.constant 0 : i32
      %dma_wait3A_159 = arith.constant 0 : i32
      %dma_wait3A_160 = tpu.memref_slice %arg8[%dma_wait3A_151, %dma_wait3A_158, %dma_wait3A_159] : memref<2x56x1024xf32, #tpu.memory_space<vmem>> -> memref<1x32x1024xf32, #tpu.memory_space<vmem>>
      %dma_wait3A_161 = tpu.memref_squeeze %dma_wait3A_160 : memref<1x32x1024xf32, #tpu.memory_space<vmem>> -> memref<32x1024xf32, #tpu.memory_space<vmem>>
      %dma_wait3A_162 = arith.constant 0 : i32
      %dma_wait3A_163 = tpu.memref_slice %arg3[%add3A_121, %dma_wait3A_162] : memref<8192x1024xf32, #tpu.memory_space<hbm>> -> memref<32x1024xf32, #tpu.memory_space<hbm>>
      tpu.wait_dma2 semaphore(%arg9 : memref<!tpu.dma_semaphore, #tpu.memory_space<semaphore_mem>>) src(%dma_wait3A_163 : memref<32x1024xf32, #tpu.memory_space<hbm>>) dst(%dma_wait3A_161 : memref<32x1024xf32, #tpu.memory_space<vmem>>)
      %add3A_164 = arith.constant 224 : i32
      %add3A_165 = arith.addi %mul3A_2, %add3A_164 : i32
      %run_scoped3A_166 = arith.constant 0 : i32
      "tpu.region"() ({
        %run_scoped3A_167 = tpu.sem_alloc : memref<!tpu.dma_semaphore, #tpu.memory_space<semaphore_mem>>
        %dma_start3A_168 = arith.constant 0 : i32
        %dma_start3A_169 = arith.constant 0 : i32
        %dma_start3A_170 = tpu.memref_slice %arg8[%run_scoped3A_166, %dma_start3A_168, %dma_start3A_169] : memref<2x56x1024xf32, #tpu.memory_space<vmem>> -> memref<1x32x1024xf32, #tpu.memory_space<vmem>>
        %dma_start3A_171 = tpu.memref_squeeze %dma_start3A_170 : memref<1x32x1024xf32, #tpu.memory_space<vmem>> -> memref<32x1024xf32, #tpu.memory_space<vmem>>
        %dma_start3A_172 = arith.constant 0 : i32
        %dma_start3A_173 = tpu.memref_slice %arg4[%add3A_165, %dma_start3A_172] : memref<8192x1024xf32, #tpu.memory_space<hbm>> -> memref<32x1024xf32, #tpu.memory_space<hbm>>
        %dma_start3A_174 = arith.constant 0 : i32
        %dma_start3A_175 = tpu.memref_slice %arg4[%add3A_165, %dma_start3A_174] : memref<8192x1024xf32, #tpu.memory_space<hbm>> -> memref<32x1024xf32, #tpu.memory_space<hbm>>
        %dma_start3A_176 = arith.constant 0 : i32
        %dma_start3A_177 = arith.constant 0 : i32
        %dma_start3A_178 = tpu.memref_slice %arg8[%run_scoped3A_166, %dma_start3A_176, %dma_start3A_177] : memref<2x56x1024xf32, #tpu.memory_space<vmem>> -> memref<1x32x1024xf32, #tpu.memory_space<vmem>>
        %dma_start3A_179 = tpu.memref_squeeze %dma_start3A_178 : memref<1x32x1024xf32, #tpu.memory_space<vmem>> -> memref<32x1024xf32, #tpu.memory_space<vmem>>
        tpu.enqueue_dma source(%dma_start3A_179 : memref<32x1024xf32, #tpu.memory_space<vmem>>) target(%dma_start3A_175 : memref<32x1024xf32, #tpu.memory_space<hbm>>) target_semaphore(%run_scoped3A_167 : memref<!tpu.dma_semaphore, #tpu.memory_space<semaphore_mem>>)
        %dma_wait3A_180 = arith.constant 0 : i32
        %dma_wait3A_181 = arith.constant 0 : i32
        %dma_wait3A_182 = tpu.memref_slice %arg8[%run_scoped3A_166, %dma_wait3A_180, %dma_wait3A_181] : memref<2x56x1024xf32, #tpu.memory_space<vmem>> -> memref<1x32x1024xf32, #tpu.memory_space<vmem>>
        %dma_wait3A_183 = tpu.memref_squeeze %dma_wait3A_182 : memref<1x32x1024xf32, #tpu.memory_space<vmem>> -> memref<32x1024xf32, #tpu.memory_space<vmem>>
        %dma_wait3A_184 = arith.constant 0 : i32
        %dma_wait3A_185 = tpu.memref_slice %arg4[%add3A_165, %dma_wait3A_184] : memref<8192x1024xf32, #tpu.memory_space<hbm>> -> memref<32x1024xf32, #tpu.memory_space<hbm>>
        %dma_wait3A_186 = arith.constant 0 : i32
        %dma_wait3A_187 = tpu.memref_slice %arg4[%add3A_165, %dma_wait3A_186] : memref<8192x1024xf32, #tpu.memory_space<hbm>> -> memref<32x1024xf32, #tpu.memory_space<hbm>>
        %dma_wait3A_188 = arith.constant 0 : i32
        %dma_wait3A_189 = arith.constant 0 : i32
        %dma_wait3A_190 = tpu.memref_slice %arg8[%run_scoped3A_166, %dma_wait3A_188, %dma_wait3A_189] : memref<2x56x1024xf32, #tpu.memory_space<vmem>> -> memref<1x32x1024xf32, #tpu.memory_space<vmem>>
        %dma_wait3A_191 = tpu.memref_squeeze %dma_wait3A_190 : memref<1x32x1024xf32, #tpu.memory_space<vmem>> -> memref<32x1024xf32, #tpu.memory_space<vmem>>
        tpu.wait_dma2 semaphore(%run_scoped3A_167 : memref<!tpu.dma_semaphore, #tpu.memory_space<semaphore_mem>>) src(%dma_wait3A_191 : memref<32x1024xf32, #tpu.memory_space<vmem>>) dst(%dma_wait3A_187 : memref<32x1024xf32, #tpu.memory_space<hbm>>)
        tpu.yield
      }) : () -> ()
    } else {
    }
    %not3A = arith.constant true
    %not3A_11 = arith.xori %and3A, %not3A : i1
    %convert_element_type3A_12 = arith.extui %not3A_11 : i1 to i32
    %cond3A_13 = arith.constant 0 : i32
    %cond3A_14 = arith.cmpi ne, %convert_element_type3A_12, %cond3A_13 : i32
    scf.if %cond3A_14 {
      %add3A_15 = arith.constant 0 : i32
      %add3A_16 = arith.addi %mul3A_2, %add3A_15 : i32
      %add3A_17 = arith.constant 0 : i32
      %add3A_18 = arith.addi %add3A_16, %add3A_17 : i32
      %iota3A = tpu.iota {dimensions = array<i32: 0>} : vector<16xi32>
      %add3A_19 = vector.broadcast %add3A_18 : i32 to vector<16xi32>
      %add3A_20 = arith.addi %add3A_19, %iota3A : vector<16xi32>
      %rem3A_21 = arith.remsi %add3A_20, %get3A_4 : vector<16xi32>
      %swap3A = arith.constant 0 : index
      %swap3A_22 = tpu.vector_load %arg6[%swap3A] {strides = array<i32>} : memref<32xi32, #tpu.memory_space<vmem>>, vector<16xi32>,
      %swap3A_23 = vector.shape_cast %swap3A_22 : vector<16xi32> to vector<16xi32>
      %swap3A_24 = vector.shape_cast %rem3A_21 : vector<16xi32> to vector<16xi32>
      tpu.vector_store %arg6[%swap3A], %swap3A_24 {strides = array<i32>} : memref<32xi32, #tpu.memory_space<vmem>>, vector<16xi32>,
      %add3A_25 = arith.constant 16 : i32
      %add3A_26 = arith.addi %add3A_16, %add3A_25 : i32
      %iota3A_27 = tpu.iota {dimensions = array<i32: 0>} : vector<16xi32>
      %add3A_28 = vector.broadcast %add3A_26 : i32 to vector<16xi32>
      %add3A_29 = arith.addi %add3A_28, %iota3A_27 : vector<16xi32>
      %rem3A_30 = arith.remsi %add3A_29, %get3A_4 : vector<16xi32>
      %swap3A_31 = arith.constant 16 : index
      %swap3A_32 = tpu.vector_load %arg6[%swap3A_31] {strides = array<i32>} : memref<32xi32, #tpu.memory_space<vmem>>, vector<16xi32>,
      %swap3A_33 = vector.shape_cast %swap3A_32 : vector<16xi32> to vector<16xi32>
      %swap3A_34 = vector.shape_cast %rem3A_30 : vector<16xi32> to vector<16xi32>
      tpu.vector_store %arg6[%swap3A_31], %swap3A_34 {strides = array<i32>} : memref<32xi32, #tpu.memory_space<vmem>>, vector<16xi32>,
      %dma_start3A = arith.constant 0 : i32
      %dma_start3A_35 = arith.constant 0 : i32
      %dma_start3A_36 = arith.constant 0 : i32
      %dma_start3A_37 = tpu.memref_slice %arg8[%dma_start3A, %dma_start3A_35, %dma_start3A_36] : memref<2x56x1024xf32, #tpu.memory_space<vmem>> -> memref<1x32x1024xf32, #tpu.memory_space<vmem>>
      %dma_start3A_38 = tpu.memref_squeeze %dma_start3A_37 : memref<1x32x1024xf32, #tpu.memory_space<vmem>> -> memref<32x1024xf32, #tpu.memory_space<vmem>>
      %dma_start3A_39 = arith.constant 0 : i32
      %dma_start3A_40 = arith.constant 0 : i32
      %dma_start3A_41 = tpu.memref_slice %arg3[%dma_start3A_39, %dma_start3A_40] : memref<8192x1024xf32, #tpu.memory_space<hbm>> -> memref<8192x1024xf32, #tpu.memory_space<hbm>>
      tpu.enqueue_indirect_dma source(%dma_start3A_41 : memref<8192x1024xf32, #tpu.memory_space<hbm>>) target(%dma_start3A_38 : memref<32x1024xf32, #tpu.memory_space<vmem>>) offsets(%arg6 : memref<32xi32, #tpu.memory_space<vmem>>) semaphore(%arg9 : memref<!tpu.dma_semaphore, #tpu.memory_space<semaphore_mem>>)
      %add3A_42 = arith.constant 32 : i32
      %add3A_43 = arith.addi %mul3A_2, %add3A_42 : i32
      %add3A_44 = arith.constant 0 : i32
      %add3A_45 = arith.addi %add3A_43, %add3A_44 : i32
      %iota3A_46 = tpu.iota {dimensions = array<i32: 0>} : vector<16xi32>
      %add3A_47 = vector.broadcast %add3A_45 : i32 to vector<16xi32>
      %add3A_48 = arith.addi %add3A_47, %iota3A_46 : vector<16xi32>
      %rem3A_49 = arith.remsi %add3A_48, %get3A_4 : vector<16xi32>
      %swap3A_50 = arith.constant 0 : index
      %swap3A_51 = tpu.vector_load %arg7[%swap3A_50] {strides = array<i32>} : memref<32xi32, #tpu.memory_space<vmem>>, vector<16xi32>,
      %swap3A_52 = vector.shape_cast %swap3A_51 : vector<16xi32> to vector<16xi32>
      %swap3A_53 = vector.shape_cast %rem3A_49 : vector<16xi32> to vector<16xi32>
      tpu.vector_store %arg7[%swap3A_50], %swap3A_53 {strides = array<i32>} : memref<32xi32, #tpu.memory_space<vmem>>, vector<16xi32>,
      %add3A_54 = arith.constant 16 : i32
      %add3A_55 = arith.addi %add3A_43, %add3A_54 : i32
      %iota3A_56 = tpu.iota {dimensions = array<i32: 0>} : vector<16xi32>
      %add3A_57 = vector.broadcast %add3A_55 : i32 to vector<16xi32>
      %add3A_58 = arith.addi %add3A_57, %iota3A_56 : vector<16xi32>
      %rem3A_59 = arith.remsi %add3A_58, %get3A_4 : vector<16xi32>
      %swap3A_60 = arith.constant 16 : index
      %swap3A_61 = tpu.vector_load %arg7[%swap3A_60] {strides = array<i32>} : memref<32xi32, #tpu.memory_space<vmem>>, vector<16xi32>,
      %swap3A_62 = vector.shape_cast %swap3A_61 : vector<16xi32> to vector<16xi32>
      %swap3A_63 = vector.shape_cast %rem3A_59 : vector<16xi32> to vector<16xi32>
      tpu.vector_store %arg7[%swap3A_60], %swap3A_63 {strides = array<i32>} : memref<32xi32, #tpu.memory_space<vmem>>, vector<16xi32>,
      %dma_start3A_64 = arith.constant 1 : i32
      %dma_start3A_65 = arith.constant 0 : i32
      %dma_start3A_66 = arith.constant 0 : i32
      %dma_start3A_67 = tpu.memref_slice %arg8[%dma_start3A_64, %dma_start3A_65, %dma_start3A_66] : memref<2x56x1024xf32, #tpu.memory_space<vmem>> -> memref<1x32x1024xf32, #tpu.memory_space<vmem>>
      %dma_start3A_68 = tpu.memref_squeeze %dma_start3A_67 : memref<1x32x1024xf32, #tpu.memory_space<vmem>> -> memref<32x1024xf32, #tpu.memory_space<vmem>>
      %dma_start3A_69 = arith.constant 0 : i32
      %dma_start3A_70 = arith.constant 0 : i32
      %dma_start3A_71 = tpu.memref_slice %arg3[%dma_start3A_69, %dma_start3A_70] : memref<8192x1024xf32, #tpu.memory_space<hbm>> -> memref<8192x1024xf32, #tpu.memory_space<hbm>>
      tpu.enqueue_indirect_dma source(%dma_start3A_71 : memref<8192x1024xf32, #tpu.memory_space<hbm>>) target(%dma_start3A_68 : memref<32x1024xf32, #tpu.memory_space<vmem>>) offsets(%arg7 : memref<32xi32, #tpu.memory_space<vmem>>) semaphore(%arg9 : memref<!tpu.dma_semaphore, #tpu.memory_space<semaphore_mem>>)
      %dma_wait3A = arith.constant 0 : i32
      %dma_wait3A_72 = arith.constant 0 : i32
      %dma_wait3A_73 = arith.constant 0 : i32
      %dma_wait3A_74 = tpu.memref_slice %arg8[%dma_wait3A, %dma_wait3A_72, %dma_wait3A_73] : memref<2x56x1024xf32, #tpu.memory_space<vmem>> -> memref<1x32x1024xf32, #tpu.memory_space<vmem>>
      %dma_wait3A_75 = tpu.memref_squeeze %dma_wait3A_74 : memref<1x32x1024xf32, #tpu.memory_space<vmem>> -> memref<32x1024xf32, #tpu.memory_space<vmem>>
      %dma_wait3A_76 = arith.constant 0 : i32
      %dma_wait3A_77 = arith.constant 0 : i32
      %dma_wait3A_78 = tpu.memref_slice %arg3[%dma_wait3A_76, %dma_wait3A_77] : memref<8192x1024xf32, #tpu.memory_space<hbm>> -> memref<8192x1024xf32, #tpu.memory_space<hbm>>
      tpu.wait_indirect_dma semaphore(%arg9 : memref<!tpu.dma_semaphore, #tpu.memory_space<semaphore_mem>>) src(%dma_wait3A_78 : memref<8192x1024xf32, #tpu.memory_space<hbm>>) dst(%dma_wait3A_75 : memref<32x1024xf32, #tpu.memory_space<vmem>>)
      %add3A_79 = arith.constant 0 : i32
      %add3A_80 = arith.addi %mul3A_2, %add3A_79 : i32
      %run_scoped3A = arith.constant 0 : i32
      "tpu.region"() ({
        %run_scoped3A_338 = tpu.sem_alloc : memref<!tpu.dma_semaphore, #tpu.memory_space<semaphore_mem>>
        %dma_start3A_339 = arith.constant 0 : i32
        %dma_start3A_340 = arith.constant 0 : i32
        %dma_start3A_341 = tpu.memref_slice %arg8[%run_scoped3A, %dma_start3A_339, %dma_start3A_340] : memref<2x56x1024xf32, #tpu.memory_space<vmem>> -> memref<1x32x1024xf32, #tpu.memory_space<vmem>>
        %dma_start3A_342 = tpu.memref_squeeze %dma_start3A_341 : memref<1x32x1024xf32, #tpu.memory_space<vmem>> -> memref<32x1024xf32, #tpu.memory_space<vmem>>
        %dma_start3A_343 = arith.constant 0 : i32
        %dma_start3A_344 = tpu.memref_slice %arg4[%add3A_80, %dma_start3A_343] : memref<8192x1024xf32, #tpu.memory_space<hbm>> -> memref<32x1024xf32, #tpu.memory_space<hbm>>
        %dma_start3A_345 = arith.constant 0 : i32
        %dma_start3A_346 = tpu.memref_slice %arg4[%add3A_80, %dma_start3A_345] : memref<8192x1024xf32, #tpu.memory_space<hbm>> -> memref<32x1024xf32, #tpu.memory_space<hbm>>
        %dma_start3A_347 = arith.constant 0 : i32
        %dma_start3A_348 = arith.constant 0 : i32
        %dma_start3A_349 = tpu.memref_slice %arg8[%run_scoped3A, %dma_start3A_347, %dma_start3A_348] : memref<2x56x1024xf32, #tpu.memory_space<vmem>> -> memref<1x32x1024xf32, #tpu.memory_space<vmem>>
        %dma_start3A_350 = tpu.memref_squeeze %dma_start3A_349 : memref<1x32x1024xf32, #tpu.memory_space<vmem>> -> memref<32x1024xf32, #tpu.memory_space<vmem>>
        tpu.enqueue_dma source(%dma_start3A_350 : memref<32x1024xf32, #tpu.memory_space<vmem>>) target(%dma_start3A_346 : memref<32x1024xf32, #tpu.memory_space<hbm>>) target_semaphore(%run_scoped3A_338 : memref<!tpu.dma_semaphore, #tpu.memory_space<semaphore_mem>>)
        %dma_wait3A_351 = arith.constant 0 : i32
        %dma_wait3A_352 = arith.constant 0 : i32
        %dma_wait3A_353 = tpu.memref_slice %arg8[%run_scoped3A, %dma_wait3A_351, %dma_wait3A_352] : memref<2x56x1024xf32, #tpu.memory_space<vmem>> -> memref<1x32x1024xf32, #tpu.memory_space<vmem>>
        %dma_wait3A_354 = tpu.memref_squeeze %dma_wait3A_353 : memref<1x32x1024xf32, #tpu.memory_space<vmem>> -> memref<32x1024xf32, #tpu.memory_space<vmem>>
        %dma_wait3A_355 = arith.constant 0 : i32
        %dma_wait3A_356 = tpu.memref_slice %arg4[%add3A_80, %dma_wait3A_355] : memref<8192x1024xf32, #tpu.memory_space<hbm>> -> memref<32x1024xf32, #tpu.memory_space<hbm>>
        %dma_wait3A_357 = arith.constant 0 : i32
        %dma_wait3A_358 = tpu.memref_slice %arg4[%add3A_80, %dma_wait3A_357] : memref<8192x1024xf32, #tpu.memory_space<hbm>> -> memref<32x1024xf32, #tpu.memory_space<hbm>>
        %dma_wait3A_359 = arith.constant 0 : i32
        %dma_wait3A_360 = arith.constant 0 : i32
        %dma_wait3A_361 = tpu.memref_slice %arg8[%run_scoped3A, %dma_wait3A_359, %dma_wait3A_360] : memref<2x56x1024xf32, #tpu.memory_space<vmem>> -> memref<1x32x1024xf32, #tpu.memory_space<vmem>>
        %dma_wait3A_362 = tpu.memref_squeeze %dma_wait3A_361 : memref<1x32x1024xf32, #tpu.memory_space<vmem>> -> memref<32x1024xf32, #tpu.memory_space<vmem>>
        tpu.wait_dma2 semaphore(%run_scoped3A_338 : memref<!tpu.dma_semaphore, #tpu.memory_space<semaphore_mem>>) src(%dma_wait3A_362 : memref<32x1024xf32, #tpu.memory_space<vmem>>) dst(%dma_wait3A_358 : memref<32x1024xf32, #tpu.memory_space<hbm>>)
        tpu.yield
      }) : () -> ()
      %add3A_81 = arith.constant 64 : i32
      %add3A_82 = arith.addi %mul3A_2, %add3A_81 : i32
      %add3A_83 = arith.constant 0 : i32
      %add3A_84 = arith.addi %add3A_82, %add3A_83 : i32
      %iota3A_85 = tpu.iota {dimensions = array<i32: 0>} : vector<16xi32>
      %add3A_86 = vector.broadcast %add3A_84 : i32 to vector<16xi32>
      %add3A_87 = arith.addi %add3A_86, %iota3A_85 : vector<16xi32>
      %rem3A_88 = arith.remsi %add3A_87, %get3A_4 : vector<16xi32>
      %swap3A_89 = arith.constant 0 : index
      %swap3A_90 = tpu.vector_load %arg6[%swap3A_89] {strides = array<i32>} : memref<32xi32, #tpu.memory_space<vmem>>, vector<16xi32>,
      %swap3A_91 = vector.shape_cast %swap3A_90 : vector<16xi32> to vector<16xi32>
      %swap3A_92 = vector.shape_cast %rem3A_88 : vector<16xi32> to vector<16xi32>
      tpu.vector_store %arg6[%swap3A_89], %swap3A_92 {strides = array<i32>} : memref<32xi32, #tpu.memory_space<vmem>>, vector<16xi32>,
      %add3A_93 = arith.constant 16 : i32
      %add3A_94 = arith.addi %add3A_82, %add3A_93 : i32
      %iota3A_95 = tpu.iota {dimensions = array<i32: 0>} : vector<16xi32>
      %add3A_96 = vector.broadcast %add3A_94 : i32 to vector<16xi32>
      %add3A_97 = arith.addi %add3A_96, %iota3A_95 : vector<16xi32>
      %rem3A_98 = arith.remsi %add3A_97, %get3A_4 : vector<16xi32>
      %swap3A_99 = arith.constant 16 : index
      %swap3A_100 = tpu.vector_load %arg6[%swap3A_99] {strides = array<i32>} : memref<32xi32, #tpu.memory_space<vmem>>, vector<16xi32>,
      %swap3A_101 = vector.shape_cast %swap3A_100 : vector<16xi32> to vector<16xi32>
      %swap3A_102 = vector.shape_cast %rem3A_98 : vector<16xi32> to vector<16xi32>
      tpu.vector_store %arg6[%swap3A_99], %swap3A_102 {strides = array<i32>} : memref<32xi32, #tpu.memory_space<vmem>>, vector<16xi32>,
      %dma_start3A_103 = arith.constant 0 : i32
      %dma_start3A_104 = arith.constant 0 : i32
      %dma_start3A_105 = arith.constant 0 : i32
      %dma_start3A_106 = tpu.memref_slice %arg8[%dma_start3A_103, %dma_start3A_104, %dma_start3A_105] : memref<2x56x1024xf32, #tpu.memory_space<vmem>> -> memref<1x32x1024xf32, #tpu.memory_space<vmem>>
      %dma_start3A_107 = tpu.memref_squeeze %dma_start3A_106 : memref<1x32x1024xf32, #tpu.memory_space<vmem>> -> memref<32x1024xf32, #tpu.memory_space<vmem>>
      %dma_start3A_108 = arith.constant 0 : i32
      %dma_start3A_109 = arith.constant 0 : i32
      %dma_start3A_110 = tpu.memref_slice %arg3[%dma_start3A_108, %dma_start3A_109] : memref<8192x1024xf32, #tpu.memory_space<hbm>> -> memref<8192x1024xf32, #tpu.memory_space<hbm>>
      tpu.enqueue_indirect_dma source(%dma_start3A_110 : memref<8192x1024xf32, #tpu.memory_space<hbm>>) target(%dma_start3A_107 : memref<32x1024xf32, #tpu.memory_space<vmem>>) offsets(%arg6 : memref<32xi32, #tpu.memory_space<vmem>>) semaphore(%arg9 : memref<!tpu.dma_semaphore, #tpu.memory_space<semaphore_mem>>)
      %dma_wait3A_111 = arith.constant 1 : i32
      %dma_wait3A_112 = arith.constant 0 : i32
      %dma_wait3A_113 = arith.constant 0 : i32
      %dma_wait3A_114 = tpu.memref_slice %arg8[%dma_wait3A_111, %dma_wait3A_112, %dma_wait3A_113] : memref<2x56x1024xf32, #tpu.memory_space<vmem>> -> memref<1x32x1024xf32, #tpu.memory_space<vmem>>
      %dma_wait3A_115 = tpu.memref_squeeze %dma_wait3A_114 : memref<1x32x1024xf32, #tpu.memory_space<vmem>> -> memref<32x1024xf32, #tpu.memory_space<vmem>>
      %dma_wait3A_116 = arith.constant 0 : i32
      %dma_wait3A_117 = arith.constant 0 : i32
      %dma_wait3A_118 = tpu.memref_slice %arg3[%dma_wait3A_116, %dma_wait3A_117] : memref<8192x1024xf32, #tpu.memory_space<hbm>> -> memref<8192x1024xf32, #tpu.memory_space<hbm>>
      tpu.wait_indirect_dma semaphore(%arg9 : memref<!tpu.dma_semaphore, #tpu.memory_space<semaphore_mem>>) src(%dma_wait3A_118 : memref<8192x1024xf32, #tpu.memory_space<hbm>>) dst(%dma_wait3A_115 : memref<32x1024xf32, #tpu.memory_space<vmem>>)
      %add3A_119 = arith.constant 32 : i32
      %add3A_120 = arith.addi %mul3A_2, %add3A_119 : i32
      %run_scoped3A_121 = arith.constant 1 : i32
      "tpu.region"() ({
        %run_scoped3A_338 = tpu.sem_alloc : memref<!tpu.dma_semaphore, #tpu.memory_space<semaphore_mem>>
        %dma_start3A_339 = arith.constant 0 : i32
        %dma_start3A_340 = arith.constant 0 : i32
        %dma_start3A_341 = tpu.memref_slice %arg8[%run_scoped3A_121, %dma_start3A_339, %dma_start3A_340] : memref<2x56x1024xf32, #tpu.memory_space<vmem>> -> memref<1x32x1024xf32, #tpu.memory_space<vmem>>
        %dma_start3A_342 = tpu.memref_squeeze %dma_start3A_341 : memref<1x32x1024xf32, #tpu.memory_space<vmem>> -> memref<32x1024xf32, #tpu.memory_space<vmem>>
        %dma_start3A_343 = arith.constant 0 : i32
        %dma_start3A_344 = tpu.memref_slice %arg4[%add3A_120, %dma_start3A_343] : memref<8192x1024xf32, #tpu.memory_space<hbm>> -> memref<32x1024xf32, #tpu.memory_space<hbm>>
        %dma_start3A_345 = arith.constant 0 : i32
        %dma_start3A_346 = tpu.memref_slice %arg4[%add3A_120, %dma_start3A_345] : memref<8192x1024xf32, #tpu.memory_space<hbm>> -> memref<32x1024xf32, #tpu.memory_space<hbm>>
        %dma_start3A_347 = arith.constant 0 : i32
        %dma_start3A_348 = arith.constant 0 : i32
        %dma_start3A_349 = tpu.memref_slice %arg8[%run_scoped3A_121, %dma_start3A_347, %dma_start3A_348] : memref<2x56x1024xf32, #tpu.memory_space<vmem>> -> memref<1x32x1024xf32, #tpu.memory_space<vmem>>
        %dma_start3A_350 = tpu.memref_squeeze %dma_start3A_349 : memref<1x32x1024xf32, #tpu.memory_space<vmem>> -> memref<32x1024xf32, #tpu.memory_space<vmem>>
        tpu.enqueue_dma source(%dma_start3A_350 : memref<32x1024xf32, #tpu.memory_space<vmem>>) target(%dma_start3A_346 : memref<32x1024xf32, #tpu.memory_space<hbm>>) target_semaphore(%run_scoped3A_338 : memref<!tpu.dma_semaphore, #tpu.memory_space<semaphore_mem>>)
        %dma_wait3A_351 = arith.constant 0 : i32
        %dma_wait3A_352 = arith.constant 0 : i32
        %dma_wait3A_353 = tpu.memref_slice %arg8[%run_scoped3A_121, %dma_wait3A_351, %dma_wait3A_352] : memref<2x56x1024xf32, #tpu.memory_space<vmem>> -> memref<1x32x1024xf32, #tpu.memory_space<vmem>>
        %dma_wait3A_354 = tpu.memref_squeeze %dma_wait3A_353 : memref<1x32x1024xf32, #tpu.memory_space<vmem>> -> memref<32x1024xf32, #tpu.memory_space<vmem>>
        %dma_wait3A_355 = arith.constant 0 : i32
        %dma_wait3A_356 = tpu.memref_slice %arg4[%add3A_120, %dma_wait3A_355] : memref<8192x1024xf32, #tpu.memory_space<hbm>> -> memref<32x1024xf32, #tpu.memory_space<hbm>>
        %dma_wait3A_357 = arith.constant 0 : i32
        %dma_wait3A_358 = tpu.memref_slice %arg4[%add3A_120, %dma_wait3A_357] : memref<8192x1024xf32, #tpu.memory_space<hbm>> -> memref<32x1024xf32, #tpu.memory_space<hbm>>
        %dma_wait3A_359 = arith.constant 0 : i32
        %dma_wait3A_360 = arith.constant 0 : i32
        %dma_wait3A_361 = tpu.memref_slice %arg8[%run_scoped3A_121, %dma_wait3A_359, %dma_wait3A_360] : memref<2x56x1024xf32, #tpu.memory_space<vmem>> -> memref<1x32x1024xf32, #tpu.memory_space<vmem>>
        %dma_wait3A_362 = tpu.memref_squeeze %dma_wait3A_361 : memref<1x32x1024xf32, #tpu.memory_space<vmem>> -> memref<32x1024xf32, #tpu.memory_space<vmem>>
        tpu.wait_dma2 semaphore(%run_scoped3A_338 : memref<!tpu.dma_semaphore, #tpu.memory_space<semaphore_mem>>) src(%dma_wait3A_362 : memref<32x1024xf32, #tpu.memory_space<vmem>>) dst(%dma_wait3A_358 : memref<32x1024xf32, #tpu.memory_space<hbm>>)
        tpu.yield
      }) : () -> ()
      %add3A_122 = arith.constant 96 : i32
      %add3A_123 = arith.addi %mul3A_2, %add3A_122 : i32
      %add3A_124 = arith.constant 0 : i32
      %add3A_125 = arith.addi %add3A_123, %add3A_124 : i32
      %iota3A_126 = tpu.iota {dimensions = array<i32: 0>} : vector<16xi32>
      %add3A_127 = vector.broadcast %add3A_125 : i32 to vector<16xi32>
      %add3A_128 = arith.addi %add3A_127, %iota3A_126 : vector<16xi32>
      %rem3A_129 = arith.remsi %add3A_128, %get3A_4 : vector<16xi32>
      %swap3A_130 = arith.constant 0 : index
      %swap3A_131 = tpu.vector_load %arg7[%swap3A_130] {strides = array<i32>} : memref<32xi32, #tpu.memory_space<vmem>>, vector<16xi32>,
      %swap3A_132 = vector.shape_cast %swap3A_131 : vector<16xi32> to vector<16xi32>
      %swap3A_133 = vector.shape_cast %rem3A_129 : vector<16xi32> to vector<16xi32>
      tpu.vector_store %arg7[%swap3A_130], %swap3A_133 {strides = array<i32>} : memref<32xi32, #tpu.memory_space<vmem>>, vector<16xi32>,
      %add3A_134 = arith.constant 16 : i32
      %add3A_135 = arith.addi %add3A_123, %add3A_134 : i32
      %iota3A_136 = tpu.iota {dimensions = array<i32: 0>} : vector<16xi32>
      %add3A_137 = vector.broadcast %add3A_135 : i32 to vector<16xi32>
      %add3A_138 = arith.addi %add3A_137, %iota3A_136 : vector<16xi32>
      %rem3A_139 = arith.remsi %add3A_138, %get3A_4 : vector<16xi32>
      %swap3A_140 = arith.constant 16 : index
      %swap3A_141 = tpu.vector_load %arg7[%swap3A_140] {strides = array<i32>} : memref<32xi32, #tpu.memory_space<vmem>>, vector<16xi32>,
      %swap3A_142 = vector.shape_cast %swap3A_141 : vector<16xi32> to vector<16xi32>
      %swap3A_143 = vector.shape_cast %rem3A_139 : vector<16xi32> to vector<16xi32>
      tpu.vector_store %arg7[%swap3A_140], %swap3A_143 {strides = array<i32>} : memref<32xi32, #tpu.memory_space<vmem>>, vector<16xi32>,
      %dma_start3A_144 = arith.constant 1 : i32
      %dma_start3A_145 = arith.constant 0 : i32
      %dma_start3A_146 = arith.constant 0 : i32
      %dma_start3A_147 = tpu.memref_slice %arg8[%dma_start3A_144, %dma_start3A_145, %dma_start3A_146] : memref<2x56x1024xf32, #tpu.memory_space<vmem>> -> memref<1x32x1024xf32, #tpu.memory_space<vmem>>
      %dma_start3A_148 = tpu.memref_squeeze %dma_start3A_147 : memref<1x32x1024xf32, #tpu.memory_space<vmem>> -> memref<32x1024xf32, #tpu.memory_space<vmem>>
      %dma_start3A_149 = arith.constant 0 : i32
      %dma_start3A_150 = arith.constant 0 : i32
      %dma_start3A_151 = tpu.memref_slice %arg3[%dma_start3A_149, %dma_start3A_150] : memref<8192x1024xf32, #tpu.memory_space<hbm>> -> memref<8192x1024xf32, #tpu.memory_space<hbm>>
      tpu.enqueue_indirect_dma source(%dma_start3A_151 : memref<8192x1024xf32, #tpu.memory_space<hbm>>) target(%dma_start3A_148 : memref<32x1024xf32, #tpu.memory_space<vmem>>) offsets(%arg7 : memref<32xi32, #tpu.memory_space<vmem>>) semaphore(%arg9 : memref<!tpu.dma_semaphore, #tpu.memory_space<semaphore_mem>>)
      %dma_wait3A_152 = arith.constant 0 : i32
      %dma_wait3A_153 = arith.constant 0 : i32
      %dma_wait3A_154 = arith.constant 0 : i32
      %dma_wait3A_155 = tpu.memref_slice %arg8[%dma_wait3A_152, %dma_wait3A_153, %dma_wait3A_154] : memref<2x56x1024xf32, #tpu.memory_space<vmem>> -> memref<1x32x1024xf32, #tpu.memory_space<vmem>>
      %dma_wait3A_156 = tpu.memref_squeeze %dma_wait3A_155 : memref<1x32x1024xf32, #tpu.memory_space<vmem>> -> memref<32x1024xf32, #tpu.memory_space<vmem>>
      %dma_wait3A_157 = arith.constant 0 : i32
      %dma_wait3A_158 = arith.constant 0 : i32
      %dma_wait3A_159 = tpu.memref_slice %arg3[%dma_wait3A_157, %dma_wait3A_158] : memref<8192x1024xf32, #tpu.memory_space<hbm>> -> memref<8192x1024xf32, #tpu.memory_space<hbm>>
      tpu.wait_indirect_dma semaphore(%arg9 : memref<!tpu.dma_semaphore, #tpu.memory_space<semaphore_mem>>) src(%dma_wait3A_159 : memref<8192x1024xf32, #tpu.memory_space<hbm>>) dst(%dma_wait3A_156 : memref<32x1024xf32, #tpu.memory_space<vmem>>)
      %add3A_160 = arith.constant 64 : i32
      %add3A_161 = arith.addi %mul3A_2, %add3A_160 : i32
      %run_scoped3A_162 = arith.constant 0 : i32
      "tpu.region"() ({
        %run_scoped3A_338 = tpu.sem_alloc : memref<!tpu.dma_semaphore, #tpu.memory_space<semaphore_mem>>
        %dma_start3A_339 = arith.constant 0 : i32
        %dma_start3A_340 = arith.constant 0 : i32
        %dma_start3A_341 = tpu.memref_slice %arg8[%run_scoped3A_162, %dma_start3A_339, %dma_start3A_340] : memref<2x56x1024xf32, #tpu.memory_space<vmem>> -> memref<1x32x1024xf32, #tpu.memory_space<vmem>>
        %dma_start3A_342 = tpu.memref_squeeze %dma_start3A_341 : memref<1x32x1024xf32, #tpu.memory_space<vmem>> -> memref<32x1024xf32, #tpu.memory_space<vmem>>
        %dma_start3A_343 = arith.constant 0 : i32
        %dma_start3A_344 = tpu.memref_slice %arg4[%add3A_161, %dma_start3A_343] : memref<8192x1024xf32, #tpu.memory_space<hbm>> -> memref<32x1024xf32, #tpu.memory_space<hbm>>
        %dma_start3A_345 = arith.constant 0 : i32
        %dma_start3A_346 = tpu.memref_slice %arg4[%add3A_161, %dma_start3A_345] : memref<8192x1024xf32, #tpu.memory_space<hbm>> -> memref<32x1024xf32, #tpu.memory_space<hbm>>
        %dma_start3A_347 = arith.constant 0 : i32
        %dma_start3A_348 = arith.constant 0 : i32
        %dma_start3A_349 = tpu.memref_slice %arg8[%run_scoped3A_162, %dma_start3A_347, %dma_start3A_348] : memref<2x56x1024xf32, #tpu.memory_space<vmem>> -> memref<1x32x1024xf32, #tpu.memory_space<vmem>>
        %dma_start3A_350 = tpu.memref_squeeze %dma_start3A_349 : memref<1x32x1024xf32, #tpu.memory_space<vmem>> -> memref<32x1024xf32, #tpu.memory_space<vmem>>
        tpu.enqueue_dma source(%dma_start3A_350 : memref<32x1024xf32, #tpu.memory_space<vmem>>) target(%dma_start3A_346 : memref<32x1024xf32, #tpu.memory_space<hbm>>) target_semaphore(%run_scoped3A_338 : memref<!tpu.dma_semaphore, #tpu.memory_space<semaphore_mem>>)
        %dma_wait3A_351 = arith.constant 0 : i32
        %dma_wait3A_352 = arith.constant 0 : i32
        %dma_wait3A_353 = tpu.memref_slice %arg8[%run_scoped3A_162, %dma_wait3A_351, %dma_wait3A_352] : memref<2x56x1024xf32, #tpu.memory_space<vmem>> -> memref<1x32x1024xf32, #tpu.memory_space<vmem>>
        %dma_wait3A_354 = tpu.memref_squeeze %dma_wait3A_353 : memref<1x32x1024xf32, #tpu.memory_space<vmem>> -> memref<32x1024xf32, #tpu.memory_space<vmem>>
        %dma_wait3A_355 = arith.constant 0 : i32
        %dma_wait3A_356 = tpu.memref_slice %arg4[%add3A_161, %dma_wait3A_355] : memref<8192x1024xf32, #tpu.memory_space<hbm>> -> memref<32x1024xf32, #tpu.memory_space<hbm>>
        %dma_wait3A_357 = arith.constant 0 : i32
        %dma_wait3A_358 = tpu.memref_slice %arg4[%add3A_161, %dma_wait3A_357] : memref<8192x1024xf32, #tpu.memory_space<hbm>> -> memref<32x1024xf32, #tpu.memory_space<hbm>>
        %dma_wait3A_359 = arith.constant 0 : i32
        %dma_wait3A_360 = arith.constant 0 : i32
        %dma_wait3A_361 = tpu.memref_slice %arg8[%run_scoped3A_162, %dma_wait3A_359, %dma_wait3A_360] : memref<2x56x1024xf32, #tpu.memory_space<vmem>> -> memref<1x32x1024xf32, #tpu.memory_space<vmem>>
        %dma_wait3A_362 = tpu.memref_squeeze %dma_wait3A_361 : memref<1x32x1024xf32, #tpu.memory_space<vmem>> -> memref<32x1024xf32, #tpu.memory_space<vmem>>
        tpu.wait_dma2 semaphore(%run_scoped3A_338 : memref<!tpu.dma_semaphore, #tpu.memory_space<semaphore_mem>>) src(%dma_wait3A_362 : memref<32x1024xf32, #tpu.memory_space<vmem>>) dst(%dma_wait3A_358 : memref<32x1024xf32, #tpu.memory_space<hbm>>)
        tpu.yield
      }) : () -> ()
      %add3A_163 = arith.constant 128 : i32
      %add3A_164 = arith.addi %mul3A_2, %add3A_163 : i32
      %add3A_165 = arith.constant 0 : i32
      %add3A_166 = arith.addi %add3A_164, %add3A_165 : i32
      %iota3A_167 = tpu.iota {dimensions = array<i32: 0>} : vector<16xi32>
      %add3A_168 = vector.broadcast %add3A_166 : i32 to vector<16xi32>
      %add3A_169 = arith.addi %add3A_168, %iota3A_167 : vector<16xi32>
      %rem3A_170 = arith.remsi %add3A_169, %get3A_4 : vector<16xi32>
      %swap3A_171 = arith.constant 0 : index
      %swap3A_172 = tpu.vector_load %arg6[%swap3A_171] {strides = array<i32>} : memref<32xi32, #tpu.memory_space<vmem>>, vector<16xi32>,
      %swap3A_173 = vector.shape_cast %swap3A_172 : vector<16xi32> to vector<16xi32>
      %swap3A_174 = vector.shape_cast %rem3A_170 : vector<16xi32> to vector<16xi32>
      tpu.vector_store %arg6[%swap3A_171], %swap3A_174 {strides = array<i32>} : memref<32xi32, #tpu.memory_space<vmem>>, vector<16xi32>,
      %add3A_175 = arith.constant 16 : i32
      %add3A_176 = arith.addi %add3A_164, %add3A_175 : i32
      %iota3A_177 = tpu.iota {dimensions = array<i32: 0>} : vector<16xi32>
      %add3A_178 = vector.broadcast %add3A_176 : i32 to vector<16xi32>
      %add3A_179 = arith.addi %add3A_178, %iota3A_177 : vector<16xi32>
      %rem3A_180 = arith.remsi %add3A_179, %get3A_4 : vector<16xi32>
      %swap3A_181 = arith.constant 16 : index
      %swap3A_182 = tpu.vector_load %arg6[%swap3A_181] {strides = array<i32>} : memref<32xi32, #tpu.memory_space<vmem>>, vector<16xi32>,
      %swap3A_183 = vector.shape_cast %swap3A_182 : vector<16xi32> to vector<16xi32>
      %swap3A_184 = vector.shape_cast %rem3A_180 : vector<16xi32> to vector<16xi32>
      tpu.vector_store %arg6[%swap3A_181], %swap3A_184 {strides = array<i32>} : memref<32xi32, #tpu.memory_space<vmem>>, vector<16xi32>,
      %dma_start3A_185 = arith.constant 0 : i32
      %dma_start3A_186 = arith.constant 0 : i32
      %dma_start3A_187 = arith.constant 0 : i32
      %dma_start3A_188 = tpu.memref_slice %arg8[%dma_start3A_185, %dma_start3A_186, %dma_start3A_187] : memref<2x56x1024xf32, #tpu.memory_space<vmem>> -> memref<1x32x1024xf32, #tpu.memory_space<vmem>>
      %dma_start3A_189 = tpu.memref_squeeze %dma_start3A_188 : memref<1x32x1024xf32, #tpu.memory_space<vmem>> -> memref<32x1024xf32, #tpu.memory_space<vmem>>
      %dma_start3A_190 = arith.constant 0 : i32
      %dma_start3A_191 = arith.constant 0 : i32
      %dma_start3A_192 = tpu.memref_slice %arg3[%dma_start3A_190, %dma_start3A_191] : memref<8192x1024xf32, #tpu.memory_space<hbm>> -> memref<8192x1024xf32, #tpu.memory_space<hbm>>
      tpu.enqueue_indirect_dma source(%dma_start3A_192 : memref<8192x1024xf32, #tpu.memory_space<hbm>>) target(%dma_start3A_189 : memref<32x1024xf32, #tpu.memory_space<vmem>>) offsets(%arg6 : memref<32xi32, #tpu.memory_space<vmem>>) semaphore(%arg9 : memref<!tpu.dma_semaphore, #tpu.memory_space<semaphore_mem>>)
      %dma_wait3A_193 = arith.constant 1 : i32
      %dma_wait3A_194 = arith.constant 0 : i32
      %dma_wait3A_195 = arith.constant 0 : i32
      %dma_wait3A_196 = tpu.memref_slice %arg8[%dma_wait3A_193, %dma_wait3A_194, %dma_wait3A_195] : memref<2x56x1024xf32, #tpu.memory_space<vmem>> -> memref<1x32x1024xf32, #tpu.memory_space<vmem>>
      %dma_wait3A_197 = tpu.memref_squeeze %dma_wait3A_196 : memref<1x32x1024xf32, #tpu.memory_space<vmem>> -> memref<32x1024xf32, #tpu.memory_space<vmem>>
      %dma_wait3A_198 = arith.constant 0 : i32
      %dma_wait3A_199 = arith.constant 0 : i32
      %dma_wait3A_200 = tpu.memref_slice %arg3[%dma_wait3A_198, %dma_wait3A_199] : memref<8192x1024xf32, #tpu.memory_space<hbm>> -> memref<8192x1024xf32, #tpu.memory_space<hbm>>
      tpu.wait_indirect_dma semaphore(%arg9 : memref<!tpu.dma_semaphore, #tpu.memory_space<semaphore_mem>>) src(%dma_wait3A_200 : memref<8192x1024xf32, #tpu.memory_space<hbm>>) dst(%dma_wait3A_197 : memref<32x1024xf32, #tpu.memory_space<vmem>>)
      %add3A_201 = arith.constant 96 : i32
      %add3A_202 = arith.addi %mul3A_2, %add3A_201 : i32
      %run_scoped3A_203 = arith.constant 1 : i32
      "tpu.region"() ({
        %run_scoped3A_338 = tpu.sem_alloc : memref<!tpu.dma_semaphore, #tpu.memory_space<semaphore_mem>>
        %dma_start3A_339 = arith.constant 0 : i32
        %dma_start3A_340 = arith.constant 0 : i32
        %dma_start3A_341 = tpu.memref_slice %arg8[%run_scoped3A_203, %dma_start3A_339, %dma_start3A_340] : memref<2x56x1024xf32, #tpu.memory_space<vmem>> -> memref<1x32x1024xf32, #tpu.memory_space<vmem>>
        %dma_start3A_342 = tpu.memref_squeeze %dma_start3A_341 : memref<1x32x1024xf32, #tpu.memory_space<vmem>> -> memref<32x1024xf32, #tpu.memory_space<vmem>>
        %dma_start3A_343 = arith.constant 0 : i32
        %dma_start3A_344 = tpu.memref_slice %arg4[%add3A_202, %dma_start3A_343] : memref<8192x1024xf32, #tpu.memory_space<hbm>> -> memref<32x1024xf32, #tpu.memory_space<hbm>>
        %dma_start3A_345 = arith.constant 0 : i32
        %dma_start3A_346 = tpu.memref_slice %arg4[%add3A_202, %dma_start3A_345] : memref<8192x1024xf32, #tpu.memory_space<hbm>> -> memref<32x1024xf32, #tpu.memory_space<hbm>>
        %dma_start3A_347 = arith.constant 0 : i32
        %dma_start3A_348 = arith.constant 0 : i32
        %dma_start3A_349 = tpu.memref_slice %arg8[%run_scoped3A_203, %dma_start3A_347, %dma_start3A_348] : memref<2x56x1024xf32, #tpu.memory_space<vmem>> -> memref<1x32x1024xf32, #tpu.memory_space<vmem>>
        %dma_start3A_350 = tpu.memref_squeeze %dma_start3A_349 : memref<1x32x1024xf32, #tpu.memory_space<vmem>> -> memref<32x1024xf32, #tpu.memory_space<vmem>>
        tpu.enqueue_dma source(%dma_start3A_350 : memref<32x1024xf32, #tpu.memory_space<vmem>>) target(%dma_start3A_346 : memref<32x1024xf32, #tpu.memory_space<hbm>>) target_semaphore(%run_scoped3A_338 : memref<!tpu.dma_semaphore, #tpu.memory_space<semaphore_mem>>)
        %dma_wait3A_351 = arith.constant 0 : i32
        %dma_wait3A_352 = arith.constant 0 : i32
        %dma_wait3A_353 = tpu.memref_slice %arg8[%run_scoped3A_203, %dma_wait3A_351, %dma_wait3A_352] : memref<2x56x1024xf32, #tpu.memory_space<vmem>> -> memref<1x32x1024xf32, #tpu.memory_space<vmem>>
        %dma_wait3A_354 = tpu.memref_squeeze %dma_wait3A_353 : memref<1x32x1024xf32, #tpu.memory_space<vmem>> -> memref<32x1024xf32, #tpu.memory_space<vmem>>
        %dma_wait3A_355 = arith.constant 0 : i32
        %dma_wait3A_356 = tpu.memref_slice %arg4[%add3A_202, %dma_wait3A_355] : memref<8192x1024xf32, #tpu.memory_space<hbm>> -> memref<32x1024xf32, #tpu.memory_space<hbm>>
        %dma_wait3A_357 = arith.constant 0 : i32
        %dma_wait3A_358 = tpu.memref_slice %arg4[%add3A_202, %dma_wait3A_357] : memref<8192x1024xf32, #tpu.memory_space<hbm>> -> memref<32x1024xf32, #tpu.memory_space<hbm>>
        %dma_wait3A_359 = arith.constant 0 : i32
        %dma_wait3A_360 = arith.constant 0 : i32
        %dma_wait3A_361 = tpu.memref_slice %arg8[%run_scoped3A_203, %dma_wait3A_359, %dma_wait3A_360] : memref<2x56x1024xf32, #tpu.memory_space<vmem>> -> memref<1x32x1024xf32, #tpu.memory_space<vmem>>
        %dma_wait3A_362 = tpu.memref_squeeze %dma_wait3A_361 : memref<1x32x1024xf32, #tpu.memory_space<vmem>> -> memref<32x1024xf32, #tpu.memory_space<vmem>>
        tpu.wait_dma2 semaphore(%run_scoped3A_338 : memref<!tpu.dma_semaphore, #tpu.memory_space<semaphore_mem>>) src(%dma_wait3A_362 : memref<32x1024xf32, #tpu.memory_space<vmem>>) dst(%dma_wait3A_358 : memref<32x1024xf32, #tpu.memory_space<hbm>>)
        tpu.yield
      }) : () -> ()
      %add3A_204 = arith.constant 160 : i32
      %add3A_205 = arith.addi %mul3A_2, %add3A_204 : i32
      %add3A_206 = arith.constant 0 : i32
      %add3A_207 = arith.addi %add3A_205, %add3A_206 : i32
      %iota3A_208 = tpu.iota {dimensions = array<i32: 0>} : vector<16xi32>
      %add3A_209 = vector.broadcast %add3A_207 : i32 to vector<16xi32>
      %add3A_210 = arith.addi %add3A_209, %iota3A_208 : vector<16xi32>
      %rem3A_211 = arith.remsi %add3A_210, %get3A_4 : vector<16xi32>
      %swap3A_212 = arith.constant 0 : index
      %swap3A_213 = tpu.vector_load %arg7[%swap3A_212] {strides = array<i32>} : memref<32xi32, #tpu.memory_space<vmem>>, vector<16xi32>,
      %swap3A_214 = vector.shape_cast %swap3A_213 : vector<16xi32> to vector<16xi32>
      %swap3A_215 = vector.shape_cast %rem3A_211 : vector<16xi32> to vector<16xi32>
      tpu.vector_store %arg7[%swap3A_212], %swap3A_215 {strides = array<i32>} : memref<32xi32, #tpu.memory_space<vmem>>, vector<16xi32>,
      %add3A_216 = arith.constant 16 : i32
      %add3A_217 = arith.addi %add3A_205, %add3A_216 : i32
      %iota3A_218 = tpu.iota {dimensions = array<i32: 0>} : vector<16xi32>
      %add3A_219 = vector.broadcast %add3A_217 : i32 to vector<16xi32>
      %add3A_220 = arith.addi %add3A_219, %iota3A_218 : vector<16xi32>
      %rem3A_221 = arith.remsi %add3A_220, %get3A_4 : vector<16xi32>
      %swap3A_222 = arith.constant 16 : index
      %swap3A_223 = tpu.vector_load %arg7[%swap3A_222] {strides = array<i32>} : memref<32xi32, #tpu.memory_space<vmem>>, vector<16xi32>,
      %swap3A_224 = vector.shape_cast %swap3A_223 : vector<16xi32> to vector<16xi32>
      %swap3A_225 = vector.shape_cast %rem3A_221 : vector<16xi32> to vector<16xi32>
      tpu.vector_store %arg7[%swap3A_222], %swap3A_225 {strides = array<i32>} : memref<32xi32, #tpu.memory_space<vmem>>, vector<16xi32>,
      %dma_start3A_226 = arith.constant 1 : i32
      %dma_start3A_227 = arith.constant 0 : i32
      %dma_start3A_228 = arith.constant 0 : i32
      %dma_start3A_229 = tpu.memref_slice %arg8[%dma_start3A_226, %dma_start3A_227, %dma_start3A_228] : memref<2x56x1024xf32, #tpu.memory_space<vmem>> -> memref<1x32x1024xf32, #tpu.memory_space<vmem>>
      %dma_start3A_230 = tpu.memref_squeeze %dma_start3A_229 : memref<1x32x1024xf32, #tpu.memory_space<vmem>> -> memref<32x1024xf32, #tpu.memory_space<vmem>>
      %dma_start3A_231 = arith.constant 0 : i32
      %dma_start3A_232 = arith.constant 0 : i32
      %dma_start3A_233 = tpu.memref_slice %arg3[%dma_start3A_231, %dma_start3A_232] : memref<8192x1024xf32, #tpu.memory_space<hbm>> -> memref<8192x1024xf32, #tpu.memory_space<hbm>>
      tpu.enqueue_indirect_dma source(%dma_start3A_233 : memref<8192x1024xf32, #tpu.memory_space<hbm>>) target(%dma_start3A_230 : memref<32x1024xf32, #tpu.memory_space<vmem>>) offsets(%arg7 : memref<32xi32, #tpu.memory_space<vmem>>) semaphore(%arg9 : memref<!tpu.dma_semaphore, #tpu.memory_space<semaphore_mem>>)
      %dma_wait3A_234 = arith.constant 0 : i32
      %dma_wait3A_235 = arith.constant 0 : i32
      %dma_wait3A_236 = arith.constant 0 : i32
      %dma_wait3A_237 = tpu.memref_slice %arg8[%dma_wait3A_234, %dma_wait3A_235, %dma_wait3A_236] : memref<2x56x1024xf32, #tpu.memory_space<vmem>> -> memref<1x32x1024xf32, #tpu.memory_space<vmem>>
      %dma_wait3A_238 = tpu.memref_squeeze %dma_wait3A_237 : memref<1x32x1024xf32, #tpu.memory_space<vmem>> -> memref<32x1024xf32, #tpu.memory_space<vmem>>
      %dma_wait3A_239 = arith.constant 0 : i32
      %dma_wait3A_240 = arith.constant 0 : i32
      %dma_wait3A_241 = tpu.memref_slice %arg3[%dma_wait3A_239, %dma_wait3A_240] : memref<8192x1024xf32, #tpu.memory_space<hbm>> -> memref<8192x1024xf32, #tpu.memory_space<hbm>>
      tpu.wait_indirect_dma semaphore(%arg9 : memref<!tpu.dma_semaphore, #tpu.memory_space<semaphore_mem>>) src(%dma_wait3A_241 : memref<8192x1024xf32, #tpu.memory_space<hbm>>) dst(%dma_wait3A_238 : memref<32x1024xf32, #tpu.memory_space<vmem>>)
      %add3A_242 = arith.constant 128 : i32
      %add3A_243 = arith.addi %mul3A_2, %add3A_242 : i32
      %run_scoped3A_244 = arith.constant 0 : i32
      "tpu.region"() ({
        %run_scoped3A_338 = tpu.sem_alloc : memref<!tpu.dma_semaphore, #tpu.memory_space<semaphore_mem>>
        %dma_start3A_339 = arith.constant 0 : i32
        %dma_start3A_340 = arith.constant 0 : i32
        %dma_start3A_341 = tpu.memref_slice %arg8[%run_scoped3A_244, %dma_start3A_339, %dma_start3A_340] : memref<2x56x1024xf32, #tpu.memory_space<vmem>> -> memref<1x32x1024xf32, #tpu.memory_space<vmem>>
        %dma_start3A_342 = tpu.memref_squeeze %dma_start3A_341 : memref<1x32x1024xf32, #tpu.memory_space<vmem>> -> memref<32x1024xf32, #tpu.memory_space<vmem>>
        %dma_start3A_343 = arith.constant 0 : i32
        %dma_start3A_344 = tpu.memref_slice %arg4[%add3A_243, %dma_start3A_343] : memref<8192x1024xf32, #tpu.memory_space<hbm>> -> memref<32x1024xf32, #tpu.memory_space<hbm>>
        %dma_start3A_345 = arith.constant 0 : i32
        %dma_start3A_346 = tpu.memref_slice %arg4[%add3A_243, %dma_start3A_345] : memref<8192x1024xf32, #tpu.memory_space<hbm>> -> memref<32x1024xf32, #tpu.memory_space<hbm>>
        %dma_start3A_347 = arith.constant 0 : i32
        %dma_start3A_348 = arith.constant 0 : i32
        %dma_start3A_349 = tpu.memref_slice %arg8[%run_scoped3A_244, %dma_start3A_347, %dma_start3A_348] : memref<2x56x1024xf32, #tpu.memory_space<vmem>> -> memref<1x32x1024xf32, #tpu.memory_space<vmem>>
        %dma_start3A_350 = tpu.memref_squeeze %dma_start3A_349 : memref<1x32x1024xf32, #tpu.memory_space<vmem>> -> memref<32x1024xf32, #tpu.memory_space<vmem>>
        tpu.enqueue_dma source(%dma_start3A_350 : memref<32x1024xf32, #tpu.memory_space<vmem>>) target(%dma_start3A_346 : memref<32x1024xf32, #tpu.memory_space<hbm>>) target_semaphore(%run_scoped3A_338 : memref<!tpu.dma_semaphore, #tpu.memory_space<semaphore_mem>>)
        %dma_wait3A_351 = arith.constant 0 : i32
        %dma_wait3A_352 = arith.constant 0 : i32
        %dma_wait3A_353 = tpu.memref_slice %arg8[%run_scoped3A_244, %dma_wait3A_351, %dma_wait3A_352] : memref<2x56x1024xf32, #tpu.memory_space<vmem>> -> memref<1x32x1024xf32, #tpu.memory_space<vmem>>
        %dma_wait3A_354 = tpu.memref_squeeze %dma_wait3A_353 : memref<1x32x1024xf32, #tpu.memory_space<vmem>> -> memref<32x1024xf32, #tpu.memory_space<vmem>>
        %dma_wait3A_355 = arith.constant 0 : i32
        %dma_wait3A_356 = tpu.memref_slice %arg4[%add3A_243, %dma_wait3A_355] : memref<8192x1024xf32, #tpu.memory_space<hbm>> -> memref<32x1024xf32, #tpu.memory_space<hbm>>
        %dma_wait3A_357 = arith.constant 0 : i32
        %dma_wait3A_358 = tpu.memref_slice %arg4[%add3A_243, %dma_wait3A_357] : memref<8192x1024xf32, #tpu.memory_space<hbm>> -> memref<32x1024xf32, #tpu.memory_space<hbm>>
        %dma_wait3A_359 = arith.constant 0 : i32
        %dma_wait3A_360 = arith.constant 0 : i32
        %dma_wait3A_361 = tpu.memref_slice %arg8[%run_scoped3A_244, %dma_wait3A_359, %dma_wait3A_360] : memref<2x56x1024xf32, #tpu.memory_space<vmem>> -> memref<1x32x1024xf32, #tpu.memory_space<vmem>>
        %dma_wait3A_362 = tpu.memref_squeeze %dma_wait3A_361 : memref<1x32x1024xf32, #tpu.memory_space<vmem>> -> memref<32x1024xf32, #tpu.memory_space<vmem>>
        tpu.wait_dma2 semaphore(%run_scoped3A_338 : memref<!tpu.dma_semaphore, #tpu.memory_space<semaphore_mem>>) src(%dma_wait3A_362 : memref<32x1024xf32, #tpu.memory_space<vmem>>) dst(%dma_wait3A_358 : memref<32x1024xf32, #tpu.memory_space<hbm>>)
        tpu.yield
      }) : () -> ()
      %add3A_245 = arith.constant 192 : i32
      %add3A_246 = arith.addi %mul3A_2, %add3A_245 : i32
      %add3A_247 = arith.constant 0 : i32
      %add3A_248 = arith.addi %add3A_246, %add3A_247 : i32
      %iota3A_249 = tpu.iota {dimensions = array<i32: 0>} : vector<16xi32>
      %add3A_250 = vector.broadcast %add3A_248 : i32 to vector<16xi32>
      %add3A_251 = arith.addi %add3A_250, %iota3A_249 : vector<16xi32>
      %rem3A_252 = arith.remsi %add3A_251, %get3A_4 : vector<16xi32>
      %swap3A_253 = arith.constant 0 : index
      %swap3A_254 = tpu.vector_load %arg6[%swap3A_253] {strides = array<i32>} : memref<32xi32, #tpu.memory_space<vmem>>, vector<16xi32>,
      %swap3A_255 = vector.shape_cast %swap3A_254 : vector<16xi32> to vector<16xi32>
      %swap3A_256 = vector.shape_cast %rem3A_252 : vector<16xi32> to vector<16xi32>
      tpu.vector_store %arg6[%swap3A_253], %swap3A_256 {strides = array<i32>} : memref<32xi32, #tpu.memory_space<vmem>>, vector<16xi32>,
      %add3A_257 = arith.constant 16 : i32
      %add3A_258 = arith.addi %add3A_246, %add3A_257 : i32
      %iota3A_259 = tpu.iota {dimensions = array<i32: 0>} : vector<16xi32>
      %add3A_260 = vector.broadcast %add3A_258 : i32 to vector<16xi32>
      %add3A_261 = arith.addi %add3A_260, %iota3A_259 : vector<16xi32>
      %rem3A_262 = arith.remsi %add3A_261, %get3A_4 : vector<16xi32>
      %swap3A_263 = arith.constant 16 : index
      %swap3A_264 = tpu.vector_load %arg6[%swap3A_263] {strides = array<i32>} : memref<32xi32, #tpu.memory_space<vmem>>, vector<16xi32>,
      %swap3A_265 = vector.shape_cast %swap3A_264 : vector<16xi32> to vector<16xi32>
      %swap3A_266 = vector.shape_cast %rem3A_262 : vector<16xi32> to vector<16xi32>
      tpu.vector_store %arg6[%swap3A_263], %swap3A_266 {strides = array<i32>} : memref<32xi32, #tpu.memory_space<vmem>>, vector<16xi32>,
      %dma_start3A_267 = arith.constant 0 : i32
      %dma_start3A_268 = arith.constant 0 : i32
      %dma_start3A_269 = arith.constant 0 : i32
      %dma_start3A_270 = tpu.memref_slice %arg8[%dma_start3A_267, %dma_start3A_268, %dma_start3A_269] : memref<2x56x1024xf32, #tpu.memory_space<vmem>> -> memref<1x32x1024xf32, #tpu.memory_space<vmem>>
      %dma_start3A_271 = tpu.memref_squeeze %dma_start3A_270 : memref<1x32x1024xf32, #tpu.memory_space<vmem>> -> memref<32x1024xf32, #tpu.memory_space<vmem>>
      %dma_start3A_272 = arith.constant 0 : i32
      %dma_start3A_273 = arith.constant 0 : i32
      %dma_start3A_274 = tpu.memref_slice %arg3[%dma_start3A_272, %dma_start3A_273] : memref<8192x1024xf32, #tpu.memory_space<hbm>> -> memref<8192x1024xf32, #tpu.memory_space<hbm>>
      tpu.enqueue_indirect_dma source(%dma_start3A_274 : memref<8192x1024xf32, #tpu.memory_space<hbm>>) target(%dma_start3A_271 : memref<32x1024xf32, #tpu.memory_space<vmem>>) offsets(%arg6 : memref<32xi32, #tpu.memory_space<vmem>>) semaphore(%arg9 : memref<!tpu.dma_semaphore, #tpu.memory_space<semaphore_mem>>)
      %dma_wait3A_275 = arith.constant 1 : i32
      %dma_wait3A_276 = arith.constant 0 : i32
      %dma_wait3A_277 = arith.constant 0 : i32
      %dma_wait3A_278 = tpu.memref_slice %arg8[%dma_wait3A_275, %dma_wait3A_276, %dma_wait3A_277] : memref<2x56x1024xf32, #tpu.memory_space<vmem>> -> memref<1x32x1024xf32, #tpu.memory_space<vmem>>
      %dma_wait3A_279 = tpu.memref_squeeze %dma_wait3A_278 : memref<1x32x1024xf32, #tpu.memory_space<vmem>> -> memref<32x1024xf32, #tpu.memory_space<vmem>>
      %dma_wait3A_280 = arith.constant 0 : i32
      %dma_wait3A_281 = arith.constant 0 : i32
      %dma_wait3A_282 = tpu.memref_slice %arg3[%dma_wait3A_280, %dma_wait3A_281] : memref<8192x1024xf32, #tpu.memory_space<hbm>> -> memref<8192x1024xf32, #tpu.memory_space<hbm>>
      tpu.wait_indirect_dma semaphore(%arg9 : memref<!tpu.dma_semaphore, #tpu.memory_space<semaphore_mem>>) src(%dma_wait3A_282 : memref<8192x1024xf32, #tpu.memory_space<hbm>>) dst(%dma_wait3A_279 : memref<32x1024xf32, #tpu.memory_space<vmem>>)
      %add3A_283 = arith.constant 160 : i32
      %add3A_284 = arith.addi %mul3A_2, %add3A_283 : i32
      %run_scoped3A_285 = arith.constant 1 : i32
      "tpu.region"() ({
        %run_scoped3A_338 = tpu.sem_alloc : memref<!tpu.dma_semaphore, #tpu.memory_space<semaphore_mem>>
        %dma_start3A_339 = arith.constant 0 : i32
        %dma_start3A_340 = arith.constant 0 : i32
        %dma_start3A_341 = tpu.memref_slice %arg8[%run_scoped3A_285, %dma_start3A_339, %dma_start3A_340] : memref<2x56x1024xf32, #tpu.memory_space<vmem>> -> memref<1x32x1024xf32, #tpu.memory_space<vmem>>
        %dma_start3A_342 = tpu.memref_squeeze %dma_start3A_341 : memref<1x32x1024xf32, #tpu.memory_space<vmem>> -> memref<32x1024xf32, #tpu.memory_space<vmem>>
        %dma_start3A_343 = arith.constant 0 : i32
        %dma_start3A_344 = tpu.memref_slice %arg4[%add3A_284, %dma_start3A_343] : memref<8192x1024xf32, #tpu.memory_space<hbm>> -> memref<32x1024xf32, #tpu.memory_space<hbm>>
        %dma_start3A_345 = arith.constant 0 : i32
        %dma_start3A_346 = tpu.memref_slice %arg4[%add3A_284, %dma_start3A_345] : memref<8192x1024xf32, #tpu.memory_space<hbm>> -> memref<32x1024xf32, #tpu.memory_space<hbm>>
        %dma_start3A_347 = arith.constant 0 : i32
        %dma_start3A_348 = arith.constant 0 : i32
        %dma_start3A_349 = tpu.memref_slice %arg8[%run_scoped3A_285, %dma_start3A_347, %dma_start3A_348] : memref<2x56x1024xf32, #tpu.memory_space<vmem>> -> memref<1x32x1024xf32, #tpu.memory_space<vmem>>
        %dma_start3A_350 = tpu.memref_squeeze %dma_start3A_349 : memref<1x32x1024xf32, #tpu.memory_space<vmem>> -> memref<32x1024xf32, #tpu.memory_space<vmem>>
        tpu.enqueue_dma source(%dma_start3A_350 : memref<32x1024xf32, #tpu.memory_space<vmem>>) target(%dma_start3A_346 : memref<32x1024xf32, #tpu.memory_space<hbm>>) target_semaphore(%run_scoped3A_338 : memref<!tpu.dma_semaphore, #tpu.memory_space<semaphore_mem>>)
        %dma_wait3A_351 = arith.constant 0 : i32
        %dma_wait3A_352 = arith.constant 0 : i32
        %dma_wait3A_353 = tpu.memref_slice %arg8[%run_scoped3A_285, %dma_wait3A_351, %dma_wait3A_352] : memref<2x56x1024xf32, #tpu.memory_space<vmem>> -> memref<1x32x1024xf32, #tpu.memory_space<vmem>>
        %dma_wait3A_354 = tpu.memref_squeeze %dma_wait3A_353 : memref<1x32x1024xf32, #tpu.memory_space<vmem>> -> memref<32x1024xf32, #tpu.memory_space<vmem>>
        %dma_wait3A_355 = arith.constant 0 : i32
        %dma_wait3A_356 = tpu.memref_slice %arg4[%add3A_284, %dma_wait3A_355] : memref<8192x1024xf32, #tpu.memory_space<hbm>> -> memref<32x1024xf32, #tpu.memory_space<hbm>>
        %dma_wait3A_357 = arith.constant 0 : i32
        %dma_wait3A_358 = tpu.memref_slice %arg4[%add3A_284, %dma_wait3A_357] : memref<8192x1024xf32, #tpu.memory_space<hbm>> -> memref<32x1024xf32, #tpu.memory_space<hbm>>
        %dma_wait3A_359 = arith.constant 0 : i32
        %dma_wait3A_360 = arith.constant 0 : i32
        %dma_wait3A_361 = tpu.memref_slice %arg8[%run_scoped3A_285, %dma_wait3A_359, %dma_wait3A_360] : memref<2x56x1024xf32, #tpu.memory_space<vmem>> -> memref<1x32x1024xf32, #tpu.memory_space<vmem>>
        %dma_wait3A_362 = tpu.memref_squeeze %dma_wait3A_361 : memref<1x32x1024xf32, #tpu.memory_space<vmem>> -> memref<32x1024xf32, #tpu.memory_space<vmem>>
        tpu.wait_dma2 semaphore(%run_scoped3A_338 : memref<!tpu.dma_semaphore, #tpu.memory_space<semaphore_mem>>) src(%dma_wait3A_362 : memref<32x1024xf32, #tpu.memory_space<vmem>>) dst(%dma_wait3A_358 : memref<32x1024xf32, #tpu.memory_space<hbm>>)
        tpu.yield
      }) : () -> ()
      %add3A_286 = arith.constant 224 : i32
      %add3A_287 = arith.addi %mul3A_2, %add3A_286 : i32
      %add3A_288 = arith.constant 0 : i32
      %add3A_289 = arith.addi %add3A_287, %add3A_288 : i32
      %iota3A_290 = tpu.iota {dimensions = array<i32: 0>} : vector<16xi32>
      %add3A_291 = vector.broadcast %add3A_289 : i32 to vector<16xi32>
      %add3A_292 = arith.addi %add3A_291, %iota3A_290 : vector<16xi32>
      %rem3A_293 = arith.remsi %add3A_292, %get3A_4 : vector<16xi32>
      %swap3A_294 = arith.constant 0 : index
      %swap3A_295 = tpu.vector_load %arg7[%swap3A_294] {strides = array<i32>} : memref<32xi32, #tpu.memory_space<vmem>>, vector<16xi32>,
      %swap3A_296 = vector.shape_cast %swap3A_295 : vector<16xi32> to vector<16xi32>
      %swap3A_297 = vector.shape_cast %rem3A_293 : vector<16xi32> to vector<16xi32>
      tpu.vector_store %arg7[%swap3A_294], %swap3A_297 {strides = array<i32>} : memref<32xi32, #tpu.memory_space<vmem>>, vector<16xi32>,
      %add3A_298 = arith.constant 16 : i32
      %add3A_299 = arith.addi %add3A_287, %add3A_298 : i32
      %iota3A_300 = tpu.iota {dimensions = array<i32: 0>} : vector<16xi32>
      %add3A_301 = vector.broadcast %add3A_299 : i32 to vector<16xi32>
      %add3A_302 = arith.addi %add3A_301, %iota3A_300 : vector<16xi32>
      %rem3A_303 = arith.remsi %add3A_302, %get3A_4 : vector<16xi32>
      %swap3A_304 = arith.constant 16 : index
      %swap3A_305 = tpu.vector_load %arg7[%swap3A_304] {strides = array<i32>} : memref<32xi32, #tpu.memory_space<vmem>>, vector<16xi32>,
      %swap3A_306 = vector.shape_cast %swap3A_305 : vector<16xi32> to vector<16xi32>
      %swap3A_307 = vector.shape_cast %rem3A_303 : vector<16xi32> to vector<16xi32>
      tpu.vector_store %arg7[%swap3A_304], %swap3A_307 {strides = array<i32>} : memref<32xi32, #tpu.memory_space<vmem>>, vector<16xi32>,
      %dma_start3A_308 = arith.constant 1 : i32
      %dma_start3A_309 = arith.constant 0 : i32
      %dma_start3A_310 = arith.constant 0 : i32
      %dma_start3A_311 = tpu.memref_slice %arg8[%dma_start3A_308, %dma_start3A_309, %dma_start3A_310] : memref<2x56x1024xf32, #tpu.memory_space<vmem>> -> memref<1x32x1024xf32, #tpu.memory_space<vmem>>
      %dma_start3A_312 = tpu.memref_squeeze %dma_start3A_311 : memref<1x32x1024xf32, #tpu.memory_space<vmem>> -> memref<32x1024xf32, #tpu.memory_space<vmem>>
      %dma_start3A_313 = arith.constant 0 : i32
      %dma_start3A_314 = arith.constant 0 : i32
      %dma_start3A_315 = tpu.memref_slice %arg3[%dma_start3A_313, %dma_start3A_314] : memref<8192x1024xf32, #tpu.memory_space<hbm>> -> memref<8192x1024xf32, #tpu.memory_space<hbm>>
      tpu.enqueue_indirect_dma source(%dma_start3A_315 : memref<8192x1024xf32, #tpu.memory_space<hbm>>) target(%dma_start3A_312 : memref<32x1024xf32, #tpu.memory_space<vmem>>) offsets(%arg7 : memref<32xi32, #tpu.memory_space<vmem>>) semaphore(%arg9 : memref<!tpu.dma_semaphore, #tpu.memory_space<semaphore_mem>>)
      %dma_wait3A_316 = arith.constant 0 : i32
      %dma_wait3A_317 = arith.constant 0 : i32
      %dma_wait3A_318 = arith.constant 0 : i32
      %dma_wait3A_319 = tpu.memref_slice %arg8[%dma_wait3A_316, %dma_wait3A_317, %dma_wait3A_318] : memref<2x56x1024xf32, #tpu.memory_space<vmem>> -> memref<1x32x1024xf32, #tpu.memory_space<vmem>>
      %dma_wait3A_320 = tpu.memref_squeeze %dma_wait3A_319 : memref<1x32x1024xf32, #tpu.memory_space<vmem>> -> memref<32x1024xf32, #tpu.memory_space<vmem>>
      %dma_wait3A_321 = arith.constant 0 : i32
      %dma_wait3A_322 = arith.constant 0 : i32
      %dma_wait3A_323 = tpu.memref_slice %arg3[%dma_wait3A_321, %dma_wait3A_322] : memref<8192x1024xf32, #tpu.memory_space<hbm>> -> memref<8192x1024xf32, #tpu.memory_space<hbm>>
      tpu.wait_indirect_dma semaphore(%arg9 : memref<!tpu.dma_semaphore, #tpu.memory_space<semaphore_mem>>) src(%dma_wait3A_323 : memref<8192x1024xf32, #tpu.memory_space<hbm>>) dst(%dma_wait3A_320 : memref<32x1024xf32, #tpu.memory_space<vmem>>)
      %add3A_324 = arith.constant 192 : i32
      %add3A_325 = arith.addi %mul3A_2, %add3A_324 : i32
      %run_scoped3A_326 = arith.constant 0 : i32
      "tpu.region"() ({
        %run_scoped3A_338 = tpu.sem_alloc : memref<!tpu.dma_semaphore, #tpu.memory_space<semaphore_mem>>
        %dma_start3A_339 = arith.constant 0 : i32
        %dma_start3A_340 = arith.constant 0 : i32
        %dma_start3A_341 = tpu.memref_slice %arg8[%run_scoped3A_326, %dma_start3A_339, %dma_start3A_340] : memref<2x56x1024xf32, #tpu.memory_space<vmem>> -> memref<1x32x1024xf32, #tpu.memory_space<vmem>>
        %dma_start3A_342 = tpu.memref_squeeze %dma_start3A_341 : memref<1x32x1024xf32, #tpu.memory_space<vmem>> -> memref<32x1024xf32, #tpu.memory_space<vmem>>
        %dma_start3A_343 = arith.constant 0 : i32
        %dma_start3A_344 = tpu.memref_slice %arg4[%add3A_325, %dma_start3A_343] : memref<8192x1024xf32, #tpu.memory_space<hbm>> -> memref<32x1024xf32, #tpu.memory_space<hbm>>
        %dma_start3A_345 = arith.constant 0 : i32
        %dma_start3A_346 = tpu.memref_slice %arg4[%add3A_325, %dma_start3A_345] : memref<8192x1024xf32, #tpu.memory_space<hbm>> -> memref<32x1024xf32, #tpu.memory_space<hbm>>
        %dma_start3A_347 = arith.constant 0 : i32
        %dma_start3A_348 = arith.constant 0 : i32
        %dma_start3A_349 = tpu.memref_slice %arg8[%run_scoped3A_326, %dma_start3A_347, %dma_start3A_348] : memref<2x56x1024xf32, #tpu.memory_space<vmem>> -> memref<1x32x1024xf32, #tpu.memory_space<vmem>>
        %dma_start3A_350 = tpu.memref_squeeze %dma_start3A_349 : memref<1x32x1024xf32, #tpu.memory_space<vmem>> -> memref<32x1024xf32, #tpu.memory_space<vmem>>
        tpu.enqueue_dma source(%dma_start3A_350 : memref<32x1024xf32, #tpu.memory_space<vmem>>) target(%dma_start3A_346 : memref<32x1024xf32, #tpu.memory_space<hbm>>) target_semaphore(%run_scoped3A_338 : memref<!tpu.dma_semaphore, #tpu.memory_space<semaphore_mem>>)
        %dma_wait3A_351 = arith.constant 0 : i32
        %dma_wait3A_352 = arith.constant 0 : i32
        %dma_wait3A_353 = tpu.memref_slice %arg8[%run_scoped3A_326, %dma_wait3A_351, %dma_wait3A_352] : memref<2x56x1024xf32, #tpu.memory_space<vmem>> -> memref<1x32x1024xf32, #tpu.memory_space<vmem>>
        %dma_wait3A_354 = tpu.memref_squeeze %dma_wait3A_353 : memref<1x32x1024xf32, #tpu.memory_space<vmem>> -> memref<32x1024xf32, #tpu.memory_space<vmem>>
        %dma_wait3A_355 = arith.constant 0 : i32
        %dma_wait3A_356 = tpu.memref_slice %arg4[%add3A_325, %dma_wait3A_355] : memref<8192x1024xf32, #tpu.memory_space<hbm>> -> memref<32x1024xf32, #tpu.memory_space<hbm>>
        %dma_wait3A_357 = arith.constant 0 : i32
        %dma_wait3A_358 = tpu.memref_slice %arg4[%add3A_325, %dma_wait3A_357] : memref<8192x1024xf32, #tpu.memory_space<hbm>> -> memref<32x1024xf32, #tpu.memory_space<hbm>>
        %dma_wait3A_359 = arith.constant 0 : i32
        %dma_wait3A_360 = arith.constant 0 : i32
        %dma_wait3A_361 = tpu.memref_slice %arg8[%run_scoped3A_326, %dma_wait3A_359, %dma_wait3A_360] : memref<2x56x1024xf32, #tpu.memory_space<vmem>> -> memref<1x32x1024xf32, #tpu.memory_space<vmem>>
        %dma_wait3A_362 = tpu.memref_squeeze %dma_wait3A_361 : memref<1x32x1024xf32, #tpu.memory_space<vmem>> -> memref<32x1024xf32, #tpu.memory_space<vmem>>
        tpu.wait_dma2 semaphore(%run_scoped3A_338 : memref<!tpu.dma_semaphore, #tpu.memory_space<semaphore_mem>>) src(%dma_wait3A_362 : memref<32x1024xf32, #tpu.memory_space<vmem>>) dst(%dma_wait3A_358 : memref<32x1024xf32, #tpu.memory_space<hbm>>)
        tpu.yield
      }) : () -> ()
      %dma_wait3A_327 = arith.constant 1 : i32
      %dma_wait3A_328 = arith.constant 0 : i32
      %dma_wait3A_329 = arith.constant 0 : i32
      %dma_wait3A_330 = tpu.memref_slice %arg8[%dma_wait3A_327, %dma_wait3A_328, %dma_wait3A_329] : memref<2x56x1024xf32, #tpu.memory_space<vmem>> -> memref<1x32x1024xf32, #tpu.memory_space<vmem>>
      %dma_wait3A_331 = tpu.memref_squeeze %dma_wait3A_330 : memref<1x32x1024xf32, #tpu.memory_space<vmem>> -> memref<32x1024xf32, #tpu.memory_space<vmem>>
      %dma_wait3A_332 = arith.constant 0 : i32
      %dma_wait3A_333 = arith.constant 0 : i32
      %dma_wait3A_334 = tpu.memref_slice %arg3[%dma_wait3A_332, %dma_wait3A_333] : memref<8192x1024xf32, #tpu.memory_space<hbm>> -> memref<8192x1024xf32, #tpu.memory_space<hbm>>
      tpu.wait_indirect_dma semaphore(%arg9 : memref<!tpu.dma_semaphore, #tpu.memory_space<semaphore_mem>>) src(%dma_wait3A_334 : memref<8192x1024xf32, #tpu.memory_space<hbm>>) dst(%dma_wait3A_331 : memref<32x1024xf32, #tpu.memory_space<vmem>>)
      %add3A_335 = arith.constant 224 : i32
      %add3A_336 = arith.addi %mul3A_2, %add3A_335 : i32
      %run_scoped3A_337 = arith.constant 1 : i32
      "tpu.region"() ({
        %run_scoped3A_338 = tpu.sem_alloc : memref<!tpu.dma_semaphore, #tpu.memory_space<semaphore_mem>>
        %dma_start3A_339 = arith.constant 0 : i32
        %dma_start3A_340 = arith.constant 0 : i32
        %dma_start3A_341 = tpu.memref_slice %arg8[%run_scoped3A_337, %dma_start3A_339, %dma_start3A_340] : memref<2x56x1024xf32, #tpu.memory_space<vmem>> -> memref<1x32x1024xf32, #tpu.memory_space<vmem>>
        %dma_start3A_342 = tpu.memref_squeeze %dma_start3A_341 : memref<1x32x1024xf32, #tpu.memory_space<vmem>> -> memref<32x1024xf32, #tpu.memory_space<vmem>>
        %dma_start3A_343 = arith.constant 0 : i32
        %dma_start3A_344 = tpu.memref_slice %arg4[%add3A_336, %dma_start3A_343] : memref<8192x1024xf32, #tpu.memory_space<hbm>> -> memref<32x1024xf32, #tpu.memory_space<hbm>>
        %dma_start3A_345 = arith.constant 0 : i32
        %dma_start3A_346 = tpu.memref_slice %arg4[%add3A_336, %dma_start3A_345] : memref<8192x1024xf32, #tpu.memory_space<hbm>> -> memref<32x1024xf32, #tpu.memory_space<hbm>>
        %dma_start3A_347 = arith.constant 0 : i32
        %dma_start3A_348 = arith.constant 0 : i32
        %dma_start3A_349 = tpu.memref_slice %arg8[%run_scoped3A_337, %dma_start3A_347, %dma_start3A_348] : memref<2x56x1024xf32, #tpu.memory_space<vmem>> -> memref<1x32x1024xf32, #tpu.memory_space<vmem>>
        %dma_start3A_350 = tpu.memref_squeeze %dma_start3A_349 : memref<1x32x1024xf32, #tpu.memory_space<vmem>> -> memref<32x1024xf32, #tpu.memory_space<vmem>>
        tpu.enqueue_dma source(%dma_start3A_350 : memref<32x1024xf32, #tpu.memory_space<vmem>>) target(%dma_start3A_346 : memref<32x1024xf32, #tpu.memory_space<hbm>>) target_semaphore(%run_scoped3A_338 : memref<!tpu.dma_semaphore, #tpu.memory_space<semaphore_mem>>)
        %dma_wait3A_351 = arith.constant 0 : i32
        %dma_wait3A_352 = arith.constant 0 : i32
        %dma_wait3A_353 = tpu.memref_slice %arg8[%run_scoped3A_337, %dma_wait3A_351, %dma_wait3A_352] : memref<2x56x1024xf32, #tpu.memory_space<vmem>> -> memref<1x32x1024xf32, #tpu.memory_space<vmem>>
        %dma_wait3A_354 = tpu.memref_squeeze %dma_wait3A_353 : memref<1x32x1024xf32, #tpu.memory_space<vmem>> -> memref<32x1024xf32, #tpu.memory_space<vmem>>
        %dma_wait3A_355 = arith.constant 0 : i32
        %dma_wait3A_356 = tpu.memref_slice %arg4[%add3A_336, %dma_wait3A_355] : memref<8192x1024xf32, #tpu.memory_space<hbm>> -> memref<32x1024xf32, #tpu.memory_space<hbm>>
        %dma_wait3A_357 = arith.constant 0 : i32
        %dma_wait3A_358 = tpu.memref_slice %arg4[%add3A_336, %dma_wait3A_357] : memref<8192x1024xf32, #tpu.memory_space<hbm>> -> memref<32x1024xf32, #tpu.memory_space<hbm>>
        %dma_wait3A_359 = arith.constant 0 : i32
        %dma_wait3A_360 = arith.constant 0 : i32
        %dma_wait3A_361 = tpu.memref_slice %arg8[%run_scoped3A_337, %dma_wait3A_359, %dma_wait3A_360] : memref<2x56x1024xf32, #tpu.memory_space<vmem>> -> memref<1x32x1024xf32, #tpu.memory_space<vmem>>
        %dma_wait3A_362 = tpu.memref_squeeze %dma_wait3A_361 : memref<1x32x1024xf32, #tpu.memory_space<vmem>> -> memref<32x1024xf32, #tpu.memory_space<vmem>>
        tpu.wait_dma2 semaphore(%run_scoped3A_338 : memref<!tpu.dma_semaphore, #tpu.memory_space<semaphore_mem>>) src(%dma_wait3A_362 : memref<32x1024xf32, #tpu.memory_space<vmem>>) dst(%dma_wait3A_358 : memref<32x1024xf32, #tpu.memory_space<hbm>>)
        tpu.yield
      }) : () -> ()
    } else {
    }
    return
  }
}

</mosaic_0001>

<sc_bundles>
// kernel: kernel.3.cloned.1.call-start
scs
__scs_entry_jumppad:
0x0: {  	(pc) =	sbr.rel $0x88, $3  }
0x1: {  	(tag) =	ssettag $0x0;
	lr =	simm.s32 $0x1  }
0x2: {  	[smem:$0x3F9F] =	sst lr;
	_ =	strace $0xD0000000  }
0x3: {  	_ = 	snop  }
0x4: {  	_ = 	snop  }
0x5: {  	_ = 	snop  }
0x6: {  	_ = 	snop  }
0x7: {  	_ = 	snop  }
__scs_overlays_trampoline_lowered:
0x8: {  	[smem:$0x3FAE] =	sst s0  }
0x9: {  	[smem:$0x3FAF] =	sst s1  }
0xa: {  	[smem:$0x3FB0] =	sst s2  }
0xb: {  	[smem:$0x3FB1] =	sst s3  }
0xc: {  	[smem:$0x3FB2] =	sst s4  }
0xd: {  	[smem:$0x3FB3] =	sst s5  }
0xe: {  	[smem:$0x3FB4] =	sst s6  }
0xf: {  	[smem:$0x3FB5] =	sst s7  }
0x10: {  	[smem:$0x3FB6] =	sst s8  }
0x11: {  	[smem:$0x3FB7] =	sst s9;
	s0 =	simm.s32 @!p0 $0x0  }
0x12: {  	s1 =	sld [smem:$0x3F9D];
	s0 =	simm.s32 @p0 $0x1  }
0x13: {  	[smem:$0x3FB8] =	sst s0;
	s0 =	simm.s32 @!p1 $0x0  }
0x14: {  	s2 =	sld [smem:$0x3F9C];
	s0 =	simm.s32 @p1 $0x1  }
0x15: {  	[smem:$0x3FB9] =	sst s0;
	s0 =	simm.s32 @!p2 $0x0  }
0x16: {  	s3 =	sld [smem:$0x3FDB];
	s0 =	simm.s32 @p2 $0x1  }
0x17: {  	s4 =	simm.s32 $0x1BF5;
	[smem:$0x3FBB] =	sst s0  }
0x18: {  	s0 =	sld [smem:$0x3F9E];
	_ =	swait.ge [sflag:s4], $0x0  }
0x19: {  	s7 =	sld [smem:$0x3F9F]  }
0x1a: {  	s8 =	sadd.s32 $0xFFFFE003, lr  }
0x1b: {  	s9 =	sadd.s32 $0xFFFFFEF7, lr;
	s5 =	simm.s32 $0xFFFFFFFF;
	p2 =	slt.u32 s8, $0xFFFFF086  }
0x1c: {  	p1 =	slt.u32 s9, $0xF7A;
	s5 =	simm.s32 @!p2 $0x0  }
0x1d: {  	s5 =	simm.s32 @p1 $0x1;
	p0 =	seq.s32 s7, s2  }
0x1e: {  	s7 =	smul.u32 @!p0 $0xF7A, s2;
	p2 =	seq.s32 @!p0 s5, $0x0  }
0x1f: {  	s9 =	smul.u32 $0xF7A, s1;
	s8 =	simm.s32 @!p0 $0x1BF5;
	p2 =	por !p2, p0  }
0x20: {  	[sflag:s8] =	ssyncset.s32 @!p0 $0xFFFFF086;
	s6 =	sadd.s32 @!p0 s3, s7;
	s7 =	simm.s32 @!p0 $0x108  }
0x21: {  	s3 =	sadd.s32 s3, s9;
	s6 =	sadd.s32 @!p0 $0x88, s6;
	s7 =	simm.s32 @p2 $0x1082  }
0x22: {  	[simem:s7], [sflag:s8] =	dma.local @!p0 [hbm:s6], $0xF7A  }
0x23: {  	s9 =	sor.u32 $0xD0000000, s2;
	s6 =	simm.s32 $0x108;
	_ =	swait.ge @!p0 [sflag:s8], $0x0  }
0x24: {  	s3 =	sadd.s32 $0x88, s3;
	s6 =	simm.s32 @!p1 $0x1082;
	[sflag:s4] =	ssyncset.s32 $0xFFFFF086  }
0x25: {  	[simem:s6], [sflag:s4] =	dma.local [hbm:s3], $0xF7A  }
0x26: {  	[smem:$0x3F9F] =	sst s1;
	(tag) =	ssettag s2;
	_ =	strace s9  }
0x27: {  	s1 =	sld [smem:$0x3FAF]  }
0x28: {  	s2 =	sld [smem:$0x3FB0]  }
0x29: {  	s4 =	sld [smem:$0x3FB2]  }
0x2a: {  	p0 =	seq.s32 s5, $0x0;
	s5 =	sld [smem:$0x3FB3]  }
0x2b: {  	s6 =	sld [smem:$0x3FB4]  }
0x2c: {  	s7 =	sld [smem:$0x3FB5]  }
0x2d: {  	s3 =	simm.s32 $0x108;
	s8 =	sld [smem:$0x3FB6]  }
0x2e: {  	s3 =	simm.s32 @!p0 $0x1082;
	s9 =	sld [smem:$0x3FB7]  }
0x2f: {  	lr =	sadd.s32 s0, s3;
	s0 =	sld [smem:$0x3FAE]  }
0x30: {  	s3 =	sld [smem:$0x3FB1]  }
0x31: {  	[smem:$0x3FBA] =	sst s10  }
0x32: {  	s10 =	sld [smem:$0x3FB8];
	_ =	sdelay $0x3  }
0x33: {  	p0 =	seq.s32 s10, $0x1;
	s10 =	sld [smem:$0x3FBA];
	_ =	sdelay $0x3  }
0x34: {  	[smem:$0x3FBA] =	sst s10  }
0x35: {  	s10 =	sld [smem:$0x3FB9];
	_ =	sdelay $0x3  }
0x36: {  	p1 =	seq.s32 s10, $0x1;
	s10 =	sld [smem:$0x3FBA];
	_ =	sdelay $0x3  }
0x37: {  	[smem:$0x3FBA] =	sst s10  }
0x38: {  	s10 =	sld [smem:$0x3FBB]  }
0x39: {  	_ = 	snop;
	(pc) =	sbr.ind lr, $3  }
0x3a: {  	_ = 	snop  }
0x3b: {  	_ = 	snop  }
0x3c: {  	p2 =	seq.s32 s10, $0x1;
	s10 =	sld [smem:$0x3FBA]  }
0x3d: {  	_ =	shalt  }
0x3e: {  	_ =	shalt  }
0x3f: {  	_ =	shalt  }
0x40: {  	_ =	shalt  }
0x41: {  	_ =	shalt  }
0x42: {  	_ =	shalt  }
0x43: {  	_ =	shalt  }
0x44: {  	_ =	shalt  }
0x45: {  	_ =	shalt  }
0x46: {  	_ =	shalt  }
0x47: {  	_ =	shalt  }
0x48: {  	_ =	shalt  }
0x49: {  	_ =	shalt  }
0x4a: {  	_ =	shalt  }
0x4b: {  	_ =	shalt  }
0x4c: {  	_ =	shalt  }
0x4d: {  	_ =	shalt  }
0x4e: {  	_ =	shalt  }
0x4f: {  	_ =	shalt  }
0x50: {  	_ =	shalt  }
0x51: {  	_ =	shalt  }
0x52: {  	_ =	shalt  }
0x53: {  	_ =	shalt  }
0x54: {  	_ =	shalt  }
0x55: {  	_ =	shalt  }
0x56: {  	_ =	shalt  }
0x57: {  	_ =	shalt  }
0x58: {  	_ =	shalt  }
0x59: {  	_ =	shalt  }
0x5a: {  	_ =	shalt  }
0x5b: {  	_ =	shalt  }
0x5c: {  	_ =	shalt  }
0x5d: {  	_ =	shalt  }
0x5e: {  	_ =	shalt  }
0x5f: {  	_ =	shalt  }
0x60: {  	_ =	shalt  }
0x61: {  	_ =	shalt  }
0x62: {  	_ =	shalt  }
0x63: {  	_ =	shalt  }
0x64: {  	_ =	shalt  }
0x65: {  	_ =	shalt  }
0x66: {  	_ =	shalt  }
0x67: {  	_ =	shalt  }
0x68: {  	_ =	shalt  }
0x69: {  	_ =	shalt  }
0x6a: {  	_ =	shalt  }
0x6b: {  	_ =	shalt  }
0x6c: {  	_ =	shalt  }
0x6d: {  	_ =	shalt  }
0x6e: {  	_ =	shalt  }
0x6f: {  	_ =	shalt  }
0x70: {  	_ =	shalt  }
0x71: {  	_ =	shalt  }
0x72: {  	_ =	shalt  }
0x73: {  	_ =	shalt  }
0x74: {  	_ =	shalt  }
0x75: {  	_ =	shalt  }
0x76: {  	_ =	shalt  }
0x77: {  	_ =	shalt  }
0x78: {  	_ =	shalt  }
0x79: {  	_ =	shalt  }
0x7a: {  	_ =	shalt  }
0x7b: {  	_ =	shalt  }
0x7c: {  	_ =	shalt  }
0x7d: {  	_ =	shalt  }
0x7e: {  	_ =	shalt  }
0x7f: {  	_ =	shalt  }
0x80: {  	_ =	shalt  }
0x81: {  	_ =	shalt  }
0x82: {  	_ =	shalt  }
0x83: {  	_ =	shalt  }
0x84: {  	_ =	shalt  }
0x85: {  	_ =	shalt  }
0x86: {  	_ =	shalt  }
0x87: {  	_ =	shalt  }
.Lfunc_end0:
.L_simem_size_0:
called_computation_lowered:
.L_overlay_start_0:
0x88: {  	s2 =	sld [smem:$0x3FD9]  }
0x89: {  	s3 =	sld [smem:$0x3FFE];
	_ =	sdelay $0x1  }
0x8a: {  	s1 =	srdreg.scid  }
0x8b: {  	s0 =	sand.u32 $0x1, s1  }
0x8c: {  	s17 =	sshll.u32 s0, $0xA;
	s2 =	sadd.s32 s3, s2  }
0x8d: {  	s2 =	sadd.s32 s2, s17  }
0x8e: {  	[smem:$0x3FC6] =	sst s2  }
0x8f: {  	_ = 	snop  }
0x90: {  	s2 =	sld [smem:$0x3FC8]  }
0x91: {  	s18 =	sld [smem:$0x3FD0];
	(tm) =	ssettm $0x1  }
0x92: {  	s4 =	sld [smem:$0x3FFB];
	_ =	sdelay $0x3  }
0x93: {  	_ =	strace s4  }
0x94: {  	s4 =	sld [smem:$0x3FFC];
	_ =	sdelay $0x3  }
0x95: {  	_ =	strace s4  }
0x96: {  	s4 =	sld [smem:$0x3FFD];
	_ =	sdelay $0x3  }
0x97: {  	_ =	strace s4  }
0x98: {  	_ =	strace $0x8FFFFFFF  }
0x99: {  	s19 =	sld [smem:$0x3FDB];
	_ =	sdelay $0x1  }
0x9a: {  	s5 =	simm.s32 $_scs_section_size  }
0x9b: {  	s6 =	simm.s32 $_size__tile_overlayer_lowered;
	s7 =	simm.s32 $_tile_overlayer_lowered  }
0x9c: {  	s22 =	simm.s32 $0x1BFF;
	s21 =	sshll.u32 s7, $0x1;
	s4 =	sadd.s32 s5, s19  }
0x9d: {  	s8 =	simm.s32 $0x0;
	s20 =	sshll.u32 s6, $0x1;
	s6 =	sadd.s32 s21, s4  }
0x9e: {  	[timem:s8], [sflag:s22] =	dma.local [hbm:s6], s20  }
0x9f: {  	_ =	swait.ge [sflag:s22], s20  }
0xa0: {  	s5 =	ssub.s32 $0x0, s20;
	[sflag:s22] =	ssyncset.done $0x0  }
0xa1: {  	[sflag:s22] =	ssyncadd.s32 s5;
	_ =	sdelay $0x1  }
0xa2: {  	s23 =	simm.s32 $0x1B8B  }
0xa3: {  	_ =	swait.ge [sflag:s23], $0x1  }
0xa4: {  	[sflag:s23] =	ssyncset.done $0x0  }
0xa5: {  	s25 =	simm.s32 $0x1B8E;
	s24 =	sld [smem:$0x3FFE];
	[sflag:s23] =	ssyncadd.s32 $0xFFFFFFFF  }
0xa6: {  	s26 =	simm.s32 $execute0_lowered;
	[smem:$0x3FD2] =	sst s25  }
0xa7: {  	s6 =	sshll.u32 s26, $0x1;
	_ =	strace $0x80000046;
	[dreg:$0x1] =	wrdreg $0xFFFFFFFF  }
0xa8: {  	s28 =	simm.s32 $_size_execute0_lowered;
	s4 =	sadd.s32 s4, s6;
	[dreg:$0x0] =	wrdreg $0x0  }
0xa9: {  	s6 =	sshll.u32 s28, $0x1;
	[dreg:$0x2] =	wrdreg s4  }
0xaa: {  	[dreg:$0x3] =	wrdreg s6  }
0xab: {  	[dreg:$0x4] =	wrdreg $0xC0  }
0xac: {  	_ =	task [dreg:s8], $0x5FFFF  }
0xad: {  	[dreg:$0x1] =	wrdreg $0xFFFFFFFF  }
0xae: {  	[dreg:$0x0] =	wrdreg $0x60  }
0xaf: {  	[dreg:$0x2] =	wrdreg s24  }
0xb0: {  	[dreg:$0x3] =	wrdreg s2  }
0xb1: {  	[dreg:$0x4] =	wrdreg s18  }
0xb2: {  	[dreg:$0x5] =	wrdreg $0x9  }
0xb3: {  	_ =	task.clear_ibuf [dreg:s8], $0x6FFFF;
	_ =	strace $0x90000046  }
0xb4: {  	s29 =	simm.s32 $0x9;
	_ =	strace $0x80000048  }
0xb5: {  	_ =	swait.ge [sflag:s29], $0x1  }
0xb6: {  	[sflag:s29] =	ssyncadd.s32 $0xFFFFFFFF  }
0xb7: {  	_ =	strace $0x90000048  }
0xb8: {  	_ =	sfence  }
0xb9: {  	s30 =	sld [smem:$0x0];
	_ =	sdelay $0x2  }
0xba: {  	s31 =	sshll.u32 s1, $0xD;
	s1 =	sshrl.u32 s1, $0x2  }
0xbb: {  	s3 =	sand.u32 $0x4000, s31;
	s1 =	sadd.s32 s1, s30  }
0xbc: {  	s0 =	sor.u32 s3, s0;
	s1 =	sshll.u32 s1, $0x11  }
0xbd: {  	s0 =	sor.u32 s1, s0  }
0xbe: {  	s0 =	sadd.s32 $0x8F2B, s0  }
0xbf: {  	[sflag:s0] =	ssyncadd.remote.s32 $0x1  }
0xc0: {  	_ =	sfence.sel $0xFFFF  }
0xc1: {  	[dreg:$0x0] =	wrdreg $0xFFFFFFFF;
	(pc) =	sbr.abs _section_cstart, $3  }
0xc2: {  	[dreg:$0x1] =	wrdreg $0xFFFFFFFF  }
0xc3: {  	_ =	task.clear_ibuf [dreg:s8], $0x2FFFF;
	_ =	strace $0x9FFFFFFF  }
0xc4: {  	(tm) =	ssettm $0x7FFFFFFF  }
0xc5: {  	_ =	shalt  }
tec
execute0_lowered:
.L_overlay_start_1:
0x0: {  	(tag) =	ssettag $0x1  }
0x1: {  	s0 =	rddreg [dreg:$0x0]  }
0x2: {  	s9 =	rddreg [dreg:$0x1]  }
0x3: {  	s1 =	rddreg [dreg:$0x2]  }
0x4: {  	s2 =	srdreg.scid;
	s4 =	stileid.u32;
	s3 =	simm.s32 $0x0  }
0x5: {  	s2 =	sand.u32 $0x1, s2;
	s4 =	sshll.u32 s4, $0x9;
	[smem:$0x7FF] =	sst s3  }
0x6: {  	s0 =	sadd.s32 $0x400, s0;
	s21 =	sadd.s32 $0x100, s9;
	s22 =	sadd.s32 $0x200, s9  }
0x7: {  	s25 =	sadd.s32 $0x300, s9;
	_ =	strace $0x80000047;
	[dreg:$0x5] =	wrdreg s0  }
0x8: {  	s5 =	sshll.u32 s2, $0x8;
	s2 =	ssub.s32 $0x2, s2;
	[dreg:$0x13] =	wrdreg s21  }
0x9: {  	[dreg:$0x14] =	wrdreg s22;
	s17 =	sor.u32 s5, s4;
	s29 =	sshrl.u32 s2, $0x1  }
0xa: {  	[dreg:$0x15] =	wrdreg s25;
	s4 =	sshll.u32 s17, $0x7;
	s0 =	ssub.s32 s2, s29  }
0xb: {  	s31 =	sor.u32 $0x20, s17;
	s5 =	sor.u32 $0x40, s17;
	s8 =	sor.u32 $0x80, s17  }
0xc: {  	s15 =	sor.u32 $0xA0, s17;
	s20 =	sor.u32 $0x10, s17;
	s26 =	sor.u32 $0x30, s17  }
0xd: {  	s28 =	sor.u32 $0x50, s17;
	s29 =	sor.u32 $0x70, s17;
	[dreg:$0x4] =	wrdreg s17  }
0xe: {  	s12 =	sadd.s32 s1, s4;
	s10 =	sshll.u32 s31, $0x7;
	s6 =	sshll.u32 s5, $0x7  }
0xf: {  	v18 =	vlaneseq.u32;
	s13 =	sshll.u32 s8, $0x7;
	s14 =	sshll.u32 s15, $0x7;
	s24 =	smax.u32 s0, $0x1  }
0x10: {  	vm0 =	vcmask $0x300;
	vm1 =	vcmask $0x704;
	v1 =	vor.u32 s31, v18;
	s31 =	sor.u32 $0xF0, s17;
	s30 =	sadd.s32 $0x1C00, s12;
	[dreg:$0x12] =	wrdreg s12  }
0x11: {  	vm2 =	vcmask $0xB08;
	vm3 =	vcmask $0xF0C;
	vm4 =	vcmask $0x1310;
	s18 =	sadd.s32 $0x3800, s12;
	s4 =	sadd.s32 s1, s10;
	[dreg:$0x6] =	wrdreg s30  }
0x12: {  	vm5 =	vcmask $0x1714;
	vm6 =	vcmask $0x1B18;
	vm7 =	vcmask $0x1F1C;
	s23 =	sadd.s32 $0x5400, s12;
	s6 =	sadd.s32 s1, s6;
	[dreg:$0x9] =	wrdreg s4  }
0x13: {  	vm8 =	vcmask $0x2320;
	vm9 =	vcmask $0x2724;
	vm10 =	vcmask $0x2B28;
	s10 =	sor.u32 $0xE0, s17;
	s4 =	sor.u32 $0x60, s17;
	[dreg:$0xa] =	wrdreg s6  }
0x14: {  	vm11 =	vcmask $0x2F2C;
	vm12 =	vcmask $0x3330;
	vm13 =	vcmask $0x3734;
	s6 =	sadd.s32 s1, s13;
	s19 =	sshll.u32 s10, $0x7;
	[dreg:$0x7] =	wrdreg s18  }
0x15: {  	vm14 =	vcmask $0x3B38;
	vm15 =	vmmov $0xffff;
	v17 =	vshrl.u32 v18, $0x3;
	s13 =	sor.u32 $0x90, s17;
	[dreg:$0x8] =	wrdreg s23;
	s7 =	sshll.u32 s4, $0x7  }
0x16: {  	v16 =	vand.u32 $0x7, v18;
	v17 =	vmul.u32 $0x8, v17;
	v15 =	vor.u32 s17, v18;
	[dreg:$0xc] =	wrdreg s6;
	s6 =	sor.u32 $0xC0, s17;
	s11 =	sadd.s32 s1, s7  }
.Ltmp0:
0x17: {  	v0 =	vor.u32 s20, v18;
	v2 =	vor.u32 s26, v18;
	v3 =	vor.u32 s5, v18;
	s7 =	sadd.s32 s1, s14;
	[dreg:$0xb] =	wrdreg s11;
	(pc) =	sbr.rel .LBB2_1-.Ltmp0, $4  }
0x18: {  	v4 =	vor.u32 s28, v18;
	v6 =	vor.u32 s29, v18;
	v7 =	vor.u32 s8, v18;
	s11 =	sshll.u32 s6, $0x7;
	[dreg:$0xd] =	wrdreg s7;
	s7 =	sadd.s32 $0x7000, s12  }
0x19: {  	v9 =	vor.u32 s15, v18;
	v14 =	vor.u32 s31, v18;
	s30 =	sor.u32 $0xD0, s17;
	v13 =	vor.u32 s10, v18;
	s16 =	sadd.s32 s1, s11;
	[dreg:$0x10] =	wrdreg s7  }
0x1a: {  	v5 =	vor.u32 s4, v18;
	v8 =	vor.u32 s13, v18;
	v12 =	vor.u32 s30, v18;
	s14 =	sor.u32 $0xB0, s17;
	s1 =	sadd.s32 s1, s19;
	[dreg:$0xe] =	wrdreg s16  }
0x1b: {  	s4 =	simm.s32 $0xE180;
	v11 =	vor.u32 s6, v18;
	v10 =	vor.u32 s14, v18;
	v18 =	vor.u32 $0x8, v18;
	s12 =	simm.s32 $0x1;
	[dreg:$0xf] =	wrdreg s1  }
.LBB2_3:
0x1c: {  	(v2sf) =	vpush v19, $0x0  }
0x1d: {  	(v2sf) =	vpush v15, $0x0  }
0x1e: {  	(v2sf) =	vpush v19, $0xF  }
0x1f: {  	(v2sf) =	vpush v15, $0xF  }
0x20: {  	(v2sf) =	vpush v19, $0x1;
	_ =	sdelay $0x2  }
0x21: {  	(v2sf) =	vpush v15, $0x1;
	_ =	sdelay $0x7  }
0x22: {  	s0 =	spop (v2sf)  }
0x23: {  	s1 =	spop (v2sf)  }
0x24: {  	s2 =	spop (v2sf)  }
0x25: {  	s4 =	sshra.s32 s0, $0x1F;
	(v2sf) =	vpush v19, $0x2;
	s5 =	spop (v2sf)  }
0x26: {  	s0 =	sxor.u32 s4, s0;
	s6 =	sshra.s32 s2, $0x1F;
	(v2sf) =	vpush v15, $0x2;
	s8 =	spop (v2sf)  }
0x27: {  	s10 =	ssub.s32 s0, s4;
	s4 =	sxor.u32 s6, s2;
	(v2sf) =	vpush v19, $0x3;
	s7 =	sshra.s32 s8, $0x1F  }
0x28: {  	(drf) =	srem.u32 s1, s10;
	s9 =	ssub.s32 s4, s6;
	(v2sf) =	vpush v15, $0x3;
	s11 =	sxor.u32 s7, s8  }
0x29: {  	s13 =	spop (v2sf);
	(drf) =	srem.u32 s5, s9;
	(v2sf) =	vpush v19, $0x4;
	s29 =	ssub.s32 s11, s7  }
0x2a: {  	(drf) =	srem.u32 s13, s29  }
0x2b: {  	(v2sf) =	vpush v15, $0x4  }
0x2c: {  	(v2sf) =	vpush v19, $0x5  }
0x2d: {  	(v2sf) =	vpush v15, $0x5  }
0x2e: {  	(v2sf) =	vpush v19, $0x6  }
0x2f: {  	(v2sf) =	vpush v15, $0x6  }
0x30: {  	(v2sf) =	vpush v19, $0x7  }
0x31: {  	s14 =	spop (drf);
	(v2sf) =	vpush v15, $0x7  }
0x32: {  	(v2sf) =	vpush v19, $0x8;
	s5 =	spop (drf)  }
0x33: {  	s11 =	spop (drf)  }
0x34: {  	(v2sf) =	vpush v15, $0x8;
	s15 =	spop (v2sf)  }
0x35: {  	s16 =	spop (v2sf)  }
0x36: {  	s17 =	sshra.s32 s15, $0x1F;
	s18 =	spop (v2sf)  }
0x37: {  	s8 =	smov.u32 s9;
	s0 =	sxor.u32 s17, s15;
	(v2sf) =	vpush v19, $0x9;
	s19 =	spop (v2sf)  }
0x38: {  	s30 =	ssub.s32 s0, s17;
	s21 =	sshra.s32 s18, $0x1F;
	(v2sf) =	vpush v15, $0x9;
	s22 =	spop (v2sf)  }
0x39: {  	(drf) =	srem.u32 s16, s30;
	s23 =	sxor.u32 s21, s18;
	s26 =	sshra.s32 s22, $0x1F  }
0x3a: {  	(v2sf) =	vpush v19, $0xA;
	s25 =	spop (v2sf);
	s20 =	ssub.s32 s23, s21;
	s2 =	sxor.u32 s26, s22  }
0x3b: {  	s28 =	spop (v2sf);
	(drf) =	srem.u32 s19, s20;
	s26 =	ssub.s32 s2, s26  }
0x3c: {  	(v2sf) =	vpush v15, $0xA;
	s31 =	sshra.s32 s28, $0x1F;
	s9 =	spop (v2sf);
	(drf) =	srem.u32 s25, s26  }
0x3d: {  	[smem:$0x7ED] =	sst s14;
	(v2sf) =	vpush v19, $0xB;
	s7 =	sxor.u32 s31, s28;
	s13 =	spop (v2sf)  }
0x3e: {  	s19 =	ssub.s32 s7, s31;
	s14 =	spop (v2sf);
	s15 =	sshra.s32 s13, $0x1F  }
0x3f: {  	(v2sf) =	vpush v15, $0xB;
	(drf) =	srem.u32 s9, s19;
	s16 =	spop (v2sf);
	s0 =	sxor.u32 s15, s13  }
0x40: {  	(v2sf) =	vpush v19, $0xC;
	s17 =	sshra.s32 s16, $0x1F;
	s13 =	spop (v2sf);
	s22 =	ssub.s32 s0, s15  }
0x41: {  	s18 =	sxor.u32 s17, s16;
	s21 =	spop (v2sf);
	(drf) =	srem.u32 s14, s22  }
0x42: {  	(v2sf) =	vpush v15, $0xC;
	s23 =	ssub.s32 s18, s17;
	s6 =	spop (drf)  }
0x43: {  	(v2sf) =	vpush v19, $0xD;
	s31 =	spop (v2sf);
	[smem:$0x7F0] =	sst s23  }
0x44: {  	(v2sf) =	vpush v15, $0xD;
	s25 =	sshra.s32 s21, $0x1F;
	(drf) =	srem.u32 s13, s23;
	s23 =	spop (drf)  }
0x45: {  	(v2sf) =	vpush v19, $0xE;
	s28 =	sxor.u32 s25, s21;
	s4 =	spop (drf)  }
0x46: {  	s1 =	ssub.s32 s28, s25;
	s7 =	spop (v2sf)  }
0x47: {  	(v2sf) =	vpush v15, $0xE;
	(drf) =	srem.u32 s31, s1;
	s9 =	spop (v2sf)  }
0x48: {  	(v2sf) =	vpush v0, $0x0;
	s14 =	sshra.s32 s7, $0x1F;
	s2 =	spop (drf)  }
0x49: {  	s15 =	spop (v2sf);
	s0 =	sxor.u32 s14, s7  }
0x4a: {  	(v2sf) =	vpush v0, $0xF;
	[smem:$0x7EE] =	sst s2;
	s16 =	sshra.s32 s15, $0x1F;
	s2 =	spop (drf)  }
0x4b: {  	(v2sf) =	vpush v0, $0x1;
	s28 =	ssub.s32 s0, s14;
	s13 =	sxor.u32 s16, s15;
	s15 =	spop (v2sf)  }
0x4c: {  	(v2sf) =	vpush v0, $0x2;
	(drf) =	srem.u32 s9, s28;
	s14 =	ssub.s32 s13, s16;
	s16 =	spop (v2sf)  }
0x4d: {  	s18 =	spop (drf)  }
0x4e: {  	[dreg:$0x1d] =	wrdreg s1;
	(v2sf) =	vpush v0, $0x3;
	s1 =	spop (v2sf)  }
0x4f: {  	(v2sf) =	vpush v0, $0x4;
	(drf) =	srem.u32 s15, s14;
	s21 =	spop (v2sf)  }
0x50: {  	[dreg:$0x16] =	wrdreg s10;
	s17 =	sshra.s32 s16, $0x1F;
	s13 =	spop (drf)  }
0x51: {  	[smem:$0x7F1] =	sst s14;
	(v2sf) =	vpush v0, $0x5;
	s0 =	sxor.u32 s17, s16;
	s7 =	spop (v2sf)  }
0x52: {  	s31 =	sshra.s32 s21, $0x1F;
	s14 =	ssub.s32 s0, s17;
	s9 =	spop (v2sf)  }
0x53: {  	s25 =	sxor.u32 s31, s21;
	(drf) =	srem.u32 s1, s14;
	s1 =	spop (v2sf)  }
0x54: {  	s21 =	ssub.s32 s25, s31;
	s16 =	sshra.s32 s9, $0x1F;
	s25 =	spop (v2sf)  }
0x55: {  	s17 =	sxor.u32 s16, s9;
	s9 =	sshra.s32 s25, $0x1F;
	s15 =	spop (drf)  }
0x56: {  	(drf) =	srem.u32 s7, s21;
	s7 =	sxor.u32 s9, s25;
	s25 =	spop (v2sf)  }
0x57: {  	[smem:$0x7EF] =	sst s29;
	s31 =	ssub.s32 s17, s16;
	s0 =	spop (v2sf)  }
0x58: {  	(drf) =	srem.u32 s1, s31;
	s1 =	ssub.s32 s7, s9;
	s16 =	spop (drf)  }
0x59: {  	(drf) =	srem.u32 s25, s1;
	s9 =	spop (v2sf)  }
0x5a: {  	(drf) =	srem.u32 s0, s10;
	s10 =	spop (v2sf)  }
0x5b: {  	(drf) =	srem.u32 s9, s8;
	s17 =	spop (v2sf)  }
0x5c: {  	(drf) =	srem.u32 s10, s29;
	s7 =	spop (drf)  }
0x5d: {  	(drf) =	srem.u32 s17, s30;
	s25 =	spop (v2sf)  }
0x5e: {  	(v2sf) =	vpush v0, $0x6;
	(drf) =	srem.u32 s25, s20;
	s29 =	spop (v2sf)  }
0x5f: {  	(v2sf) =	vpush v0, $0x7;
	s9 =	spop (drf);
	(drf) =	srem.u32 s29, s26  }
0x60: {  	(v2sf) =	vpush v0, $0x8;
	s0 =	spop (v2sf)  }
0x61: {  	[dreg:$0x11] =	wrdreg s24;
	s24 =	spop (drf)  }
0x62: {  	[dreg:$0x18] =	wrdreg s30;
	(v2sf) =	vpush v0, $0x9;
	s17 =	spop (drf)  }
0x63: {  	(v2sf) =	vpush v0, $0xA;
	s30 =	sld [smem:$0x7ED];
	s25 =	spop (drf)  }
0x64: {  	[dreg:$0x1a] =	wrdreg s26;
	(v2sf) =	vpush v0, $0xB;
	s26 =	spop (drf)  }
0x65: {  	v19 =	vmov s5;
	(v2sf) =	vpush v0, $0xC;
	s5 =	spop (drf)  }
0x66: {  	(v2sf) =	vpush v0, $0xD;
	v19 =	vsel vm0, s30, v19;
	s10 =	spop (drf)  }
0x67: {  	(v2sf) =	vpush v0, $0xE;
	v19 =	vsel vm1, s11, v19;
	s11 =	spop (drf)  }
0x68: {  	v19 =	vsel vm2, s6, v19;
	s6 =	spop (drf)  }
0x69: {  	s30 =	smov.u32 s19;
	(drf) =	srem.u32 s0, s19;
	s19 =	sld [smem:$0x7EE]  }
0x6a: {  	v19 =	vsel vm3, s23, v19  }
0x6b: {  	[dreg:$0x17] =	wrdreg s8;
	v19 =	vsel vm4, s4, v19  }
0x6c: {  	[dreg:$0x19] =	wrdreg s20;
	v19 =	vsel vm5, s19, v19  }
0x6d: {  	s29 =	sld [smem:$0x7F0];
	s8 =	spop (v2sf);
	v19 =	vsel vm6, s2, v19  }
0x6e: {  	s20 =	spop (v2sf);
	(drf) =	srem.u32 s8, s22;
	v19 =	vsel vm7, s18, v19  }
0x6f: {  	s8 =	smov.u32 s22;
	s22 =	spop (v2sf);
	s18 =	rddreg [dreg:$0x1d];
	v19 =	vsel vm8, s13, v19  }
0x70: {  	(drf) =	srem.u32 s20, s29;
	v19 =	vsel vm9, s15, v19;
	s15 =	sld [smem:$0x7F1]  }
0x71: {  	s23 =	spop (v2sf);
	(drf) =	srem.u32 s22, s18  }
0x72: {  	v20 =	vmov s26;
	s0 =	spop (v2sf);
	(drf) =	srem.u32 s23, s28  }
0x73: {  	v20 =	vsel vm0, s25, v20;
	s4 =	spop (v2sf);
	(drf) =	srem.u32 s0, s15  }
0x74: {  	v20 =	vsel vm1, s5, v20;
	s5 =	spop (v2sf);
	v19 =	vsel vm10, s16, v19;
	(drf) =	srem.u32 s4, s14  }
0x75: {  	v20 =	vsel vm2, s10, v20;
	s10 =	spop (v2sf);
	v19 =	vsel vm11, s7, v19;
	(drf) =	srem.u32 s5, s21  }
0x76: {  	v20 =	vsel vm3, s11, v20;
	s13 =	spop (v2sf);
	v19 =	vsel vm12, s9, v19;
	(drf) =	srem.u32 s10, s31  }
0x77: {  	v20 =	vsel vm4, s6, v20;
	s16 =	spop (drf);
	v19 =	vsel vm13, s24, v19;
	(drf) =	srem.u32 s13, s1  }
0x78: {  	v20 =	vsel vm5, s16, v20;
	s19 =	spop (drf);
	v19 =	vsel vm14, s17, v19  }
0x79: {  	v20 =	vsel vm6, s19, v20;
	s20 =	spop (drf);
	v21 =	vshll.u32 v19, $0x3  }
0x7a: {  	v20 =	vsel vm7, s20, v20;
	v22 =	vand.u32 $0x7, v19;
	v21 =	vand.u32 $0x7FFFFFC0, v21;
	s22 =	spop (drf)  }
0x7b: {  	v21 =	vor.u32 v22, v21;
	v20 =	vsel vm8, s22, v20;
	s24 =	spop (drf)  }
0x7c: {  	v22 =	vperm.xlane v21, v16;
	v20 =	vsel vm9, s24, v20;
	s25 =	spop (drf)  }
0x7d: {  	v20 =	vsel vm10, s25, v20;
	s26 =	spop (drf)  }
0x7e: {  	[dreg:$0x1e] =	wrdreg s28;
	v22 =	vadd.s32 v17, v22;
	v20 =	vsel vm11, s26, v20;
	s28 =	spop (drf)  }
0x7f: {  	v20 =	vsel vm12, s28, v20;
	s0 =	spop (drf)  }
0x80: {  	s23 =	smov.u32 s1;
	v20 =	vsel vm13, s0, v20;
	s1 =	spop (drf)  }
0x81: {  	[tilespmem:$0x80] =	vst v19;
	v19 =	vsel vm14, s1, v20  }
0x82: {  	s2 =	simm.s32 $0x180;
	s28 =	rddreg [dreg:$0x1];
	[tilespmem:$0x90] =	vst v19  }
0x83: {  	[tilespmem:s2], [sflag:$0x1] =	stream.indirect_vreg.gather [hbm4b:s28+s3], $0x80, v22, vm15, $0xb8;
	[tilespmem:$0x1C180] =	vst v63  }
0x84: {  	s4 =	simm.s32 $0x980;
	s5 =	rddreg [dreg:$0x13];
	v19 =	vperm.xlane v21, v18  }
0x85: {  	[tilespmem:s4], [sflag:$0x1] =	stream.indirect_vreg.gather [hbm4b:s5+s3], $0x80, v22, vm15, $0xb8;
	[tilespmem:$0x1C180] =	vst v63  }
0x86: {  	s6 =	simm.s32 $0x1180;
	s20 =	rddreg [dreg:$0x14];
	v19 =	vadd.s32 v17, v19  }
0x87: {  	[tilespmem:s6], [sflag:$0x1] =	stream.indirect_vreg.gather [hbm4b:s20+s3], $0x80, v22, vm15, $0xb8;
	[tilespmem:$0x1C180] =	vst v63  }
0x88: {  	s7 =	simm.s32 $0x1980;
	s22 =	rddreg [dreg:$0x15]  }
0x89: {  	[tilespmem:s7], [sflag:$0x1] =	stream.indirect_vreg.gather [hbm4b:s22+s3], $0x80, v22, vm15, $0xb8;
	[tilespmem:$0x1C180] =	vst v63  }
0x8a: {  	s9 =	simm.s32 $0x2180  }
0x8b: {  	[tilespmem:s9], [sflag:$0x1] =	stream.indirect_vreg.gather [hbm4b:s28+s3], $0x80, v19, vm15, $0xb8;
	[tilespmem:$0x1C180] =	vst v63  }
0x8c: {  	s10 =	simm.s32 $0x2980  }
0x8d: {  	[tilespmem:s10], [sflag:$0x1] =	stream.indirect_vreg.gather [hbm4b:s5+s3], $0x80, v19, vm15, $0xb8;
	[tilespmem:$0x1C180] =	vst v63  }
0x8e: {  	s11 =	simm.s32 $0x3180  }
0x8f: {  	[tilespmem:s11], [sflag:$0x1] =	stream.indirect_vreg.gather [hbm4b:s20+s3], $0x80, v19, vm15, $0xb8;
	[tilespmem:$0x1C180] =	vst v63  }
0x90: {  	s13 =	simm.s32 $0x3980  }
0x91: {  	[tilespmem:s13], [sflag:$0x1] =	stream.indirect_vreg.gather [hbm4b:s22+s3], $0x80, v19, vm15, $0xb8;
	[tilespmem:$0x1C180] =	vst v63  }
0x92: {  	v19 =	vld [tilespmem:$0x90]  }
0x93: {  	(v2sf) =	vpush v1, $0x0;
	_ =	sdelay $0x1  }
0x94: {  	(v2sf) =	vpush v1, $0xF;
	_ =	sdelay $0x1  }
0x95: {  	(v2sf) =	vpush v1, $0x1;
	v20 =	vshll.u32 v19, $0x3  }
0x96: {  	v19 =	vand.u32 $0x7, v19;
	v20 =	vand.u32 $0xFFFFFFC0, v20  }
0x97: {  	(v2sf) =	vpush v1, $0x2;
	v19 =	vor.u32 v19, v20  }
0x98: {  	v20 =	vperm.xlane v19, v16;
	_ =	sdelay $0x1  }
0x99: {  	(v2sf) =	vpush v1, $0x3;
	v20 =	vadd.s32 v17, v20;
	_ =	sdelay $0x2  }
0x9a: {  	(v2sf) =	vpush v1, $0x4  }
0x9b: {  	(v2sf) =	vpush v1, $0x5;
	s16 =	simm.s32 $0x4180;
	s17 =	simm.s32 $0x4980  }
0x9c: {  	[tilespmem:s16], [sflag:$0x1] =	stream.indirect_vreg.gather [hbm4b:s28+s3], $0x80, v20, vm15, $0xb8;
	[tilespmem:$0x1C180] =	vst v63  }
0x9d: {  	(v2sf) =	vpush v1, $0x6;
	s19 =	smov.u32 s5;
	s0 =	spop (v2sf);
	s11 =	rddreg [dreg:$0x19];
	v19 =	vperm.xlane v19, v18  }
0x9e: {  	(v2sf) =	vpush v1, $0x7;
	[tilespmem:s17], [sflag:$0x1] =	stream.indirect_vreg.gather [hbm4b:s5+s3], $0x80, v20, vm15, $0xb8;
	[tilespmem:$0x1C180] =	vst v63  }
0x9f: {  	(v2sf) =	vpush v1, $0x8;
	s24 =	simm.s32 $0x5180;
	s1 =	spop (v2sf);
	s13 =	rddreg [dreg:$0x1a];
	v19 =	vadd.s32 v17, v19  }
0xa0: {  	[tilespmem:s24], [sflag:$0x1] =	stream.indirect_vreg.gather [hbm4b:s20+s3], $0x80, v20, vm15, $0xb8;
	[tilespmem:$0x1C180] =	vst v63  }
0xa1: {  	s25 =	simm.s32 $0x5980;
	(v2sf) =	vpush v1, $0x9;
	s4 =	spop (v2sf);
	s24 =	sld [smem:$0x7EF]  }
0xa2: {  	(v2sf) =	vpush v1, $0xA;
	[tilespmem:s25], [sflag:$0x1] =	stream.indirect_vreg.gather [hbm4b:s22+s3], $0x80, v20, vm15, $0xb8;
	[tilespmem:$0x1C180] =	vst v63  }
0xa3: {  	s26 =	simm.s32 $0x6180;
	s5 =	spop (v2sf);
	s25 =	rddreg [dreg:$0x16]  }
0xa4: {  	[tilespmem:s26], [sflag:$0x1] =	stream.indirect_vreg.gather [hbm4b:s28+s3], $0x80, v19, vm15, $0xb8;
	[tilespmem:$0x1C180] =	vst v63  }
0xa5: {  	(v2sf) =	vpush v1, $0xB;
	(drf) =	srem.u32 s0, s25;
	s26 =	rddreg [dreg:$0x17]  }
0xa6: {  	s6 =	spop (v2sf);
	(drf) =	srem.u32 s1, s26  }
0xa7: {  	s9 =	simm.s32 $0x6980;
	s1 =	rddreg [dreg:$0x18];
	(drf) =	srem.u32 s4, s24  }
0xa8: {  	(v2sf) =	vpush v1, $0xC;
	[tilespmem:s9], [sflag:$0x1] =	stream.indirect_vreg.gather [hbm4b:s19+s3], $0x80, v19, vm15, $0xb8;
	[tilespmem:$0x1C180] =	vst v63  }
0xa9: {  	s7 =	spop (v2sf);
	(drf) =	srem.u32 s5, s1  }
0xaa: {  	s10 =	simm.s32 $0x7180;
	(v2sf) =	vpush v1, $0xD;
	s16 =	spop (v2sf);
	(drf) =	srem.u32 s6, s11  }
0xab: {  	(v2sf) =	vpush v1, $0xE;
	[tilespmem:s10], [sflag:$0x1] =	stream.indirect_vreg.gather [hbm4b:s20+s3], $0x80, v19, vm15, $0xb8;
	[tilespmem:$0x1C180] =	vst v63  }
0xac: {  	s17 =	spop (v2sf);
	(drf) =	srem.u32 s7, s13  }
0xad: {  	s0 =	smov.u32 s30;
	(drf) =	srem.u32 s16, s30;
	s30 =	spop (v2sf)  }
0xae: {  	s16 =	spop (v2sf)  }
0xaf: {  	(drf) =	srem.u32 s17, s8;
	s2 =	spop (drf)  }
0xb0: {  	(drf) =	srem.u32 s30, s29;
	s17 =	spop (v2sf)  }
0xb1: {  	s30 =	smov.u32 s18;
	(drf) =	srem.u32 s16, s18;
	s18 =	spop (v2sf)  }
0xb2: {  	s4 =	spop (drf)  }
0xb3: {  	s5 =	spop (drf)  }
0xb4: {  	v20 =	vmov s4;
	s4 =	spop (v2sf)  }
0xb5: {  	(v2sf) =	vpush v2, $0x0;
	s16 =	rddreg [dreg:$0x1e];
	s6 =	spop (drf)  }
0xb6: {  	(drf) =	srem.u32 s17, s16;
	v20 =	vsel vm0, s2, v20;
	s7 =	spop (drf)  }
0xb7: {  	(v2sf) =	vpush v2, $0xF;
	(drf) =	srem.u32 s18, s15;
	v20 =	vsel vm1, s5, v20;
	s5 =	spop (v2sf)  }
0xb8: {  	(drf) =	srem.u32 s4, s14;
	s9 =	spop (drf)  }
0xb9: {  	[smem:$0x7F4] =	sst s31;
	(v2sf) =	vpush v2, $0x1;
	v20 =	vsel vm2, s6, v20;
	s6 =	spop (v2sf)  }
0xba: {  	(v2sf) =	vpush v2, $0x2;
	(drf) =	srem.u32 s5, s21;
	s10 =	spop (v2sf)  }
0xbb: {  	s17 =	smov.u32 s15;
	s15 =	smov.u32 s21;
	(v2sf) =	vpush v2, $0x3;
	s21 =	spop (drf)  }
0xbc: {  	s18 =	smov.u32 s31;
	v20 =	vsel vm3, s7, v20;
	(drf) =	srem.u32 s6, s31;
	(v2sf) =	vpush v2, $0x4;
	s31 =	spop (drf)  }
0xbd: {  	v20 =	vsel vm4, s9, v20;
	(v2sf) =	vpush v2, $0x5;
	s4 =	spop (drf)  }
0xbe: {  	(drf) =	srem.u32 s10, s23;
	v20 =	vsel vm5, s21, v20;
	(v2sf) =	vpush v2, $0x6;
	s5 =	spop (drf)  }
0xbf: {  	v20 =	vsel vm6, s31, v20;
	s6 =	spop (drf)  }
0xc0: {  	(v2sf) =	vpush v2, $0x7;
	v20 =	vsel vm7, s4, v20;
	s7 =	spop (drf)  }
0xc1: {  	v20 =	vsel vm8, s5, v20;
	s5 =	simm.s32 $0x7980;
	s9 =	spop (drf)  }
0xc2: {  	(v2sf) =	vpush v2, $0x8;
	[tilespmem:s5], [sflag:$0x1] =	stream.indirect_vreg.gather [hbm4b:s22+s3], $0x80, v19, vm15, $0xb8;
	[tilespmem:$0x1C180] =	vst v63  }
0xc3: {  	s10 =	spop (drf)  }
0xc4: {  	v20 =	vsel vm9, s6, v20;
	s6 =	spop (v2sf)  }
0xc5: {  	(v2sf) =	vpush v2, $0x9;
	s21 =	spop (drf);
	(drf) =	srem.u32 s6, s25  }
0xc6: {  	v20 =	vsel vm10, s7, v20;
	s7 =	spop (v2sf)  }
0xc7: {  	(v2sf) =	vpush v2, $0xA;
	s31 =	spop (drf);
	(drf) =	srem.u32 s7, s26  }
0xc8: {  	v20 =	vsel vm11, s9, v20;
	s9 =	spop (v2sf)  }
0xc9: {  	v20 =	vsel vm12, s10, v20;
	(v2sf) =	vpush v2, $0xB;
	(drf) =	srem.u32 s9, s24;
	s10 =	spop (v2sf)  }
0xca: {  	v20 =	vsel vm13, s21, v20;
	(v2sf) =	vpush v2, $0xC;
	(drf) =	srem.u32 s10, s1;
	s21 =	spop (v2sf)  }
0xcb: {  	(v2sf) =	vpush v2, $0xD;
	s24 =	spop (v2sf)  }
0xcc: {  	v19 =	vsel vm14, s31, v20;
	(drf) =	srem.u32 s21, s11;
	(v2sf) =	vpush v2, $0xE;
	s31 =	spop (v2sf)  }
0xcd: {  	(drf) =	srem.u32 s24, s13;
	s1 =	spop (v2sf)  }
0xce: {  	(drf) =	srem.u32 s31, s0;
	s2 =	spop (drf)  }
0xcf: {  	(drf) =	srem.u32 s1, s8;
	s1 =	smov.u32 s8;
	s8 =	spop (v2sf)  }
0xd0: {  	s4 =	spop (drf)  }
0xd1: {  	s24 =	spop (v2sf)  }
0xd2: {  	s5 =	spop (drf)  }
0xd3: {  	s6 =	spop (drf)  }
0xd4: {  	s31 =	smov.u32 s29;
	(drf) =	srem.u32 s8, s29;
	s29 =	spop (v2sf)  }
0xd5: {  	s21 =	smov.u32 s11;
	s11 =	smov.u32 s0;
	s7 =	spop (drf)  }
0xd6: {  	s0 =	smov.u32 s30;
	(drf) =	srem.u32 s24, s30;
	s30 =	spop (v2sf)  }
0xd7: {  	v20 =	vmov s4;
	(drf) =	srem.u32 s29, s16;
	s9 =	spop (drf)  }
0xd8: {  	v20 =	vsel vm0, s2, v20;
	(drf) =	srem.u32 s30, s17;
	s4 =	spop (v2sf)  }
0xd9: {  	v20 =	vsel vm1, s5, v20;
	(drf) =	srem.u32 s4, s14;
	s5 =	spop (v2sf)  }
0xda: {  	v20 =	vsel vm2, s6, v20;
	(drf) =	srem.u32 s5, s15;
	s8 =	spop (v2sf)  }
0xdb: {  	s10 =	smov.u32 s14;
	v20 =	vsel vm3, s7, v20;
	(drf) =	srem.u32 s8, s18;
	s14 =	spop (v2sf)  }
0xdc: {  	s30 =	smov.u32 s15;
	v20 =	vsel vm4, s9, v20;
	s15 =	spop (drf);
	(drf) =	srem.u32 s14, s23  }
0xdd: {  	v20 =	vsel vm5, s15, v20;
	s18 =	spop (drf)  }
0xde: {  	v52 =	vshll.u32 v19, $0x3;
	s24 =	smov.u32 s23;
	v20 =	vsel vm6, s18, v20;
	s23 =	spop (drf)  }
0xdf: {  	[tilespmem:$0x100] =	vst v19;
	v19 =	vand.u32 $0x7, v19;
	v21 =	vand.u32 $0xFFFFFFC0, v52;
	v20 =	vsel vm7, s23, v20;
	s29 =	spop (drf)  }
0xe0: {  	v19 =	vor.u32 v19, v21;
	v20 =	vsel vm8, s29, v20;
	s4 =	spop (drf)  }
0xe1: {  	v21 =	vperm.xlane v19, v16;
	v20 =	vsel vm9, s4, v20;
	s5 =	spop (drf)  }
0xe2: {  	v20 =	vsel vm10, s5, v20;
	s6 =	spop (drf)  }
0xe3: {  	v21 =	vadd.s32 v17, v21;
	v20 =	vsel vm11, s6, v20;
	s7 =	spop (drf)  }
0xe4: {  	v20 =	vsel vm12, s7, v20;
	s8 =	spop (drf)  }
0xe5: {  	v20 =	vsel vm13, s8, v20;
	s9 =	spop (drf)  }
0xe6: {  	v20 =	vsel vm14, s9, v20  }
0xe7: {  	s14 =	simm.s32 $0xE180;
	[tilespmem:$0x110] =	vst v20  }
0xe8: {  	[tilespmem:s14], [sflag:$0x1] =	stream.indirect_vreg.gather [hbm4b:s28+s3], $0x80, v21, vm15, $0xb8;
	[tilespmem:$0x1C180] =	vst v63  }
0xe9: {  	v19 =	vperm.xlane v19, v18;
	s15 =	simm.s32 $0xE980  }
0xea: {  	[tilespmem:s15], [sflag:$0x1] =	stream.indirect_vreg.gather [hbm4b:s19+s3], $0x80, v21, vm15, $0xb8;
	[tilespmem:$0x1C180] =	vst v63  }
0xeb: {  	v19 =	vadd.s32 v17, v19;
	s18 =	simm.s32 $0xF180  }
0xec: {  	[tilespmem:s18], [sflag:$0x1] =	stream.indirect_vreg.gather [hbm4b:s20+s3], $0x80, v21, vm15, $0xb8;
	[tilespmem:$0x1C180] =	vst v63  }
0xed: {  	s23 =	simm.s32 $0xF980  }
0xee: {  	[tilespmem:s23], [sflag:$0x1] =	stream.indirect_vreg.gather [hbm4b:s22+s3], $0x80, v21, vm15, $0xb8;
	[tilespmem:$0x1C180] =	vst v63  }
0xef: {  	s29 =	simm.s32 $0x10180  }
0xf0: {  	[tilespmem:s29], [sflag:$0x1] =	stream.indirect_vreg.gather [hbm4b:s28+s3], $0x80, v19, vm15, $0xb8;
	[tilespmem:$0x1C180] =	vst v63  }
0xf1: {  	s4 =	simm.s32 $0x10980  }
0xf2: {  	[tilespmem:s4], [sflag:$0x1] =	stream.indirect_vreg.gather [hbm4b:s19+s3], $0x80, v19, vm15, $0xb8;
	[tilespmem:$0x1C180] =	vst v63  }
0xf3: {  	s5 =	simm.s32 $0x11180  }
0xf4: {  	[tilespmem:s5], [sflag:$0x1] =	stream.indirect_vreg.gather [hbm4b:s20+s3], $0x80, v19, vm15, $0xb8;
	[tilespmem:$0x1C180] =	vst v63  }
0xf5: {  	s6 =	simm.s32 $0x11980  }
0xf6: {  	[tilespmem:s6], [sflag:$0x1] =	stream.indirect_vreg.gather [hbm4b:s22+s3], $0x80, v19, vm15, $0xb8;
	[tilespmem:$0x1C180] =	vst v63  }
0xf7: {  	v19 =	vld [tilespmem:$0x110];
	_ =	sdelay $0x4  }
0xf8: {  	v20 =	vshll.u32 v19, $0x3  }
0xf9: {  	v19 =	vand.u32 $0x7, v19;
	v20 =	vand.u32 $0xFFFFFFC0, v20  }
0xfa: {  	v19 =	vor.u32 v19, v20  }
0xfb: {  	v20 =	vperm.xlane v19, v16;
	_ =	sdelay $0x1  }
0xfc: {  	v20 =	vadd.s32 v17, v20;
	_ =	sdelay $0x3  }
0xfd: {  	s7 =	simm.s32 $0x12180  }
0xfe: {  	[tilespmem:s7], [sflag:$0x1] =	stream.indirect_vreg.gather [hbm4b:s28+s3], $0x80, v20, vm15, $0xb8;
	[tilespmem:$0x1C180] =	vst v63  }
0xff: {  	s8 =	simm.s32 $0x12980;
	v19 =	vperm.xlane v19, v18  }
0x100: {  	[tilespmem:s8], [sflag:$0x1] =	stream.indirect_vreg.gather [hbm4b:s19+s3], $0x80, v20, vm15, $0xb8;
	[tilespmem:$0x1C180] =	vst v63  }
0x101: {  	s9 =	simm.s32 $0x13180;
	v19 =	vadd.s32 v17, v19  }
0x102: {  	[tilespmem:s9], [sflag:$0x1] =	stream.indirect_vreg.gather [hbm4b:s20+s3], $0x80, v20, vm15, $0xb8;
	[tilespmem:$0x1C180] =	vst v63  }
0x103: {  	s14 =	simm.s32 $0x13980  }
0x104: {  	[tilespmem:s14], [sflag:$0x1] =	stream.indirect_vreg.gather [hbm4b:s22+s3], $0x80, v20, vm15, $0xb8;
	[tilespmem:$0x1C180] =	vst v63  }
0x105: {  	s15 =	simm.s32 $0x14180  }
0x106: {  	[tilespmem:s15], [sflag:$0x1] =	stream.indirect_vreg.gather [hbm4b:s28+s3], $0x80, v19, vm15, $0xb8;
	[tilespmem:$0x1C180] =	vst v63  }
0x107: {  	s18 =	simm.s32 $0x14980  }
0x108: {  	[tilespmem:s18], [sflag:$0x1] =	stream.indirect_vreg.gather [hbm4b:s19+s3], $0x80, v19, vm15, $0xb8;
	[tilespmem:$0x1C180] =	vst v63  }
0x109: {  	s19 =	simm.s32 $0x15180  }
0x10a: {  	[tilespmem:s19], [sflag:$0x1] =	stream.indirect_vreg.gather [hbm4b:s20+s3], $0x80, v19, vm15, $0xb8;
	[tilespmem:$0x1C180] =	vst v63  }
0x10b: {  	s23 =	simm.s32 $0x15980  }
0x10c: {  	[tilespmem:s23], [sflag:$0x1] =	stream.indirect_vreg.gather [hbm4b:s22+s3], $0x80, v19, vm15, $0xb8;
	[tilespmem:$0x1C180] =	vst v63  }
0x10d: {  	_ =	swait.ge [sflag:s12], $0x8000  }
0x10e: {  	s29 =	simm.s32 $0x180;
	[sflag:s12] =	ssyncset.done $0x0  }
0x10f: {  	s4 =	simm.s32 $0x2;
	s28 =	rddreg [dreg:$0x12];
	[sflag:s12] =	ssyncadd.s32 $0xFFFF8000  }
0x110: {  	[hbm4b:s28+s3] =	stream.linear.scatter [tilespmem:s29], [sflag:$0x2], $0x8000, $0x38;
	[tilespmem:$0x1C180] =	vst v63  }
0x111: {  	_ =	swait.ge [sflag:s4], $0x8000  }
0x112: {  	(v2sf) =	vpush v3, $0x0  }
0x113: {  	(v2sf) =	vpush v3, $0xF;
	_ =	sdelay $0x1  }
0x114: {  	(v2sf) =	vpush v3, $0x1  }
0x115: {  	(v2sf) =	vpush v3, $0x2  }
0x116: {  	(v2sf) =	vpush v3, $0x3  }
0x117: {  	(v2sf) =	vpush v3, $0x4  }
0x118: {  	(v2sf) =	vpush v3, $0x5  }
0x119: {  	(v2sf) =	vpush v3, $0x6  }
0x11a: {  	(v2sf) =	vpush v3, $0x7;
	_ =	sdelay $0x3  }
0x11b: {  	(v2sf) =	vpush v3, $0x8;
	_ =	sdelay $0x1  }
0x11c: {  	(v2sf) =	vpush v3, $0x9;
	s2 =	spop (v2sf)  }
0x11d: {  	(drf) =	srem.u32 s2, s25;
	s5 =	spop (v2sf)  }
0x11e: {  	s28 =	sld [smem:$0x7EF];
	(v2sf) =	vpush v3, $0xA;
	(drf) =	srem.u32 s5, s26  }
0x11f: {  	(v2sf) =	vpush v3, $0xB;
	s6 =	spop (v2sf)  }
0x120: {  	s7 =	spop (v2sf)  }
0x121: {  	(drf) =	srem.u32 s6, s28;
	s8 =	spop (v2sf)  }
0x122: {  	s23 =	rddreg [dreg:$0x18];
	s9 =	spop (v2sf)  }
0x123: {  	(v2sf) =	vpush v3, $0xC;
	(drf) =	srem.u32 s7, s23;
	s14 =	spop (v2sf)  }
0x124: {  	(drf) =	srem.u32 s8, s21;
	s15 =	spop (v2sf)  }
0x125: {  	(drf) =	srem.u32 s9, s13;
	s18 =	spop (v2sf)  }
0x126: {  	(drf) =	srem.u32 s14, s11;
	s2 =	spop (drf)  }
0x127: {  	(drf) =	srem.u32 s15, s1;
	s4 =	spop (drf)  }
0x128: {  	(drf) =	srem.u32 s18, s31  }
0x129: {  	s5 =	spop (v2sf)  }
0x12a: {  	(v2sf) =	vpush v3, $0xD;
	s7 =	spop (drf)  }
0x12b: {  	s19 =	spop (v2sf);
	(v2sf) =	vpush v3, $0xE  }
0x12c: {  	(drf) =	srem.u32 s5, s0;
	s9 =	spop (drf);
	(v2sf) =	vpush v4, $0x0  }
0x12d: {  	s12 =	smov.u32 s25;
	(drf) =	srem.u32 s19, s16;
	s20 =	spop (v2sf);
	(v2sf) =	vpush v4, $0xF  }
0x12e: {  	s25 =	smov.u32 s21;
	(drf) =	srem.u32 s20, s17;
	s21 =	spop (v2sf);
	(v2sf) =	vpush v4, $0x1  }
0x12f: {  	s8 =	smov.u32 s11;
	s11 =	spop (drf);
	(drf) =	srem.u32 s21, s10;
	(v2sf) =	vpush v4, $0x2  }
0x130: {  	s29 =	smov.u32 s26;
	s26 =	smov.u32 s13;
	s13 =	spop (drf);
	(v2sf) =	vpush v4, $0x3  }
0x131: {  	s22 =	smov.u32 s1;
	s14 =	spop (drf);
	(v2sf) =	vpush v4, $0x4  }
0x132: {  	s1 =	smov.u32 s31;
	s31 =	smov.u32 s0;
	s0 =	spop (v2sf)  }
0x133: {  	s15 =	spop (drf);
	(v2sf) =	vpush v4, $0x5  }
0x134: {  	s5 =	spop (drf)  }
0x135: {  	s6 =	spop (drf)  }
0x136: {  	(drf) =	srem.u32 s0, s30;
	s19 =	spop (drf)  }
0x137: {  	s0 =	sld [smem:$0x7F4];
	s20 =	spop (drf)  }
0x138: {  	s18 =	spop (drf)  }
0x139: {  	[smem:$0x7F3] =	sst s30;
	s21 =	smov.u32 s30;
	s30 =	spop (v2sf)  }
0x13a: {  	(drf) =	srem.u32 s30, s0;
	s30 =	spop (v2sf)  }
0x13b: {  	(drf) =	srem.u32 s30, s24;
	s30 =	spop (v2sf)  }
0x13c: {  	(v2sf) =	vpush v4, $0x6;
	(drf) =	srem.u32 s30, s12;
	s12 =	spop (v2sf)  }
0x13d: {  	(v2sf) =	vpush v4, $0x7;
	(drf) =	srem.u32 s12, s29;
	s30 =	spop (v2sf)  }
0x13e: {  	(v2sf) =	vpush v4, $0x8;
	(drf) =	srem.u32 s30, s28;
	s12 =	spop (v2sf)  }
0x13f: {  	(v2sf) =	vpush v4, $0x9;
	(drf) =	srem.u32 s12, s23;
	s28 =	spop (v2sf)  }
0x140: {  	(v2sf) =	vpush v4, $0xA;
	(drf) =	srem.u32 s28, s25;
	s29 =	spop (v2sf)  }
0x141: {  	(v2sf) =	vpush v4, $0xB;
	s23 =	spop (drf);
	(drf) =	srem.u32 s29, s26  }
0x142: {  	(v2sf) =	vpush v4, $0xC;
	s30 =	spop (v2sf)  }
0x143: {  	(v2sf) =	vpush v4, $0xD;
	s12 =	spop (drf)  }
0x144: {  	(v2sf) =	vpush v4, $0xE;
	s25 =	spop (drf)  }
0x145: {  	s29 =	smov.u32 s26;
	s26 =	spop (drf)  }
0x146: {  	v19 =	vmov s4;
	s28 =	spop (drf)  }
0x147: {  	v19 =	vsel vm0, s2, v19;
	s4 =	spop (drf)  }
0x148: {  	v19 =	vsel vm1, s7, v19;
	s2 =	spop (drf)  }
0x149: {  	v19 =	vsel vm2, s9, v19;
	s7 =	spop (drf)  }
0x14a: {  	v19 =	vsel vm3, s11, v19;
	s9 =	spop (drf)  }
0x14b: {  	v19 =	vsel vm4, s13, v19;
	s13 =	smov.u32 s8;
	(drf) =	srem.u32 s30, s8;
	s30 =	spop (v2sf)  }
0x14c: {  	v19 =	vsel vm5, s14, v19;
	s8 =	smov.u32 s22;
	(drf) =	srem.u32 s30, s22;
	s22 =	spop (v2sf)  }
0x14d: {  	v19 =	vsel vm6, s15, v19;
	(drf) =	srem.u32 s22, s1;
	s30 =	spop (v2sf)  }
0x14e: {  	v19 =	vsel vm7, s5, v19;
	(drf) =	srem.u32 s30, s31;
	s14 =	spop (v2sf)  }
0x14f: {  	v19 =	vsel vm8, s6, v19;
	v20 =	vmov s28;
	(drf) =	srem.u32 s14, s16;
	s15 =	spop (v2sf)  }
0x150: {  	v19 =	vsel vm9, s19, v19;
	v20 =	vsel vm0, s26, v20;
	(drf) =	srem.u32 s15, s17;
	s19 =	spop (v2sf)  }
0x151: {  	v19 =	vsel vm10, s20, v19;
	v20 =	vsel vm1, s4, v20;
	(drf) =	srem.u32 s19, s10;
	s22 =	spop (v2sf)  }
0x152: {  	v19 =	vsel vm11, s18, v19;
	v20 =	vsel vm2, s2, v20;
	(drf) =	srem.u32 s22, s21;
	s26 =	spop (v2sf)  }
0x153: {  	v19 =	vsel vm12, s23, v19;
	v20 =	vsel vm3, s7, v20;
	(drf) =	srem.u32 s26, s0;
	s28 =	spop (v2sf)  }
0x154: {  	v19 =	vsel vm13, s12, v19;
	v20 =	vsel vm4, s9, v20;
	s0 =	spop (drf);
	(drf) =	srem.u32 s28, s24  }
0x155: {  	v19 =	vsel vm14, s25, v19;
	v20 =	vsel vm5, s0, v20;
	s5 =	spop (drf)  }
0x156: {  	v53 =	vshll.u32 v19, $0x3;
	v20 =	vsel vm6, s5, v20;
	s6 =	spop (drf)  }
0x157: {  	v54 =	vand.u32 $0x7, v19;
	v21 =	vand.u32 $0xFFFFFFC0, v53;
	v20 =	vsel vm7, s6, v20;
	s7 =	spop (drf)  }
0x158: {  	v21 =	vor.u32 v54, v21;
	v20 =	vsel vm8, s7, v20;
	s9 =	spop (drf)  }
0x159: {  	v22 =	vperm.xlane v21, v16;
	s30 =	smov.u32 s10;
	v20 =	vsel vm9, s9, v20;
	s10 =	spop (drf)  }
0x15a: {  	v20 =	vsel vm10, s10, v20;
	s11 =	spop (drf)  }
0x15b: {  	v22 =	vadd.s32 v17, v22;
	s14 =	simm.s32 $0x2;
	v20 =	vsel vm11, s11, v20;
	s12 =	spop (drf)  }
0x15c: {  	[sflag:s14] =	ssyncset.done $0x0;
	v20 =	vsel vm12, s12, v20;
	s15 =	spop (drf)  }
0x15d: {  	[sflag:s14] =	ssyncadd.s32 $0xFFFF8000;
	v20 =	vsel vm13, s15, v20;
	s18 =	spop (drf)  }
0x15e: {  	[smem:$0x7F5] =	sst s24;
	[tilespmem:$0x80] =	vst v19;
	v19 =	vsel vm14, s18, v20  }
0x15f: {  	s19 =	simm.s32 $0x180;
	s0 =	rddreg [dreg:$0x1];
	[tilespmem:$0x90] =	vst v19  }
0x160: {  	[tilespmem:s19], [sflag:$0x1] =	stream.indirect_vreg.gather [hbm4b:s0+s3], $0x80, v22, vm15, $0xb8;
	[tilespmem:$0x1C180] =	vst v63  }
0x161: {  	s20 =	simm.s32 $0x980;
	s21 =	rddreg [dreg:$0x13];
	v19 =	vperm.xlane v21, v18  }
0x162: {  	[tilespmem:s20], [sflag:$0x1] =	stream.indirect_vreg.gather [hbm4b:s21+s3], $0x80, v22, vm15, $0xb8;
	[tilespmem:$0x1C180] =	vst v63  }
0x163: {  	s23 =	rddreg [dreg:$0x14];
	s24 =	simm.s32 $0x1180;
	v19 =	vadd.s32 v17, v19  }
0x164: {  	[tilespmem:s24], [sflag:$0x1] =	stream.indirect_vreg.gather [hbm4b:s23+s3], $0x80, v22, vm15, $0xb8;
	[tilespmem:$0x1C180] =	vst v63  }
0x165: {  	s25 =	simm.s32 $0x1980;
	s22 =	rddreg [dreg:$0x15]  }
0x166: {  	[tilespmem:s25], [sflag:$0x1] =	stream.indirect_vreg.gather [hbm4b:s22+s3], $0x80, v22, vm15, $0xb8;
	[tilespmem:$0x1C180] =	vst v63  }
0x167: {  	s26 =	rddreg [dreg:$0x1];
	s28 =	simm.s32 $0x2180  }
0x168: {  	[tilespmem:s28], [sflag:$0x1] =	stream.indirect_vreg.gather [hbm4b:s26+s3], $0x80, v19, vm15, $0xb8;
	[tilespmem:$0x1C180] =	vst v63  }
0x169: {  	s2 =	simm.s32 $0x2980  }
0x16a: {  	[tilespmem:s2], [sflag:$0x1] =	stream.indirect_vreg.gather [hbm4b:s21+s3], $0x80, v19, vm15, $0xb8;
	[tilespmem:$0x1C180] =	vst v63  }
0x16b: {  	s5 =	simm.s32 $0x3180  }
0x16c: {  	[tilespmem:s5], [sflag:$0x1] =	stream.indirect_vreg.gather [hbm4b:s23+s3], $0x80, v19, vm15, $0xb8;
	[tilespmem:$0x1C180] =	vst v63  }
0x16d: {  	s6 =	simm.s32 $0x3980  }
0x16e: {  	[tilespmem:s6], [sflag:$0x1] =	stream.indirect_vreg.gather [hbm4b:s22+s3], $0x80, v19, vm15, $0xb8;
	[tilespmem:$0x1C180] =	vst v63  }
0x16f: {  	v19 =	vld [tilespmem:$0x90];
	_ =	sdelay $0x4  }
0x170: {  	v20 =	vshll.u32 v19, $0x3  }
0x171: {  	v19 =	vand.u32 $0x7, v19;
	v20 =	vand.u32 $0xFFFFFFC0, v20  }
0x172: {  	v19 =	vor.u32 v19, v20  }
0x173: {  	v20 =	vperm.xlane v19, v16;
	_ =	sdelay $0x1  }
0x174: {  	v20 =	vadd.s32 v17, v20;
	_ =	sdelay $0x3  }
0x175: {  	s7 =	rddreg [dreg:$0x1];
	s9 =	simm.s32 $0x4180  }
0x176: {  	[tilespmem:s9], [sflag:$0x1] =	stream.indirect_vreg.gather [hbm4b:s7+s3], $0x80, v20, vm15, $0xb8;
	[tilespmem:$0x1C180] =	vst v63  }
0x177: {  	s10 =	simm.s32 $0x4980;
	v19 =	vperm.xlane v19, v18  }
0x178: {  	[tilespmem:s10], [sflag:$0x1] =	stream.indirect_vreg.gather [hbm4b:s21+s3], $0x80, v20, vm15, $0xb8;
	[tilespmem:$0x1C180] =	vst v63  }
0x179: {  	s11 =	simm.s32 $0x5180;
	v19 =	vadd.s32 v17, v19  }
0x17a: {  	[tilespmem:s11], [sflag:$0x1] =	stream.indirect_vreg.gather [hbm4b:s23+s3], $0x80, v20, vm15, $0xb8;
	[tilespmem:$0x1C180] =	vst v63  }
0x17b: {  	s12 =	simm.s32 $0x5980  }
0x17c: {  	[tilespmem:s12], [sflag:$0x1] =	stream.indirect_vreg.gather [hbm4b:s22+s3], $0x80, v20, vm15, $0xb8;
	[tilespmem:$0x1C180] =	vst v63  }
0x17d: {  	s14 =	rddreg [dreg:$0x1];
	s15 =	simm.s32 $0x6180  }
0x17e: {  	[tilespmem:s15], [sflag:$0x1] =	stream.indirect_vreg.gather [hbm4b:s14+s3], $0x80, v19, vm15, $0xb8;
	[tilespmem:$0x1C180] =	vst v63  }
0x17f: {  	s18 =	simm.s32 $0x6980  }
0x180: {  	[tilespmem:s18], [sflag:$0x1] =	stream.indirect_vreg.gather [hbm4b:s21+s3], $0x80, v19, vm15, $0xb8;
	[tilespmem:$0x1C180] =	vst v63  }
0x181: {  	s19 =	simm.s32 $0x7180  }
0x182: {  	[tilespmem:s19], [sflag:$0x1] =	stream.indirect_vreg.gather [hbm4b:s23+s3], $0x80, v19, vm15, $0xb8;
	[tilespmem:$0x1C180] =	vst v63  }
0x183: {  	s21 =	simm.s32 $0x7980;
	s23 =	simm.s32 $0x1  }
0x184: {  	[tilespmem:s21], [sflag:$0x1] =	stream.indirect_vreg.gather [hbm4b:s22+s3], $0x80, v19, vm15, $0xb8;
	[tilespmem:$0x1C180] =	vst v63  }
0x185: {  	s24 =	simm.s32 $0x1;
	_ =	swait.ge [sflag:s23], $0x8000  }
0x186: {  	s4 =	simm.s32 $0x2;
	s25 =	simm.s32 $0x1;
	[sflag:s24] =	ssyncset.done $0x0  }
0x187: {  	s28 =	simm.s32 $0xE180;
	s26 =	rddreg [dreg:$0x9];
	[sflag:s25] =	ssyncadd.s32 $0xFFFF8000  }
0x188: {  	[hbm4b:s26+s3] =	stream.linear.scatter [tilespmem:s28], [sflag:$0x2], $0x8000, $0x38;
	[tilespmem:$0x1C180] =	vst v63  }
0x189: {  	_ =	swait.ge [sflag:s4], $0x8000  }
0x18a: {  	(v2sf) =	vpush v5, $0x0  }
0x18b: {  	(v2sf) =	vpush v5, $0xF  }
0x18c: {  	(v2sf) =	vpush v5, $0x1  }
0x18d: {  	(v2sf) =	vpush v5, $0x2  }
0x18e: {  	(v2sf) =	vpush v5, $0x3  }
0x18f: {  	(v2sf) =	vpush v5, $0x4  }
0x190: {  	(v2sf) =	vpush v5, $0x5  }
0x191: {  	(v2sf) =	vpush v5, $0x6  }
0x192: {  	(v2sf) =	vpush v5, $0x7  }
0x193: {  	(v2sf) =	vpush v5, $0x8;
	_ =	sdelay $0x1  }
0x194: {  	(v2sf) =	vpush v5, $0x9;
	_ =	sdelay $0x1  }
0x195: {  	s21 =	rddreg [dreg:$0x16];
	(v2sf) =	vpush v5, $0xA  }
0x196: {  	s28 =	rddreg [dreg:$0x17]  }
0x197: {  	s26 =	sld [smem:$0x7EF];
	s5 =	spop (v2sf)  }
0x198: {  	(drf) =	srem.u32 s5, s21;
	s6 =	spop (v2sf)  }
0x199: {  	s23 =	rddreg [dreg:$0x18];
	s7 =	spop (v2sf)  }
0x19a: {  	(drf) =	srem.u32 s6, s28;
	s9 =	spop (v2sf)  }
0x19b: {  	s24 =	rddreg [dreg:$0x19];
	(v2sf) =	vpush v5, $0xB;
	s10 =	spop (v2sf)  }
0x19c: {  	(drf) =	srem.u32 s7, s26;
	s11 =	spop (v2sf)  }
0x19d: {  	(v2sf) =	vpush v5, $0xC;
	(drf) =	srem.u32 s9, s23;
	s12 =	spop (v2sf)  }
0x19e: {  	(drf) =	srem.u32 s10, s24;
	s14 =	spop (v2sf)  }
0x19f: {  	(v2sf) =	vpush v5, $0xD;
	(drf) =	srem.u32 s11, s29;
	s15 =	spop (v2sf)  }
0x1a0: {  	(drf) =	srem.u32 s12, s13;
	s18 =	spop (v2sf)  }
0x1a1: {  	s2 =	spop (drf)  }
0x1a2: {  	(v2sf) =	vpush v5, $0xE;
	(drf) =	srem.u32 s14, s8;
	s19 =	spop (v2sf)  }
0x1a3: {  	s4 =	spop (drf)  }
0x1a4: {  	(drf) =	srem.u32 s15, s1;
	s20 =	spop (v2sf)  }
0x1a5: {  	s7 =	spop (drf)  }
0x1a6: {  	(v2sf) =	vpush v6, $0x0;
	s9 =	spop (drf)  }
0x1a7: {  	(v2sf) =	vpush v6, $0xF;
	(drf) =	srem.u32 s18, s31;
	s11 =	spop (drf)  }
0x1a8: {  	s5 =	spop (drf)  }
0x1a9: {  	(v2sf) =	vpush v6, $0x1;
	(drf) =	srem.u32 s19, s16;
	s14 =	spop (drf)  }
0x1aa: {  	s12 =	smov.u32 s31;
	(v2sf) =	vpush v6, $0x2;
	(drf) =	srem.u32 s20, s17;
	s31 =	spop (v2sf)  }
0x1ab: {  	(v2sf) =	vpush v6, $0x3;
	s15 =	spop (drf);
	(drf) =	srem.u32 s31, s30  }
0x1ac: {  	s0 =	spop (v2sf);
	s31 =	sld [smem:$0x7F3]  }
0x1ad: {  	s6 =	smov.u32 s8;
	s8 =	smov.u32 s16;
	(v2sf) =	vpush v6, $0x4;
	s16 =	spop (drf)  }
0x1ae: {  	s10 =	smov.u32 s1;
	s1 =	spop (v2sf)  }
0x1af: {  	(v2sf) =	vpush v6, $0x5;
	(drf) =	srem.u32 s0, s31;
	s0 =	sld [smem:$0x7F4]  }
0x1b0: {  	s25 =	smov.u32 s29;
	s29 =	smov.u32 s17;
	(v2sf) =	vpush v6, $0x6;
	s17 =	spop (drf)  }
0x1b1: {  	s18 =	spop (v2sf)  }
0x1b2: {  	(drf) =	srem.u32 s1, s0;
	s1 =	sld [smem:$0x7F5]  }
0x1b3: {  	s19 =	spop (drf)  }
0x1b4: {  	s20 =	spop (drf)  }
0x1b5: {  	(drf) =	srem.u32 s18, s1;
	s18 =	spop (v2sf)  }
0x1b6: {  	(drf) =	srem.u32 s18, s21;
	s21 =	spop (v2sf)  }
0x1b7: {  	s18 =	spop (drf)  }
0x1b8: {  	(v2sf) =	vpush v6, $0x7;
	(drf) =	srem.u32 s21, s28;
	s21 =	smov.u32 s28;
	s28 =	spop (v2sf)  }
0x1b9: {  	(v2sf) =	vpush v6, $0x8;
	(drf) =	srem.u32 s28, s26;
	s28 =	spop (v2sf)  }
0x1ba: {  	v19 =	vmov s4;
	(v2sf) =	vpush v6, $0x9;
	s26 =	spop (v2sf)  }
0x1bb: {  	v19 =	vsel vm0, s2, v19;
	(v2sf) =	vpush v6, $0xA;
	(drf) =	srem.u32 s28, s23;
	s23 =	spop (drf)  }
0x1bc: {  	v19 =	vsel vm1, s7, v19;
	(v2sf) =	vpush v6, $0xB;
	(drf) =	srem.u32 s26, s24;
	s28 =	spop (v2sf)  }
0x1bd: {  	v19 =	vsel vm2, s9, v19;
	(v2sf) =	vpush v6, $0xC;
	(drf) =	srem.u32 s28, s25;
	s24 =	spop (drf)  }
0x1be: {  	v19 =	vsel vm3, s11, v19;
	(v2sf) =	vpush v6, $0xD;
	s11 =	spop (v2sf)  }
0x1bf: {  	v19 =	vsel vm4, s5, v19;
	(v2sf) =	vpush v6, $0xE;
	s5 =	spop (v2sf)  }
0x1c0: {  	s25 =	spop (drf)  }
0x1c1: {  	s26 =	spop (drf)  }
0x1c2: {  	s28 =	spop (drf)  }
0x1c3: {  	s4 =	spop (drf)  }
0x1c4: {  	s2 =	spop (drf)  }
0x1c5: {  	[dreg:$0x1c] =	wrdreg s6;
	s7 =	spop (drf)  }
0x1c6: {  	s9 =	spop (drf);
	(drf) =	srem.u32 s11, s13  }
0x1c7: {  	v19 =	vsel vm5, s14, v19;
	s14 =	spop (v2sf);
	(drf) =	srem.u32 s5, s6  }
0x1c8: {  	v19 =	vsel vm6, s15, v19;
	s15 =	spop (v2sf);
	(drf) =	srem.u32 s14, s10  }
0x1c9: {  	v19 =	vsel vm7, s16, v19;
	s16 =	spop (v2sf);
	(drf) =	srem.u32 s15, s12  }
0x1ca: {  	v19 =	vsel vm8, s17, v19;
	v20 =	vmov s28;
	s17 =	spop (v2sf);
	(drf) =	srem.u32 s16, s8  }
0x1cb: {  	v19 =	vsel vm9, s19, v19;
	v20 =	vsel vm0, s26, v20;
	s28 =	spop (v2sf);
	(drf) =	srem.u32 s17, s29  }
0x1cc: {  	v19 =	vsel vm10, s20, v19;
	v20 =	vsel vm1, s4, v20;
	s17 =	smov.u32 s30;
	(drf) =	srem.u32 s28, s30;
	s30 =	spop (v2sf)  }
0x1cd: {  	v19 =	vsel vm11, s18, v19;
	v20 =	vsel vm2, s2, v20;
	(drf) =	srem.u32 s30, s31;
	s5 =	spop (v2sf)  }
0x1ce: {  	v19 =	vsel vm12, s23, v19;
	v20 =	vsel vm3, s7, v20;
	(drf) =	srem.u32 s5, s0;
	s6 =	spop (v2sf)  }
0x1cf: {  	v19 =	vsel vm13, s24, v19;
	v20 =	vsel vm4, s9, v20;
	s7 =	spop (drf);
	(drf) =	srem.u32 s6, s1  }
0x1d0: {  	v19 =	vsel vm14, s25, v19;
	s14 =	smov.u32 s8;
	v20 =	vsel vm5, s7, v20;
	s8 =	spop (drf)  }
0x1d1: {  	v55 =	vshll.u32 v19, $0x3;
	v20 =	vsel vm6, s8, v20;
	s9 =	spop (drf)  }
0x1d2: {  	v56 =	vand.u32 $0x7, v19;
	v21 =	vand.u32 $0xFFFFFFC0, v55;
	v20 =	vsel vm7, s9, v20;
	s10 =	spop (drf)  }
0x1d3: {  	v21 =	vor.u32 v56, v21;
	v20 =	vsel vm8, s10, v20;
	s11 =	spop (drf)  }
0x1d4: {  	v22 =	vperm.xlane v21, v16;
	v20 =	vsel vm9, s11, v20;
	s19 =	spop (drf)  }
0x1d5: {  	v20 =	vsel vm10, s19, v20;
	s20 =	spop (drf)  }
0x1d6: {  	s24 =	simm.s32 $0x2;
	v22 =	vadd.s32 v17, v22;
	v20 =	vsel vm11, s20, v20;
	s23 =	spop (drf)  }
0x1d7: {  	[sflag:s24] =	ssyncset.done $0x0;
	v20 =	vsel vm12, s23, v20;
	s25 =	spop (drf)  }
0x1d8: {  	[sflag:s24] =	ssyncadd.s32 $0xFFFF8000;
	v20 =	vsel vm13, s25, v20;
	s26 =	spop (drf)  }
0x1d9: {  	[tilespmem:$0x100] =	vst v19;
	v19 =	vsel vm14, s26, v20  }
0x1da: {  	s15 =	smov.u32 s0;
	s28 =	simm.s32 $0xE180;
	s0 =	rddreg [dreg:$0x1];
	[tilespmem:$0x110] =	vst v19  }
0x1db: {  	[tilespmem:s28], [sflag:$0x1] =	stream.indirect_vreg.gather [hbm4b:s0+s3], $0x80, v22, vm15, $0xb8;
	[tilespmem:$0x1C180] =	vst v63  }
0x1dc: {  	s16 =	smov.u32 s31;
	s30 =	simm.s32 $0xE980;
	s31 =	rddreg [dreg:$0x13];
	v19 =	vperm.xlane v21, v18  }
0x1dd: {  	[tilespmem:s30], [sflag:$0x1] =	stream.indirect_vreg.gather [hbm4b:s31+s3], $0x80, v22, vm15, $0xb8;
	[tilespmem:$0x1C180] =	vst v63  }
0x1de: {  	s18 =	smov.u32 s1;
	s5 =	rddreg [dreg:$0x14];
	s1 =	simm.s32 $0xF180;
	v19 =	vadd.s32 v17, v19  }
0x1df: {  	[tilespmem:s1], [sflag:$0x1] =	stream.indirect_vreg.gather [hbm4b:s5+s3], $0x80, v22, vm15, $0xb8;
	[tilespmem:$0x1C180] =	vst v63  }
0x1e0: {  	s6 =	simm.s32 $0xF980  }
0x1e1: {  	[tilespmem:s6], [sflag:$0x1] =	stream.indirect_vreg.gather [hbm4b:s22+s3], $0x80, v22, vm15, $0xb8;
	[tilespmem:$0x1C180] =	vst v63  }
0x1e2: {  	s7 =	simm.s32 $0x10180;
	s8 =	rddreg [dreg:$0x1]  }
0x1e3: {  	[tilespmem:s7], [sflag:$0x1] =	stream.indirect_vreg.gather [hbm4b:s8+s3], $0x80, v19, vm15, $0xb8;
	[tilespmem:$0x1C180] =	vst v63  }
0x1e4: {  	s9 =	simm.s32 $0x10980  }
0x1e5: {  	[tilespmem:s9], [sflag:$0x1] =	stream.indirect_vreg.gather [hbm4b:s31+s3], $0x80, v19, vm15, $0xb8;
	[tilespmem:$0x1C180] =	vst v63  }
0x1e6: {  	s10 =	simm.s32 $0x11180  }
0x1e7: {  	[tilespmem:s10], [sflag:$0x1] =	stream.indirect_vreg.gather [hbm4b:s5+s3], $0x80, v19, vm15, $0xb8;
	[tilespmem:$0x1C180] =	vst v63  }
0x1e8: {  	s11 =	simm.s32 $0x11980  }
0x1e9: {  	[tilespmem:s11], [sflag:$0x1] =	stream.indirect_vreg.gather [hbm4b:s22+s3], $0x80, v19, vm15, $0xb8;
	[tilespmem:$0x1C180] =	vst v63  }
0x1ea: {  	v19 =	vld [tilespmem:$0x110];
	_ =	sdelay $0x4  }
0x1eb: {  	v20 =	vshll.u32 v19, $0x3  }
0x1ec: {  	v19 =	vand.u32 $0x7, v19;
	v20 =	vand.u32 $0xFFFFFFC0, v20  }
0x1ed: {  	v19 =	vor.u32 v19, v20  }
0x1ee: {  	v20 =	vperm.xlane v19, v16;
	_ =	sdelay $0x1  }
0x1ef: {  	v20 =	vadd.s32 v17, v20;
	_ =	sdelay $0x3  }
0x1f0: {  	s19 =	simm.s32 $0x12180;
	s20 =	rddreg [dreg:$0x1]  }
0x1f1: {  	[tilespmem:s19], [sflag:$0x1] =	stream.indirect_vreg.gather [hbm4b:s20+s3], $0x80, v20, vm15, $0xb8;
	[tilespmem:$0x1C180] =	vst v63  }
0x1f2: {  	s23 =	simm.s32 $0x12980;
	v19 =	vperm.xlane v19, v18  }
0x1f3: {  	[tilespmem:s23], [sflag:$0x1] =	stream.indirect_vreg.gather [hbm4b:s31+s3], $0x80, v20, vm15, $0xb8;
	[tilespmem:$0x1C180] =	vst v63  }
0x1f4: {  	s24 =	simm.s32 $0x13180;
	v19 =	vadd.s32 v17, v19  }
0x1f5: {  	[tilespmem:s24], [sflag:$0x1] =	stream.indirect_vreg.gather [hbm4b:s5+s3], $0x80, v20, vm15, $0xb8;
	[tilespmem:$0x1C180] =	vst v63  }
0x1f6: {  	s25 =	simm.s32 $0x13980  }
0x1f7: {  	[tilespmem:s25], [sflag:$0x1] =	stream.indirect_vreg.gather [hbm4b:s22+s3], $0x80, v20, vm15, $0xb8;
	[tilespmem:$0x1C180] =	vst v63  }
0x1f8: {  	s26 =	simm.s32 $0x14180;
	s28 =	rddreg [dreg:$0x1]  }
0x1f9: {  	[tilespmem:s26], [sflag:$0x1] =	stream.indirect_vreg.gather [hbm4b:s28+s3], $0x80, v19, vm15, $0xb8;
	[tilespmem:$0x1C180] =	vst v63  }
0x1fa: {  	s30 =	simm.s32 $0x14980  }
0x1fb: {  	[tilespmem:s30], [sflag:$0x1] =	stream.indirect_vreg.gather [hbm4b:s31+s3], $0x80, v19, vm15, $0xb8;
	[tilespmem:$0x1C180] =	vst v63  }
0x1fc: {  	s31 =	simm.s32 $0x15180  }
0x1fd: {  	[tilespmem:s31], [sflag:$0x1] =	stream.indirect_vreg.gather [hbm4b:s5+s3], $0x80, v19, vm15, $0xb8;
	[tilespmem:$0x1C180] =	vst v63  }
0x1fe: {  	s2 =	simm.s32 $0x1;
	s1 =	simm.s32 $0x15980  }
0x1ff: {  	[tilespmem:s1], [sflag:$0x1] =	stream.indirect_vreg.gather [hbm4b:s22+s3], $0x80, v19, vm15, $0xb8;
	[tilespmem:$0x1C180] =	vst v63  }
0x200: {  	s5 =	simm.s32 $0x1;
	_ =	swait.ge [sflag:s2], $0x8000  }
0x201: {  	s4 =	simm.s32 $0x2;
	s6 =	simm.s32 $0x1;
	[sflag:s5] =	ssyncset.done $0x0  }
0x202: {  	s8 =	simm.s32 $0x180;
	s7 =	rddreg [dreg:$0xa];
	[sflag:s6] =	ssyncadd.s32 $0xFFFF8000  }
0x203: {  	[hbm4b:s7+s3] =	stream.linear.scatter [tilespmem:s8], [sflag:$0x2], $0x8000, $0x38;
	[tilespmem:$0x1C180] =	vst v63  }
0x204: {  	_ =	swait.ge [sflag:s4], $0x8000  }
0x205: {  	(v2sf) =	vpush v7, $0x0  }
0x206: {  	(v2sf) =	vpush v7, $0xF;
	_ =	sdelay $0x2  }
0x207: {  	(v2sf) =	vpush v7, $0x1  }
0x208: {  	(v2sf) =	vpush v7, $0x2  }
0x209: {  	(v2sf) =	vpush v7, $0x3  }
0x20a: {  	(v2sf) =	vpush v7, $0x4  }
0x20b: {  	(v2sf) =	vpush v7, $0x5  }
0x20c: {  	(v2sf) =	vpush v7, $0x6  }
0x20d: {  	(v2sf) =	vpush v7, $0x7  }
0x20e: {  	(v2sf) =	vpush v7, $0x8;
	_ =	sdelay $0x3  }
0x20f: {  	s24 =	rddreg [dreg:$0x16];
	s9 =	spop (v2sf)  }
0x210: {  	(v2sf) =	vpush v7, $0x9;
	(drf) =	srem.u32 s9, s24;
	s10 =	spop (v2sf)  }
0x211: {  	s4 =	smov.u32 s21;
	(drf) =	srem.u32 s10, s21;
	s21 =	sld [smem:$0x7EF]  }
0x212: {  	(v2sf) =	vpush v7, $0xA  }
0x213: {  	s11 =	spop (v2sf);
	s10 =	rddreg [dreg:$0x18]  }
0x214: {  	(v2sf) =	vpush v7, $0xB;
	s19 =	spop (v2sf);
	(drf) =	srem.u32 s11, s21  }
0x215: {  	s20 =	spop (v2sf);
	(drf) =	srem.u32 s19, s10  }
0x216: {  	s3 =	rddreg [dreg:$0x19];
	(v2sf) =	vpush v7, $0xC;
	s22 =	spop (v2sf)  }
0x217: {  	(v2sf) =	vpush v7, $0xD;
	s23 =	spop (v2sf);
	(drf) =	srem.u32 s20, s3  }
0x218: {  	s5 =	rddreg [dreg:$0x1a];
	s25 =	spop (v2sf)  }
0x219: {  	(v2sf) =	vpush v7, $0xE;
	(drf) =	srem.u32 s22, s5;
	s26 =	spop (v2sf)  }
0x21a: {  	s28 =	spop (v2sf)  }
0x21b: {  	(v2sf) =	vpush v8, $0x0;
	(drf) =	srem.u32 s23, s13;
	s7 =	spop (drf)  }
0x21c: {  	s30 =	rddreg [dreg:$0x1c];
	s2 =	spop (drf)  }
0x21d: {  	s0 =	sld [smem:$0x7F0];
	(v2sf) =	vpush v8, $0xF;
	s6 =	spop (drf)  }
0x21e: {  	(v2sf) =	vpush v8, $0x1;
	(drf) =	srem.u32 s25, s30;
	s9 =	spop (drf)  }
0x21f: {  	(v2sf) =	vpush v8, $0x2;
	s31 =	spop (v2sf)  }
0x220: {  	(drf) =	srem.u32 s26, s0;
	s11 =	spop (drf)  }
0x221: {  	s1 =	smov.u32 s12;
	(v2sf) =	vpush v8, $0x3;
	(drf) =	srem.u32 s28, s12;
	s12 =	spop (v2sf)  }
0x222: {  	s19 =	spop (drf)  }
0x223: {  	(v2sf) =	vpush v8, $0x4;
	s22 =	spop (v2sf)  }
0x224: {  	s20 =	spop (drf)  }
0x225: {  	(v2sf) =	vpush v8, $0x5;
	(drf) =	srem.u32 s31, s14;
	s23 =	spop (v2sf)  }
0x226: {  	(drf) =	srem.u32 s12, s29;
	s25 =	spop (v2sf)  }
0x227: {  	(v2sf) =	vpush v8, $0x6;
	(drf) =	srem.u32 s22, s17;
	s22 =	spop (drf)  }
0x228: {  	s26 =	spop (v2sf)  }
0x229: {  	s8 =	smov.u32 s13;
	(v2sf) =	vpush v8, $0x7;
	(drf) =	srem.u32 s23, s16;
	s13 =	spop (drf)  }
0x22a: {  	(drf) =	srem.u32 s25, s15;
	s28 =	spop (v2sf)  }
0x22b: {  	(v2sf) =	vpush v8, $0x8;
	s12 =	smov.u32 s15;
	(drf) =	srem.u32 s26, s18;
	s15 =	spop (drf)  }
0x22c: {  	(drf) =	srem.u32 s28, s24;
	s29 =	spop (v2sf)  }
0x22d: {  	(v2sf) =	vpush v8, $0x9;
	(drf) =	srem.u32 s29, s4;
	s29 =	smov.u32 s4;
	s4 =	spop (v2sf)  }
0x22e: {  	(drf) =	srem.u32 s4, s21;
	s21 =	spop (v2sf)  }
0x22f: {  	(v2sf) =	vpush v8, $0xA;
	s16 =	spop (drf)  }
0x230: {  	s28 =	spop (v2sf)  }
0x231: {  	s31 =	smov.u32 s17;
	(v2sf) =	vpush v8, $0xB;
	s17 =	spop (drf)  }
0x232: {  	v19 =	vmov s2;
	s4 =	spop (v2sf)  }
0x233: {  	v19 =	vsel vm0, s7, v19;
	(v2sf) =	vpush v8, $0xC;
	s18 =	spop (drf)  }
0x234: {  	[dreg:$0x1b] =	wrdreg s8;
	v19 =	vsel vm1, s6, v19;
	s6 =	spop (v2sf)  }
0x235: {  	(drf) =	srem.u32 s21, s10;
	s23 =	spop (drf)  }
0x236: {  	(v2sf) =	vpush v8, $0xD;
	(drf) =	srem.u32 s28, s3;
	s7 =	spop (v2sf)  }
0x237: {  	(drf) =	srem.u32 s4, s5;
	s24 =	spop (drf)  }
0x238: {  	v19 =	vsel vm2, s9, v19;
	(v2sf) =	vpush v8, $0xE;
	(drf) =	srem.u32 s6, s8;
	s8 =	spop (v2sf)  }
0x239: {  	v19 =	vsel vm3, s11, v19;
	s25 =	spop (drf)  }
0x23a: {  	v19 =	vsel vm4, s19, v19;
	s9 =	spop (v2sf)  }
0x23b: {  	v19 =	vsel vm5, s20, v19;
	s26 =	spop (drf)  }
0x23c: {  	v19 =	vsel vm6, s22, v19;
	(drf) =	srem.u32 s7, s30;
	s11 =	spop (v2sf)  }
0x23d: {  	v19 =	vsel vm7, s13, v19;
	(drf) =	srem.u32 s8, s0;
	s13 =	spop (drf)  }
0x23e: {  	(drf) =	srem.u32 s9, s1;
	s0 =	spop (v2sf)  }
0x23f: {  	v19 =	vsel vm8, s15, v19;
	(drf) =	srem.u32 s11, s14;
	s14 =	spop (drf)  }
0x240: {  	s22 =	smov.u32 s1;
	v19 =	vsel vm9, s16, v19;
	s16 =	sld [smem:$0x7F1];
	s1 =	spop (v2sf)  }
0x241: {  	s15 =	spop (drf)  }
0x242: {  	v19 =	vsel vm10, s17, v19;
	s4 =	spop (v2sf)  }
0x243: {  	v19 =	vsel vm11, s18, v19;
	(drf) =	srem.u32 s0, s16;
	s17 =	spop (drf)  }
0x244: {  	v19 =	vsel vm12, s23, v19;
	s23 =	smov.u32 s31;
	v20 =	vmov s13;
	(drf) =	srem.u32 s1, s31;
	s31 =	sld [smem:$0x7F3]  }
0x245: {  	v20 =	vsel vm0, s26, v20;
	s5 =	spop (v2sf)  }
0x246: {  	v19 =	vsel vm13, s24, v19;
	s24 =	sld [smem:$0x7F5];
	v20 =	vsel vm1, s14, v20;
	s18 =	spop (drf)  }
0x247: {  	v20 =	vsel vm2, s15, v20;
	s6 =	spop (v2sf);
	(drf) =	srem.u32 s4, s31  }
0x248: {  	s19 =	spop (drf);
	v20 =	vsel vm3, s17, v20;
	(drf) =	srem.u32 s5, s12  }
0x249: {  	s8 =	simm.s32 $0x2;
	s20 =	spop (drf);
	v20 =	vsel vm4, s18, v20;
	(drf) =	srem.u32 s6, s24  }
0x24a: {  	[sflag:s8] =	ssyncset.done $0x0;
	v19 =	vsel vm14, s25, v19;
	v20 =	vsel vm5, s19, v20  }
0x24b: {  	[sflag:s8] =	ssyncadd.s32 $0xFFFF8000;
	v57 =	vshll.u32 v19, $0x3;
	s21 =	spop (drf);
	v20 =	vsel vm6, s20, v20  }
0x24c: {  	[tilespmem:$0x80] =	vst v19;
	v19 =	vand.u32 $0x7, v19;
	v21 =	vand.u32 $0xFFFFFFC0, v57;
	s25 =	spop (drf);
	v20 =	vsel vm7, s21, v20  }
0x24d: {  	v19 =	vor.u32 v19, v21;
	s30 =	spop (drf);
	v20 =	vsel vm8, s25, v20  }
0x24e: {  	v21 =	vperm.xlane v19, v16;
	v20 =	vsel vm9, s30, v20;
	s11 =	spop (drf)  }
0x24f: {  	s28 =	smov.u32 s12;
	v20 =	vsel vm10, s11, v20;
	s12 =	spop (drf)  }
0x250: {  	v21 =	vadd.s32 v17, v21;
	v20 =	vsel vm11, s12, v20;
	s13 =	spop (drf)  }
0x251: {  	v20 =	vsel vm12, s13, v20;
	s14 =	spop (drf)  }
0x252: {  	v20 =	vsel vm13, s14, v20;
	s15 =	spop (drf)  }
0x253: {  	v20 =	vsel vm14, s15, v20  }
0x254: {  	s3 =	simm.s32 $0x0;
	s17 =	rddreg [dreg:$0x1];
	s18 =	simm.s32 $0x180;
	[tilespmem:$0x90] =	vst v20  }
0x255: {  	[tilespmem:s18], [sflag:$0x1] =	stream.indirect_vreg.gather [hbm4b:s17+s3], $0x80, v21, vm15, $0xb8;
	[tilespmem:$0x1C180] =	vst v63  }
0x256: {  	v19 =	vperm.xlane v19, v18;
	s19 =	simm.s32 $0x980;
	s20 =	rddreg [dreg:$0x13]  }
0x257: {  	[tilespmem:s19], [sflag:$0x1] =	stream.indirect_vreg.gather [hbm4b:s20+s3], $0x80, v21, vm15, $0xb8;
	[tilespmem:$0x1C180] =	vst v63  }
0x258: {  	v19 =	vadd.s32 v17, v19;
	s21 =	simm.s32 $0x1180;
	s25 =	rddreg [dreg:$0x14]  }
0x259: {  	[tilespmem:s21], [sflag:$0x1] =	stream.indirect_vreg.gather [hbm4b:s25+s3], $0x80, v21, vm15, $0xb8;
	[tilespmem:$0x1C180] =	vst v63  }
0x25a: {  	s26 =	simm.s32 $0x1980;
	s30 =	rddreg [dreg:$0x15]  }
0x25b: {  	[tilespmem:s26], [sflag:$0x1] =	stream.indirect_vreg.gather [hbm4b:s30+s3], $0x80, v21, vm15, $0xb8;
	[tilespmem:$0x1C180] =	vst v63  }
0x25c: {  	s2 =	rddreg [dreg:$0x1];
	s0 =	simm.s32 $0x2180  }
0x25d: {  	[tilespmem:s0], [sflag:$0x1] =	stream.indirect_vreg.gather [hbm4b:s2+s3], $0x80, v19, vm15, $0xb8;
	[tilespmem:$0x1C180] =	vst v63  }
0x25e: {  	s4 =	simm.s32 $0x2980  }
0x25f: {  	[tilespmem:s4], [sflag:$0x1] =	stream.indirect_vreg.gather [hbm4b:s20+s3], $0x80, v19, vm15, $0xb8;
	[tilespmem:$0x1C180] =	vst v63  }
0x260: {  	s5 =	simm.s32 $0x3180  }
0x261: {  	[tilespmem:s5], [sflag:$0x1] =	stream.indirect_vreg.gather [hbm4b:s25+s3], $0x80, v19, vm15, $0xb8;
	[tilespmem:$0x1C180] =	vst v63  }
0x262: {  	s6 =	simm.s32 $0x3980  }
0x263: {  	[tilespmem:s6], [sflag:$0x1] =	stream.indirect_vreg.gather [hbm4b:s30+s3], $0x80, v19, vm15, $0xb8;
	[tilespmem:$0x1C180] =	vst v63  }
0x264: {  	v19 =	vld [tilespmem:$0x90];
	_ =	sdelay $0x4  }
0x265: {  	v20 =	vshll.u32 v19, $0x3  }
0x266: {  	v19 =	vand.u32 $0x7, v19;
	v20 =	vand.u32 $0xFFFFFFC0, v20  }
0x267: {  	v19 =	vor.u32 v19, v20  }
0x268: {  	v20 =	vperm.xlane v19, v16;
	_ =	sdelay $0x1  }
0x269: {  	v20 =	vadd.s32 v17, v20;
	_ =	sdelay $0x3  }
0x26a: {  	s7 =	simm.s32 $0x4180;
	s9 =	rddreg [dreg:$0x1]  }
0x26b: {  	[tilespmem:s7], [sflag:$0x1] =	stream.indirect_vreg.gather [hbm4b:s9+s3], $0x80, v20, vm15, $0xb8;
	[tilespmem:$0x1C180] =	vst v63  }
0x26c: {  	s11 =	simm.s32 $0x4980;
	v19 =	vperm.xlane v19, v18  }
0x26d: {  	[tilespmem:s11], [sflag:$0x1] =	stream.indirect_vreg.gather [hbm4b:s20+s3], $0x80, v20, vm15, $0xb8;
	[tilespmem:$0x1C180] =	vst v63  }
0x26e: {  	s13 =	simm.s32 $0x5180;
	v19 =	vadd.s32 v17, v19  }
0x26f: {  	[tilespmem:s13], [sflag:$0x1] =	stream.indirect_vreg.gather [hbm4b:s25+s3], $0x80, v20, vm15, $0xb8;
	[tilespmem:$0x1C180] =	vst v63  }
0x270: {  	s14 =	simm.s32 $0x5980  }
0x271: {  	[tilespmem:s14], [sflag:$0x1] =	stream.indirect_vreg.gather [hbm4b:s30+s3], $0x80, v20, vm15, $0xb8;
	[tilespmem:$0x1C180] =	vst v63  }
0x272: {  	s15 =	simm.s32 $0x6180;
	s17 =	rddreg [dreg:$0x1]  }
0x273: {  	[tilespmem:s15], [sflag:$0x1] =	stream.indirect_vreg.gather [hbm4b:s17+s3], $0x80, v19, vm15, $0xb8;
	[tilespmem:$0x1C180] =	vst v63  }
0x274: {  	s18 =	simm.s32 $0x6980  }
0x275: {  	[tilespmem:s18], [sflag:$0x1] =	stream.indirect_vreg.gather [hbm4b:s20+s3], $0x80, v19, vm15, $0xb8;
	[tilespmem:$0x1C180] =	vst v63  }
0x276: {  	s19 =	simm.s32 $0x7180  }
0x277: {  	[tilespmem:s19], [sflag:$0x1] =	stream.indirect_vreg.gather [hbm4b:s25+s3], $0x80, v19, vm15, $0xb8;
	[tilespmem:$0x1C180] =	vst v63  }
0x278: {  	s21 =	simm.s32 $0x7980;
	s25 =	simm.s32 $0x1  }
0x279: {  	[tilespmem:s21], [sflag:$0x1] =	stream.indirect_vreg.gather [hbm4b:s30+s3], $0x80, v19, vm15, $0xb8;
	[tilespmem:$0x1C180] =	vst v63  }
0x27a: {  	s26 =	simm.s32 $0x1;
	_ =	swait.ge [sflag:s25], $0x8000  }
0x27b: {  	s30 =	simm.s32 $0x1;
	[sflag:s26] =	ssyncset.done $0x0  }
0x27c: {  	s2 =	simm.s32 $0xE180;
	s1 =	rddreg [dreg:$0xb];
	[sflag:s30] =	ssyncadd.s32 $0xFFFF8000  }
0x27d: {  	[hbm4b:s1+s3] =	stream.linear.scatter [tilespmem:s2], [sflag:$0x2], $0x8000, $0x38;
	[tilespmem:$0x1C180] =	vst v63  }
0x27e: {  	_ =	swait.ge [sflag:s8], $0x8000  }
0x27f: {  	(v2sf) =	vpush v9, $0x0  }
0x280: {  	(v2sf) =	vpush v9, $0xF;
	_ =	sdelay $0x3  }
0x281: {  	(v2sf) =	vpush v9, $0x1  }
0x282: {  	(v2sf) =	vpush v9, $0x2  }
0x283: {  	(v2sf) =	vpush v9, $0x3  }
0x284: {  	(v2sf) =	vpush v9, $0x4  }
0x285: {  	(v2sf) =	vpush v9, $0x5;
	_ =	sdelay $0x4  }
0x286: {  	(v2sf) =	vpush v9, $0x6  }
0x287: {  	s21 =	rddreg [dreg:$0x16];
	(v2sf) =	vpush v9, $0x7;
	s4 =	spop (v2sf)  }
0x288: {  	(drf) =	srem.u32 s4, s21;
	s5 =	spop (v2sf)  }
0x289: {  	(v2sf) =	vpush v9, $0x8;
	(drf) =	srem.u32 s5, s29  }
0x28a: {  	(v2sf) =	vpush v9, $0x9  }
0x28b: {  	(v2sf) =	vpush v9, $0xA  }
0x28c: {  	s30 =	sld [smem:$0x7EF];
	s6 =	spop (v2sf)  }
0x28d: {  	s25 =	rddreg [dreg:$0x19];
	s7 =	spop (v2sf)  }
0x28e: {  	s26 =	rddreg [dreg:$0x1a];
	s9 =	spop (v2sf)  }
0x28f: {  	(drf) =	srem.u32 s6, s30;
	s11 =	spop (v2sf)  }
0x290: {  	(drf) =	srem.u32 s7, s10;
	s12 =	spop (v2sf)  }
0x291: {  	(drf) =	srem.u32 s9, s25;
	s2 =	spop (drf)  }
0x292: {  	(drf) =	srem.u32 s11, s26;
	s4 =	spop (drf)  }
0x293: {  	s8 =	smov.u32 s29;
	s29 =	rddreg [dreg:$0x1b]  }
0x294: {  	s1 =	rddreg [dreg:$0x1c]  }
0x295: {  	s13 =	spop (v2sf);
	s6 =	sld [smem:$0x7F0]  }
0x296: {  	(v2sf) =	vpush v9, $0xB;
	(drf) =	srem.u32 s12, s29;
	s14 =	spop (v2sf)  }
0x297: {  	(v2sf) =	vpush v9, $0xC;
	s12 =	rddreg [dreg:$0x1e];
	(drf) =	srem.u32 s13, s1  }
0x298: {  	s15 =	spop (v2sf);
	(v2sf) =	vpush v9, $0xD;
	(drf) =	srem.u32 s14, s6  }
0x299: {  	s17 =	spop (v2sf);
	(v2sf) =	vpush v9, $0xE;
	(drf) =	srem.u32 s15, s22  }
0x29a: {  	s18 =	spop (v2sf);
	(v2sf) =	vpush v10, $0x0;
	(drf) =	srem.u32 s17, s12  }
0x29b: {  	s7 =	spop (drf);
	(v2sf) =	vpush v10, $0xF;
	(drf) =	srem.u32 s18, s16  }
0x29c: {  	s9 =	spop (drf);
	(v2sf) =	vpush v10, $0x1  }
0x29d: {  	s11 =	spop (drf);
	(v2sf) =	vpush v10, $0x2  }
0x29e: {  	s13 =	spop (drf);
	(v2sf) =	vpush v10, $0x3  }
0x29f: {  	(v2sf) =	vpush v10, $0x4;
	s14 =	spop (drf)  }
0x2a0: {  	s15 =	spop (drf)  }
0x2a1: {  	(v2sf) =	vpush v10, $0x5;
	s16 =	spop (drf)  }
0x2a2: {  	s17 =	spop (drf)  }
0x2a3: {  	s5 =	spop (drf)  }
0x2a4: {  	s20 =	spop (drf)  }
0x2a5: {  	s19 =	spop (v2sf)  }
0x2a6: {  	s0 =	smov.u32 s22;
	(drf) =	srem.u32 s19, s23;
	s22 =	spop (v2sf)  }
0x2a7: {  	s19 =	smov.u32 s23;
	(drf) =	srem.u32 s22, s31;
	s23 =	spop (v2sf)  }
0x2a8: {  	(drf) =	srem.u32 s23, s28;
	s23 =	spop (v2sf)  }
0x2a9: {  	(drf) =	srem.u32 s23, s24;
	s24 =	spop (v2sf)  }
0x2aa: {  	s22 =	smov.u32 s31;
	s31 =	smov.u32 s28;
	s28 =	spop (v2sf)  }
0x2ab: {  	v19 =	vmov s4;
	(v2sf) =	vpush v10, $0x6;
	(drf) =	srem.u32 s24, s21;
	s21 =	spop (v2sf)  }
0x2ac: {  	v19 =	vsel vm0, s2, v19;
	(v2sf) =	vpush v10, $0x7;
	(drf) =	srem.u32 s28, s8;
	s23 =	spop (v2sf)  }
0x2ad: {  	v19 =	vsel vm1, s7, v19;
	(v2sf) =	vpush v10, $0x8;
	(drf) =	srem.u32 s21, s30;
	s24 =	spop (v2sf)  }
0x2ae: {  	v19 =	vsel vm2, s9, v19;
	(v2sf) =	vpush v10, $0x9;
	(drf) =	srem.u32 s23, s10;
	s28 =	spop (v2sf)  }
0x2af: {  	v19 =	vsel vm3, s11, v19;
	(v2sf) =	vpush v10, $0xA;
	(drf) =	srem.u32 s24, s25;
	s18 =	spop (drf)  }
0x2b0: {  	v19 =	vsel vm4, s13, v19;
	(v2sf) =	vpush v10, $0xB;
	(drf) =	srem.u32 s28, s26;
	s21 =	spop (v2sf)  }
0x2b1: {  	v19 =	vsel vm5, s14, v19;
	(v2sf) =	vpush v10, $0xC;
	s23 =	spop (drf)  }
0x2b2: {  	v19 =	vsel vm6, s15, v19;
	(v2sf) =	vpush v10, $0xD;
	s24 =	spop (drf)  }
0x2b3: {  	v19 =	vsel vm7, s16, v19;
	(v2sf) =	vpush v10, $0xE;
	s25 =	spop (drf)  }
0x2b4: {  	v19 =	vsel vm8, s17, v19;
	s26 =	spop (drf)  }
0x2b5: {  	v19 =	vsel vm9, s5, v19;
	s28 =	spop (drf)  }
0x2b6: {  	v19 =	vsel vm10, s20, v19;
	s4 =	spop (drf)  }
0x2b7: {  	v19 =	vsel vm11, s18, v19;
	s2 =	spop (drf)  }
0x2b8: {  	s13 =	sld [smem:$0x7F1];
	v19 =	vsel vm12, s23, v19;
	s7 =	spop (drf)  }
0x2b9: {  	v19 =	vsel vm13, s24, v19;
	s24 =	sld [smem:$0x7F5];
	s9 =	spop (drf)  }
0x2ba: {  	(drf) =	srem.u32 s21, s29;
	s21 =	spop (v2sf)  }
0x2bb: {  	(drf) =	srem.u32 s21, s1;
	s29 =	spop (v2sf)  }
0x2bc: {  	s14 =	smov.u32 s1;
	(drf) =	srem.u32 s29, s6;
	s1 =	spop (v2sf)  }
0x2bd: {  	s21 =	smov.u32 s6;
	(drf) =	srem.u32 s1, s0;
	s6 =	spop (v2sf)  }
0x2be: {  	s16 =	smov.u32 s12;
	v20 =	vmov s28;
	(drf) =	srem.u32 s6, s12;
	s12 =	spop (v2sf)  }
0x2bf: {  	v20 =	vsel vm0, s26, v20;
	(drf) =	srem.u32 s12, s13;
	s17 =	spop (v2sf)  }
0x2c0: {  	s26 =	smov.u32 s19;
	v20 =	vsel vm1, s4, v20;
	(drf) =	srem.u32 s17, s19;
	s19 =	spop (v2sf)  }
0x2c1: {  	v20 =	vsel vm2, s2, v20;
	(drf) =	srem.u32 s19, s22;
	s20 =	spop (v2sf)  }
0x2c2: {  	v20 =	vsel vm3, s7, v20;
	s12 =	smov.u32 s22;
	(drf) =	srem.u32 s20, s31;
	s22 =	spop (v2sf)  }
0x2c3: {  	v20 =	vsel vm4, s9, v20;
	s23 =	spop (drf);
	(drf) =	srem.u32 s22, s24  }
0x2c4: {  	v19 =	vsel vm14, s25, v19;
	v20 =	vsel vm5, s23, v20;
	s25 =	spop (drf)  }
0x2c5: {  	v58 =	vshll.u32 v19, $0x3;
	v20 =	vsel vm6, s25, v20;
	s29 =	spop (drf)  }
0x2c6: {  	v59 =	vand.u32 $0x7, v19;
	s28 =	smov.u32 s31;
	v21 =	vand.u32 $0xFFFFFFC0, v58;
	v20 =	vsel vm7, s29, v20;
	s31 =	spop (drf)  }
0x2c7: {  	s15 =	smov.u32 s0;
	v21 =	vor.u32 v59, v21;
	v20 =	vsel vm8, s31, v20;
	s0 =	spop (drf)  }
0x2c8: {  	v22 =	vperm.xlane v21, v16;
	v20 =	vsel vm9, s0, v20;
	s1 =	spop (drf)  }
0x2c9: {  	v20 =	vsel vm10, s1, v20;
	s4 =	spop (drf)  }
0x2ca: {  	v22 =	vadd.s32 v17, v22;
	s6 =	simm.s32 $0x2;
	v20 =	vsel vm11, s4, v20;
	s5 =	spop (drf)  }
0x2cb: {  	[sflag:s6] =	ssyncset.done $0x0;
	v20 =	vsel vm12, s5, v20;
	s7 =	spop (drf)  }
0x2cc: {  	[sflag:s6] =	ssyncadd.s32 $0xFFFF8000;
	v20 =	vsel vm13, s7, v20;
	s9 =	spop (drf)  }
0x2cd: {  	[tilespmem:$0x100] =	vst v19;
	v19 =	vsel vm14, s9, v20  }
0x2ce: {  	s11 =	simm.s32 $0xE180;
	s0 =	rddreg [dreg:$0x1];
	[tilespmem:$0x110] =	vst v19  }
0x2cf: {  	[tilespmem:s11], [sflag:$0x1] =	stream.indirect_vreg.gather [hbm4b:s0+s3], $0x80, v22, vm15, $0xb8;
	[tilespmem:$0x1C180] =	vst v63  }
0x2d0: {  	s17 =	simm.s32 $0xE980;
	s19 =	rddreg [dreg:$0x13];
	v19 =	vperm.xlane v21, v18  }
0x2d1: {  	[tilespmem:s17], [sflag:$0x1] =	stream.indirect_vreg.gather [hbm4b:s19+s3], $0x80, v22, vm15, $0xb8;
	[tilespmem:$0x1C180] =	vst v63  }
0x2d2: {  	s18 =	simm.s32 $0xF180;
	s2 =	rddreg [dreg:$0x14];
	v19 =	vadd.s32 v17, v19  }
0x2d3: {  	[tilespmem:s18], [sflag:$0x1] =	stream.indirect_vreg.gather [hbm4b:s2+s3], $0x80, v22, vm15, $0xb8;
	[tilespmem:$0x1C180] =	vst v63  }
0x2d4: {  	s20 =	simm.s32 $0xF980;
	s5 =	rddreg [dreg:$0x15]  }
0x2d5: {  	[tilespmem:s20], [sflag:$0x1] =	stream.indirect_vreg.gather [hbm4b:s5+s3], $0x80, v22, vm15, $0xb8;
	[tilespmem:$0x1C180] =	vst v63  }
0x2d6: {  	s22 =	simm.s32 $0x10180;
	s23 =	rddreg [dreg:$0x1]  }
0x2d7: {  	[tilespmem:s22], [sflag:$0x1] =	stream.indirect_vreg.gather [hbm4b:s23+s3], $0x80, v19, vm15, $0xb8;
	[tilespmem:$0x1C180] =	vst v63  }
0x2d8: {  	s25 =	simm.s32 $0x10980  }
0x2d9: {  	[tilespmem:s25], [sflag:$0x1] =	stream.indirect_vreg.gather [hbm4b:s19+s3], $0x80, v19, vm15, $0xb8;
	[tilespmem:$0x1C180] =	vst v63  }
0x2da: {  	s29 =	simm.s32 $0x11180  }
0x2db: {  	[tilespmem:s29], [sflag:$0x1] =	stream.indirect_vreg.gather [hbm4b:s2+s3], $0x80, v19, vm15, $0xb8;
	[tilespmem:$0x1C180] =	vst v63  }
0x2dc: {  	s31 =	simm.s32 $0x11980  }
0x2dd: {  	[tilespmem:s31], [sflag:$0x1] =	stream.indirect_vreg.gather [hbm4b:s5+s3], $0x80, v19, vm15, $0xb8;
	[tilespmem:$0x1C180] =	vst v63  }
0x2de: {  	v19 =	vld [tilespmem:$0x110];
	_ =	sdelay $0x4  }
0x2df: {  	v20 =	vshll.u32 v19, $0x3  }
0x2e0: {  	v19 =	vand.u32 $0x7, v19;
	v20 =	vand.u32 $0xFFFFFFC0, v20  }
0x2e1: {  	v19 =	vor.u32 v19, v20  }
0x2e2: {  	v20 =	vperm.xlane v19, v16;
	_ =	sdelay $0x1  }
0x2e3: {  	v20 =	vadd.s32 v17, v20;
	_ =	sdelay $0x3  }
0x2e4: {  	s6 =	rddreg [dreg:$0x1];
	s1 =	simm.s32 $0x12180  }
0x2e5: {  	[tilespmem:s1], [sflag:$0x1] =	stream.indirect_vreg.gather [hbm4b:s6+s3], $0x80, v20, vm15, $0xb8;
	[tilespmem:$0x1C180] =	vst v63  }
0x2e6: {  	s7 =	simm.s32 $0x12980;
	v19 =	vperm.xlane v19, v18  }
0x2e7: {  	[tilespmem:s7], [sflag:$0x1] =	stream.indirect_vreg.gather [hbm4b:s19+s3], $0x80, v20, vm15, $0xb8;
	[tilespmem:$0x1C180] =	vst v63  }
0x2e8: {  	s9 =	simm.s32 $0x13180;
	v19 =	vadd.s32 v17, v19  }
0x2e9: {  	[tilespmem:s9], [sflag:$0x1] =	stream.indirect_vreg.gather [hbm4b:s2+s3], $0x80, v20, vm15, $0xb8;
	[tilespmem:$0x1C180] =	vst v63  }
0x2ea: {  	s11 =	simm.s32 $0x13980  }
0x2eb: {  	[tilespmem:s11], [sflag:$0x1] =	stream.indirect_vreg.gather [hbm4b:s5+s3], $0x80, v20, vm15, $0xb8;
	[tilespmem:$0x1C180] =	vst v63  }
0x2ec: {  	s17 =	simm.s32 $0x14180;
	s18 =	rddreg [dreg:$0x1]  }
0x2ed: {  	[tilespmem:s17], [sflag:$0x1] =	stream.indirect_vreg.gather [hbm4b:s18+s3], $0x80, v19, vm15, $0xb8;
	[tilespmem:$0x1C180] =	vst v63  }
0x2ee: {  	s20 =	simm.s32 $0x14980  }
0x2ef: {  	[tilespmem:s20], [sflag:$0x1] =	stream.indirect_vreg.gather [hbm4b:s19+s3], $0x80, v19, vm15, $0xb8;
	[tilespmem:$0x1C180] =	vst v63  }
0x2f0: {  	s22 =	simm.s32 $0x15180  }
0x2f1: {  	[tilespmem:s22], [sflag:$0x1] =	stream.indirect_vreg.gather [hbm4b:s2+s3], $0x80, v19, vm15, $0xb8;
	[tilespmem:$0x1C180] =	vst v63  }
0x2f2: {  	s23 =	simm.s32 $0x15980;
	s25 =	simm.s32 $0x1  }
0x2f3: {  	[tilespmem:s23], [sflag:$0x1] =	stream.indirect_vreg.gather [hbm4b:s5+s3], $0x80, v19, vm15, $0xb8;
	[tilespmem:$0x1C180] =	vst v63  }
0x2f4: {  	s29 =	simm.s32 $0x1;
	_ =	swait.ge [sflag:s25], $0x8000  }
0x2f5: {  	s4 =	simm.s32 $0x2;
	s31 =	simm.s32 $0x1;
	[sflag:s29] =	ssyncset.done $0x0  }
0x2f6: {  	s2 =	simm.s32 $0x180;
	s1 =	rddreg [dreg:$0xc];
	[sflag:s31] =	ssyncadd.s32 $0xFFFF8000  }
0x2f7: {  	[hbm4b:s1+s3] =	stream.linear.scatter [tilespmem:s2], [sflag:$0x2], $0x8000, $0x38;
	[tilespmem:$0x1C180] =	vst v63  }
0x2f8: {  	_ =	swait.ge [sflag:s4], $0x8000  }
0x2f9: {  	(v2sf) =	vpush v11, $0x0  }
0x2fa: {  	(v2sf) =	vpush v11, $0xF  }
0x2fb: {  	(v2sf) =	vpush v11, $0x1  }
0x2fc: {  	(v2sf) =	vpush v11, $0x2  }
0x2fd: {  	(v2sf) =	vpush v11, $0x3  }
0x2fe: {  	(v2sf) =	vpush v11, $0x4  }
0x2ff: {  	(v2sf) =	vpush v11, $0x5  }
0x300: {  	(v2sf) =	vpush v11, $0x6  }
0x301: {  	(v2sf) =	vpush v11, $0x7  }
0x302: {  	(v2sf) =	vpush v11, $0x8;
	_ =	sdelay $0x1  }
0x303: {  	(v2sf) =	vpush v11, $0x9;
	_ =	sdelay $0x1  }
0x304: {  	(v2sf) =	vpush v11, $0xA  }
0x305: {  	s29 =	rddreg [dreg:$0x16]  }
0x306: {  	s0 =	rddreg [dreg:$0x19];
	s4 =	spop (v2sf)  }
0x307: {  	(drf) =	srem.u32 s4, s29;
	s5 =	spop (v2sf)  }
0x308: {  	s23 =	rddreg [dreg:$0x1a];
	s6 =	spop (v2sf)  }
0x309: {  	(drf) =	srem.u32 s5, s8;
	s7 =	spop (v2sf)  }
0x30a: {  	(drf) =	srem.u32 s6, s30;
	s9 =	spop (v2sf)  }
0x30b: {  	s31 =	smov.u32 s10;
	(drf) =	srem.u32 s7, s10;
	s10 =	spop (v2sf)  }
0x30c: {  	s25 =	rddreg [dreg:$0x1b];
	s11 =	spop (v2sf)  }
0x30d: {  	(drf) =	srem.u32 s9, s0;
	s17 =	spop (v2sf)  }
0x30e: {  	(drf) =	srem.u32 s10, s23;
	s18 =	spop (v2sf)  }
0x30f: {  	(v2sf) =	vpush v11, $0xB;
	(drf) =	srem.u32 s11, s25;
	s20 =	spop (v2sf)  }
0x310: {  	(v2sf) =	vpush v11, $0xC;
	(drf) =	srem.u32 s17, s14;
	s2 =	spop (drf)  }
0x311: {  	s19 =	smov.u32 s21;
	(v2sf) =	vpush v11, $0xD;
	(drf) =	srem.u32 s18, s21;
	s21 =	spop (v2sf)  }
0x312: {  	(v2sf) =	vpush v11, $0xE;
	(drf) =	srem.u32 s20, s15;
	s4 =	spop (drf)  }
0x313: {  	(v2sf) =	vpush v12, $0x0;
	(drf) =	srem.u32 s21, s16;
	s22 =	spop (v2sf)  }
0x314: {  	(v2sf) =	vpush v12, $0xF;
	s7 =	spop (drf);
	(drf) =	srem.u32 s22, s13  }
0x315: {  	(v2sf) =	vpush v12, $0x1;
	s9 =	spop (drf)  }
0x316: {  	(v2sf) =	vpush v12, $0x2;
	s11 =	spop (drf)  }
0x317: {  	(v2sf) =	vpush v12, $0x3;
	s21 =	smov.u32 s13;
	s13 =	spop (drf)  }
0x318: {  	(v2sf) =	vpush v12, $0x4;
	s6 =	spop (drf)  }
0x319: {  	s1 =	smov.u32 s16;
	s16 =	spop (drf)  }
0x31a: {  	(v2sf) =	vpush v12, $0x5;
	s17 =	spop (drf)  }
0x31b: {  	s20 =	spop (drf)  }
0x31c: {  	s22 =	spop (drf)  }
0x31d: {  	s5 =	spop (drf)  }
0x31e: {  	[smem:$0x7F2] =	sst s5;
	s5 =	spop (v2sf)  }
0x31f: {  	(drf) =	srem.u32 s5, s26;
	s5 =	smov.u32 s26;
	s10 =	spop (v2sf)  }
0x320: {  	(v2sf) =	vpush v12, $0x6;
	(drf) =	srem.u32 s10, s12;
	s10 =	smov.u32 s12;
	s26 =	spop (v2sf)  }
0x321: {  	s12 =	smov.u32 s28;
	(drf) =	srem.u32 s26, s28;
	s28 =	spop (v2sf)  }
0x322: {  	s26 =	spop (v2sf)  }
0x323: {  	(drf) =	srem.u32 s28, s24;
	s28 =	spop (v2sf)  }
0x324: {  	(drf) =	srem.u32 s26, s29;
	s29 =	spop (v2sf)  }
0x325: {  	(v2sf) =	vpush v12, $0x7;
	(drf) =	srem.u32 s28, s8;
	s8 =	spop (v2sf)  }
0x326: {  	(v2sf) =	vpush v12, $0x8;
	s26 =	spop (v2sf)  }
0x327: {  	(v2sf) =	vpush v12, $0x9;
	(drf) =	srem.u32 s29, s30;
	s28 =	spop (v2sf)  }
0x328: {  	(v2sf) =	vpush v12, $0xA;
	(drf) =	srem.u32 s8, s31;
	s18 =	spop (drf)  }
0x329: {  	(v2sf) =	vpush v12, $0xB;
	(drf) =	srem.u32 s26, s0;
	s31 =	spop (v2sf)  }
0x32a: {  	v19 =	vmov s4;
	(v2sf) =	vpush v12, $0xC;
	(drf) =	srem.u32 s28, s23;
	s23 =	spop (drf)  }
0x32b: {  	v19 =	vsel vm0, s2, v19;
	(v2sf) =	vpush v12, $0xD;
	s8 =	spop (drf)  }
0x32c: {  	v19 =	vsel vm1, s7, v19;
	(v2sf) =	vpush v12, $0xE;
	s0 =	spop (drf)  }
0x32d: {  	v19 =	vsel vm2, s9, v19;
	s26 =	spop (drf)  }
0x32e: {  	v19 =	vsel vm3, s11, v19;
	s29 =	spop (drf)  }
0x32f: {  	v19 =	vsel vm4, s13, v19;
	s13 =	spop (v2sf)  }
0x330: {  	s4 =	spop (drf)  }
0x331: {  	s2 =	spop (drf)  }
0x332: {  	s11 =	sld [smem:$0x7F2];
	s7 =	spop (drf)  }
0x333: {  	s9 =	spop (drf);
	(drf) =	srem.u32 s31, s25  }
0x334: {  	v19 =	vsel vm5, s6, v19;
	(drf) =	srem.u32 s13, s14;
	s14 =	spop (v2sf)  }
0x335: {  	v19 =	vsel vm6, s16, v19;
	(drf) =	srem.u32 s14, s19;
	s16 =	spop (v2sf)  }
0x336: {  	v19 =	vsel vm7, s17, v19;
	(drf) =	srem.u32 s16, s15;
	s25 =	spop (v2sf)  }
0x337: {  	v19 =	vsel vm8, s20, v19;
	v20 =	vmov s29;
	(drf) =	srem.u32 s25, s1;
	s29 =	spop (v2sf)  }
0x338: {  	v19 =	vsel vm9, s22, v19;
	v20 =	vsel vm0, s26, v20;
	(drf) =	srem.u32 s29, s21;
	s31 =	spop (v2sf)  }
0x339: {  	v19 =	vsel vm10, s11, v19;
	v20 =	vsel vm1, s4, v20;
	(drf) =	srem.u32 s31, s5;
	s13 =	spop (v2sf)  }
0x33a: {  	v19 =	vsel vm11, s18, v19;
	v20 =	vsel vm2, s2, v20;
	(drf) =	srem.u32 s13, s10;
	s14 =	spop (v2sf)  }
0x33b: {  	v19 =	vsel vm12, s23, v19;
	v20 =	vsel vm3, s7, v20;
	(drf) =	srem.u32 s14, s12;
	s15 =	spop (v2sf)  }
0x33c: {  	v19 =	vsel vm13, s8, v19;
	v20 =	vsel vm4, s9, v20;
	s16 =	spop (drf);
	(drf) =	srem.u32 s15, s24  }
0x33d: {  	v19 =	vsel vm14, s0, v19;
	v20 =	vsel vm5, s16, v20;
	s17 =	spop (drf)  }
0x33e: {  	v60 =	vshll.u32 v19, $0x3;
	v20 =	vsel vm6, s17, v20;
	s18 =	spop (drf)  }
0x33f: {  	v61 =	vand.u32 $0x7, v19;
	v21 =	vand.u32 $0xFFFFFFC0, v60;
	v20 =	vsel vm7, s18, v20;
	s20 =	spop (drf)  }
0x340: {  	v21 =	vor.u32 v61, v21;
	v20 =	vsel vm8, s20, v20;
	s22 =	spop (drf)  }
0x341: {  	v22 =	vperm.xlane v21, v16;
	v20 =	vsel vm9, s22, v20;
	s23 =	spop (drf)  }
0x342: {  	v20 =	vsel vm10, s23, v20;
	s24 =	spop (drf)  }
0x343: {  	s26 =	simm.s32 $0x2;
	v22 =	vadd.s32 v17, v22;
	v20 =	vsel vm11, s24, v20;
	s25 =	spop (drf)  }
0x344: {  	[sflag:s26] =	ssyncset.done $0x0;
	v20 =	vsel vm12, s25, v20;
	s28 =	spop (drf)  }
0x345: {  	[sflag:s26] =	ssyncadd.s32 $0xFFFF8000;
	v20 =	vsel vm13, s28, v20;
	s29 =	spop (drf)  }
0x346: {  	s6 =	rddreg [dreg:$0x14];
	[tilespmem:$0x80] =	vst v19;
	v19 =	vsel vm14, s29, v20  }
0x347: {  	s0 =	rddreg [dreg:$0x1];
	s31 =	simm.s32 $0x180;
	[tilespmem:$0x90] =	vst v19  }
0x348: {  	[tilespmem:s31], [sflag:$0x1] =	stream.indirect_vreg.gather [hbm4b:s0+s3], $0x80, v22, vm15, $0xb8;
	[tilespmem:$0x1C180] =	vst v63  }
0x349: {  	s2 =	rddreg [dreg:$0x13];
	s1 =	simm.s32 $0x980;
	v19 =	vperm.xlane v21, v18  }
0x34a: {  	[tilespmem:s1], [sflag:$0x1] =	stream.indirect_vreg.gather [hbm4b:s2+s3], $0x80, v22, vm15, $0xb8;
	[tilespmem:$0x1C180] =	vst v63  }
0x34b: {  	[dreg:$0x1f] =	wrdreg s5;
	s5 =	simm.s32 $0x1180;
	v19 =	vadd.s32 v17, v19  }
0x34c: {  	[tilespmem:s5], [sflag:$0x1] =	stream.indirect_vreg.gather [hbm4b:s6+s3], $0x80, v22, vm15, $0xb8;
	[tilespmem:$0x1C180] =	vst v63  }
0x34d: {  	s8 =	rddreg [dreg:$0x15];
	s7 =	simm.s32 $0x1980  }
0x34e: {  	[tilespmem:s7], [sflag:$0x1] =	stream.indirect_vreg.gather [hbm4b:s8+s3], $0x80, v22, vm15, $0xb8;
	[tilespmem:$0x1C180] =	vst v63  }
0x34f: {  	s11 =	simm.s32 $0x2180;
	s9 =	rddreg [dreg:$0x1]  }
0x350: {  	[tilespmem:s11], [sflag:$0x1] =	stream.indirect_vreg.gather [hbm4b:s9+s3], $0x80, v19, vm15, $0xb8;
	[tilespmem:$0x1C180] =	vst v63  }
0x351: {  	s12 =	simm.s32 $0x2980  }
0x352: {  	[tilespmem:s12], [sflag:$0x1] =	stream.indirect_vreg.gather [hbm4b:s2+s3], $0x80, v19, vm15, $0xb8;
	[tilespmem:$0x1C180] =	vst v63  }
0x353: {  	s13 =	simm.s32 $0x3180  }
0x354: {  	[tilespmem:s13], [sflag:$0x1] =	stream.indirect_vreg.gather [hbm4b:s6+s3], $0x80, v19, vm15, $0xb8;
	[tilespmem:$0x1C180] =	vst v63  }
0x355: {  	s14 =	simm.s32 $0x3980  }
0x356: {  	[tilespmem:s14], [sflag:$0x1] =	stream.indirect_vreg.gather [hbm4b:s8+s3], $0x80, v19, vm15, $0xb8;
	[tilespmem:$0x1C180] =	vst v63  }
0x357: {  	v19 =	vld [tilespmem:$0x90];
	_ =	sdelay $0x4  }
0x358: {  	v20 =	vshll.u32 v19, $0x3  }
0x359: {  	v19 =	vand.u32 $0x7, v19;
	v20 =	vand.u32 $0xFFFFFFC0, v20  }
0x35a: {  	v19 =	vor.u32 v19, v20  }
0x35b: {  	v20 =	vperm.xlane v19, v16;
	_ =	sdelay $0x1  }
0x35c: {  	v20 =	vadd.s32 v17, v20;
	_ =	sdelay $0x3  }
0x35d: {  	s15 =	simm.s32 $0x4180;
	s16 =	rddreg [dreg:$0x1]  }
0x35e: {  	[tilespmem:s15], [sflag:$0x1] =	stream.indirect_vreg.gather [hbm4b:s16+s3], $0x80, v20, vm15, $0xb8;
	[tilespmem:$0x1C180] =	vst v63  }
0x35f: {  	s17 =	simm.s32 $0x4980;
	v19 =	vperm.xlane v19, v18  }
0x360: {  	[tilespmem:s17], [sflag:$0x1] =	stream.indirect_vreg.gather [hbm4b:s2+s3], $0x80, v20, vm15, $0xb8;
	[tilespmem:$0x1C180] =	vst v63  }
0x361: {  	s18 =	simm.s32 $0x5180;
	v19 =	vadd.s32 v17, v19  }
0x362: {  	[tilespmem:s18], [sflag:$0x1] =	stream.indirect_vreg.gather [hbm4b:s6+s3], $0x80, v20, vm15, $0xb8;
	[tilespmem:$0x1C180] =	vst v63  }
0x363: {  	s23 =	simm.s32 $0x5980  }
0x364: {  	[tilespmem:s23], [sflag:$0x1] =	stream.indirect_vreg.gather [hbm4b:s8+s3], $0x80, v20, vm15, $0xb8;
	[tilespmem:$0x1C180] =	vst v63  }
0x365: {  	s24 =	simm.s32 $0x6180;
	s25 =	rddreg [dreg:$0x1]  }
0x366: {  	[tilespmem:s24], [sflag:$0x1] =	stream.indirect_vreg.gather [hbm4b:s25+s3], $0x80, v19, vm15, $0xb8;
	[tilespmem:$0x1C180] =	vst v63  }
0x367: {  	s26 =	simm.s32 $0x6980  }
0x368: {  	[tilespmem:s26], [sflag:$0x1] =	stream.indirect_vreg.gather [hbm4b:s2+s3], $0x80, v19, vm15, $0xb8;
	[tilespmem:$0x1C180] =	vst v63  }
0x369: {  	s28 =	simm.s32 $0x7180  }
0x36a: {  	[tilespmem:s28], [sflag:$0x1] =	stream.indirect_vreg.gather [hbm4b:s6+s3], $0x80, v19, vm15, $0xb8;
	[tilespmem:$0x1C180] =	vst v63  }
0x36b: {  	s29 =	simm.s32 $0x7980;
	s31 =	simm.s32 $0x1  }
0x36c: {  	[tilespmem:s29], [sflag:$0x1] =	stream.indirect_vreg.gather [hbm4b:s8+s3], $0x80, v19, vm15, $0xb8;
	[tilespmem:$0x1C180] =	vst v63  }
0x36d: {  	s1 =	simm.s32 $0x1;
	_ =	swait.ge [sflag:s31], $0x8000  }
0x36e: {  	s4 =	simm.s32 $0x2;
	s2 =	simm.s32 $0x1;
	[sflag:s1] =	ssyncset.done $0x0  }
0x36f: {  	s6 =	simm.s32 $0xE180;
	s5 =	rddreg [dreg:$0xd];
	[sflag:s2] =	ssyncadd.s32 $0xFFFF8000  }
0x370: {  	[hbm4b:s5+s3] =	stream.linear.scatter [tilespmem:s6], [sflag:$0x2], $0x8000, $0x38;
	[tilespmem:$0x1C180] =	vst v63  }
0x371: {  	_ =	swait.ge [sflag:s4], $0x8000  }
0x372: {  	(v2sf) =	vpush v13, $0x0  }
0x373: {  	(v2sf) =	vpush v13, $0xF  }
0x374: {  	(v2sf) =	vpush v13, $0x1  }
0x375: {  	(v2sf) =	vpush v13, $0x2  }
0x376: {  	(v2sf) =	vpush v13, $0x3  }
0x377: {  	(v2sf) =	vpush v13, $0x4  }
0x378: {  	(v2sf) =	vpush v13, $0x5  }
0x379: {  	(v2sf) =	vpush v13, $0x6  }
0x37a: {  	(v2sf) =	vpush v13, $0x7  }
0x37b: {  	(v2sf) =	vpush v13, $0x8  }
0x37c: {  	(v2sf) =	vpush v13, $0x9  }
0x37d: {  	(v2sf) =	vpush v13, $0xA  }
0x37e: {  	(v2sf) =	vpush v13, $0xB  }
0x37f: {  	(v2sf) =	vpush v13, $0xC  }
0x380: {  	(v2sf) =	vpush v13, $0xD  }
0x381: {  	s7 =	spop (v2sf);
	(v2sf) =	vpush v13, $0xE  }
0x382: {  	s4 =	spop (v2sf);
	(v2sf) =	vpush v14, $0x0  }
0x383: {  	s9 =	spop (v2sf);
	(v2sf) =	vpush v14, $0xF  }
0x384: {  	s10 =	spop (v2sf);
	(v2sf) =	vpush v14, $0x1  }
0x385: {  	s11 =	spop (v2sf);
	(v2sf) =	vpush v14, $0x2  }
0x386: {  	s12 =	spop (v2sf);
	(v2sf) =	vpush v14, $0x3  }
0x387: {  	s20 =	spop (v2sf);
	(v2sf) =	vpush v14, $0x4  }
0x388: {  	s13 =	spop (v2sf)  }
0x389: {  	s14 =	spop (v2sf)  }
0x38a: {  	(v2sf) =	vpush v14, $0x5;
	s15 =	spop (v2sf)  }
0x38b: {  	s16 =	spop (v2sf)  }
0x38c: {  	s17 =	spop (v2sf)  }
0x38d: {  	(v2sf) =	vpush v14, $0x6;
	s18 =	spop (v2sf)  }
0x38e: {  	s23 =	spop (v2sf)  }
0x38f: {  	(v2sf) =	vpush v14, $0x7;
	s24 =	spop (v2sf)  }
0x390: {  	s25 =	spop (v2sf)  }
0x391: {  	(v2sf) =	vpush v14, $0x8;
	s26 =	spop (v2sf)  }
0x392: {  	(v2sf) =	vpush v14, $0x9;
	s28 =	spop (v2sf)  }
0x393: {  	s29 =	spop (v2sf)  }
0x394: {  	(v2sf) =	vpush v14, $0xA;
	s8 =	spop (v2sf)  }
0x395: {  	s0 =	rddreg [dreg:$0x16];
	s31 =	spop (v2sf)  }
0x396: {  	s22 =	rddreg [dreg:$0x1b];
	(v2sf) =	vpush v14, $0xB;
	s2 =	spop (v2sf)  }
0x397: {  	[smem:$0x7F6] =	sst s2  }
0x398: {  	(drf) =	srem.u32 s7, s0;
	(v2sf) =	vpush v14, $0xC;
	s2 =	rddreg [dreg:$0x17]  }
0x399: {  	(drf) =	srem.u32 s4, s2;
	s4 =	spop (v2sf)  }
0x39a: {  	[smem:$0x7F7] =	sst s4  }
0x39b: {  	(drf) =	srem.u32 s9, s30;
	s4 =	rddreg [dreg:$0x18]  }
0x39c: {  	s5 =	spop (v2sf);
	s9 =	rddreg [dreg:$0x1e]  }
0x39d: {  	[smem:$0x7F8] =	sst s5;
	(drf) =	srem.u32 s10, s4  }
0x39e: {  	s6 =	spop (v2sf);
	s5 =	rddreg [dreg:$0x19]  }
0x39f: {  	[smem:$0x7F9] =	sst s6;
	(drf) =	srem.u32 s11, s5  }
0x3a0: {  	s7 =	spop (v2sf);
	s6 =	rddreg [dreg:$0x1a]  }
0x3a1: {  	s11 =	sld [smem:$0x7F3];
	s10 =	spop (v2sf)  }
0x3a2: {  	(drf) =	srem.u32 s12, s6;
	[smem:$0x7FA] =	sst s10  }
0x3a3: {  	(v2sf) =	vpush v14, $0xD;
	s12 =	spop (v2sf);
	s10 =	rddreg [dreg:$0x1f]  }
0x3a4: {  	(drf) =	srem.u32 s20, s22;
	[smem:$0x7FB] =	sst s12  }
0x3a5: {  	s20 =	spop (v2sf);
	s12 =	rddreg [dreg:$0x1d]  }
0x3a6: {  	[smem:$0x7FC] =	sst s20  }
0x3a7: {  	s1 =	smov.u32 s30;
	s20 =	rddreg [dreg:$0x1c];
	s30 =	spop (v2sf)  }
0x3a8: {  	(drf) =	srem.u32 s13, s20;
	[smem:$0x7FD] =	sst s30  }
0x3a9: {  	s13 =	sld [smem:$0x7F4];
	(drf) =	srem.u32 s14, s19  }
0x3aa: {  	s14 =	spop (drf);
	(drf) =	srem.u32 s15, s12  }
0x3ab: {  	s15 =	spop (drf);
	(drf) =	srem.u32 s16, s9  }
0x3ac: {  	s16 =	spop (drf);
	(drf) =	srem.u32 s17, s21  }
0x3ad: {  	s30 =	smov.u32 s21;
	v19 =	vmov s15;
	s17 =	spop (drf);
	s21 =	sld [smem:$0x7F5]  }
0x3ae: {  	v19 =	vsel vm0, s14, v19;
	(drf) =	srem.u32 s18, s10;
	s18 =	spop (drf)  }
0x3af: {  	v19 =	vsel vm1, s16, v19;
	(drf) =	srem.u32 s23, s11;
	s23 =	spop (drf)  }
0x3b0: {  	v19 =	vsel vm2, s17, v19;
	s17 =	sld [smem:$0x7F9];
	(drf) =	srem.u32 s24, s13  }
0x3b1: {  	s24 =	spop (drf);
	(drf) =	srem.u32 s25, s21  }
0x3b2: {  	s25 =	spop (v2sf);
	(drf) =	srem.u32 s26, s0  }
0x3b3: {  	s26 =	spop (drf);
	(drf) =	srem.u32 s28, s2  }
0x3b4: {  	s28 =	spop (drf);
	(drf) =	srem.u32 s29, s1  }
0x3b5: {  	s2 =	spop (drf);
	(drf) =	srem.u32 s8, s4  }
0x3b6: {  	s0 =	spop (drf);
	s4 =	sld [smem:$0x7F6]  }
0x3b7: {  	(v2sf) =	vpush v14, $0xE;
	(drf) =	srem.u32 s31, s5;
	s16 =	spop (drf)  }
0x3b8: {  	s5 =	sld [smem:$0x7F7];
	s29 =	spop (drf)  }
0x3b9: {  	(drf) =	srem.u32 s4, s6;
	s6 =	sld [smem:$0x7F8]  }
0x3ba: {  	s31 =	sld [smem:$0x7FA];
	s14 =	spop (drf)  }
0x3bb: {  	v19 =	vsel vm3, s18, v19;
	s4 =	sld [smem:$0x7FB];
	(drf) =	srem.u32 s5, s22  }
0x3bc: {  	v19 =	vsel vm4, s23, v19;
	s8 =	spop (drf);
	(drf) =	srem.u32 s6, s20  }
0x3bd: {  	v19 =	vsel vm5, s24, v19;
	s20 =	spop (drf);
	s6 =	sld [smem:$0x7FC]  }
0x3be: {  	v19 =	vsel vm6, s26, v19;
	(drf) =	srem.u32 s17, s19;
	s22 =	spop (drf)  }
0x3bf: {  	v19 =	vsel vm7, s28, v19;
	(drf) =	srem.u32 s7, s12;
	s26 =	spop (drf)  }
0x3c0: {  	v19 =	vsel vm8, s2, v19;
	(drf) =	srem.u32 s31, s9;
	s2 =	spop (drf)  }
0x3c1: {  	(drf) =	srem.u32 s4, s30;
	s5 =	spop (drf)  }
0x3c2: {  	v20 =	vmov s26;
	(drf) =	srem.u32 s6, s10;
	s10 =	sld [smem:$0x7FD]  }
0x3c3: {  	v19 =	vsel vm9, s0, v19;
	v20 =	vsel vm0, s22, v20  }
0x3c4: {  	v19 =	vsel vm10, s16, v19;
	v20 =	vsel vm1, s2, v20;
	s9 =	spop (drf)  }
0x3c5: {  	v19 =	vsel vm11, s29, v19;
	v20 =	vsel vm2, s5, v20;
	(drf) =	srem.u32 s10, s11;
	s11 =	spop (drf)  }
0x3c6: {  	v19 =	vsel vm12, s14, v19;
	v20 =	vsel vm3, s9, v20;
	(drf) =	srem.u32 s25, s13;
	s13 =	spop (v2sf)  }
0x3c7: {  	v19 =	vsel vm13, s8, v19;
	v20 =	vsel vm4, s11, v20;
	s14 =	spop (drf);
	(drf) =	srem.u32 s13, s21  }
0x3c8: {  	v19 =	vsel vm14, s20, v19;
	v20 =	vsel vm5, s14, v20;
	s15 =	spop (drf)  }
0x3c9: {  	v62 =	vshll.u32 v19, $0x3;
	v20 =	vsel vm6, s15, v20;
	s16 =	spop (drf)  }
0x3ca: {  	v63 =	vand.u32 $0x7, v19;
	v21 =	vand.u32 $0xFFFFFFC0, v62;
	v20 =	vsel vm7, s16, v20;
	s19 =	spop (drf)  }
0x3cb: {  	v21 =	vor.u32 v63, v21;
	v20 =	vsel vm8, s19, v20;
	s20 =	spop (drf)  }
0x3cc: {  	v22 =	vperm.xlane v21, v16;
	v20 =	vsel vm9, s20, v20;
	s21 =	spop (drf)  }
0x3cd: {  	v20 =	vsel vm10, s21, v20;
	s22 =	spop (drf)  }
0x3ce: {  	s29 =	simm.s32 $0x2;
	v22 =	vadd.s32 v17, v22;
	v20 =	vsel vm11, s22, v20;
	s25 =	spop (drf)  }
0x3cf: {  	s28 =	rddreg [dreg:$0x1];
	[sflag:s29] =	ssyncset.done $0x0;
	v20 =	vsel vm12, s25, v20;
	s26 =	spop (drf)  }
0x3d0: {  	[sflag:s29] =	ssyncadd.s32 $0xFFFF8000;
	v20 =	vsel vm13, s26, v20;
	s30 =	spop (drf)  }
0x3d1: {  	[tilespmem:$0x100] =	vst v19;
	v19 =	vsel vm14, s30, v20  }
0x3d2: {  	s2 =	simm.s32 $0xE180;
	[tilespmem:$0x110] =	vst v19  }
0x3d3: {  	[tilespmem:s2], [sflag:$0x1] =	stream.indirect_vreg.gather [hbm4b:s28+s3], $0x80, v22, vm15, $0xb8;
	[tilespmem:$0x1C180] =	vst v63  }
0x3d4: {  	s1 =	rddreg [dreg:$0x13];
	s31 =	simm.s32 $0xE980;
	v19 =	vperm.xlane v21, v18  }
0x3d5: {  	[tilespmem:s31], [sflag:$0x1] =	stream.indirect_vreg.gather [hbm4b:s1+s3], $0x80, v22, vm15, $0xb8;
	[tilespmem:$0x1C180] =	vst v63  }
0x3d6: {  	s8 =	rddreg [dreg:$0x14];
	s5 =	simm.s32 $0xF180;
	v19 =	vadd.s32 v17, v19  }
0x3d7: {  	[tilespmem:s5], [sflag:$0x1] =	stream.indirect_vreg.gather [hbm4b:s8+s3], $0x80, v22, vm15, $0xb8;
	[tilespmem:$0x1C180] =	vst v63  }
0x3d8: {  	s9 =	simm.s32 $0xF980;
	s10 =	rddreg [dreg:$0x15]  }
0x3d9: {  	[tilespmem:s9], [sflag:$0x1] =	stream.indirect_vreg.gather [hbm4b:s10+s3], $0x80, v22, vm15, $0xb8;
	[tilespmem:$0x1C180] =	vst v63  }
0x3da: {  	s11 =	simm.s32 $0x10180  }
0x3db: {  	[tilespmem:s11], [sflag:$0x1] =	stream.indirect_vreg.gather [hbm4b:s28+s3], $0x80, v19, vm15, $0xb8;
	[tilespmem:$0x1C180] =	vst v63  }
0x3dc: {  	s13 =	simm.s32 $0x10980  }
0x3dd: {  	[tilespmem:s13], [sflag:$0x1] =	stream.indirect_vreg.gather [hbm4b:s1+s3], $0x80, v19, vm15, $0xb8;
	[tilespmem:$0x1C180] =	vst v63  }
0x3de: {  	s14 =	simm.s32 $0x11180  }
0x3df: {  	[tilespmem:s14], [sflag:$0x1] =	stream.indirect_vreg.gather [hbm4b:s8+s3], $0x80, v19, vm15, $0xb8;
	[tilespmem:$0x1C180] =	vst v63  }
0x3e0: {  	s15 =	simm.s32 $0x11980  }
0x3e1: {  	[tilespmem:s15], [sflag:$0x1] =	stream.indirect_vreg.gather [hbm4b:s10+s3], $0x80, v19, vm15, $0xb8;
	[tilespmem:$0x1C180] =	vst v63  }
0x3e2: {  	v19 =	vld [tilespmem:$0x110];
	_ =	sdelay $0x4  }
0x3e3: {  	v20 =	vshll.u32 v19, $0x3  }
0x3e4: {  	v19 =	vand.u32 $0x7, v19;
	v20 =	vand.u32 $0xFFFFFFC0, v20  }
0x3e5: {  	v19 =	vor.u32 v19, v20  }
0x3e6: {  	v20 =	vperm.xlane v19, v16;
	_ =	sdelay $0x1  }
0x3e7: {  	v20 =	vadd.s32 v17, v20;
	_ =	sdelay $0x3  }
0x3e8: {  	s16 =	simm.s32 $0x12180  }
0x3e9: {  	[tilespmem:s16], [sflag:$0x1] =	stream.indirect_vreg.gather [hbm4b:s28+s3], $0x80, v20, vm15, $0xb8;
	[tilespmem:$0x1C180] =	vst v63  }
0x3ea: {  	s19 =	simm.s32 $0x12980;
	v19 =	vperm.xlane v19, v18  }
0x3eb: {  	[tilespmem:s19], [sflag:$0x1] =	stream.indirect_vreg.gather [hbm4b:s1+s3], $0x80, v20, vm15, $0xb8;
	[tilespmem:$0x1C180] =	vst v63  }
0x3ec: {  	s20 =	simm.s32 $0x13180;
	v19 =	vadd.s32 v17, v19  }
0x3ed: {  	[tilespmem:s20], [sflag:$0x1] =	stream.indirect_vreg.gather [hbm4b:s8+s3], $0x80, v20, vm15, $0xb8;
	[tilespmem:$0x1C180] =	vst v63  }
0x3ee: {  	s21 =	simm.s32 $0x13980  }
0x3ef: {  	[tilespmem:s21], [sflag:$0x1] =	stream.indirect_vreg.gather [hbm4b:s10+s3], $0x80, v20, vm15, $0xb8;
	[tilespmem:$0x1C180] =	vst v63  }
0x3f0: {  	s18 =	rddreg [dreg:$0x7];
	s22 =	simm.s32 $0x14180  }
0x3f1: {  	[tilespmem:s22], [sflag:$0x1] =	stream.indirect_vreg.gather [hbm4b:s28+s3], $0x80, v19, vm15, $0xb8;
	[tilespmem:$0x1C180] =	vst v63  }
0x3f2: {  	s23 =	rddreg [dreg:$0x8];
	s25 =	simm.s32 $0x14980  }
0x3f3: {  	[tilespmem:s25], [sflag:$0x1] =	stream.indirect_vreg.gather [hbm4b:s1+s3], $0x80, v19, vm15, $0xb8;
	[tilespmem:$0x1C180] =	vst v63  }
0x3f4: {  	s24 =	rddreg [dreg:$0x11];
	s26 =	simm.s32 $0x15180  }
0x3f5: {  	[tilespmem:s26], [sflag:$0x1] =	stream.indirect_vreg.gather [hbm4b:s8+s3], $0x80, v19, vm15, $0xb8;
	[tilespmem:$0x1C180] =	vst v63  }
0x3f6: {  	s17 =	rddreg [dreg:$0x4];
	s12 =	simm.s32 $0x1;
	s28 =	simm.s32 $0x15980  }
0x3f7: {  	[tilespmem:s28], [sflag:$0x1] =	stream.indirect_vreg.gather [hbm4b:s10+s3], $0x80, v19, vm15, $0xb8;
	[tilespmem:$0x1C180] =	vst v63  }
0x3f8: {  	s7 =	rddreg [dreg:$0x10];
	_ =	swait.ge [sflag:s12], $0x8000  }
0x3f9: {  	s30 =	simm.s32 $0x180;
	[sflag:s12] =	ssyncset.done $0x0  }
0x3fa: {  	s31 =	simm.s32 $0x2;
	s29 =	rddreg [dreg:$0xe];
	[sflag:s12] =	ssyncadd.s32 $0xFFFF8000  }
0x3fb: {  	[hbm4b:s29+s3] =	stream.linear.scatter [tilespmem:s30], [sflag:$0x2], $0x8000, $0x38;
	[tilespmem:$0x1C180] =	vst v63  }
0x3fc: {  	_ =	swait.ge [sflag:s31], $0x8000  }
0x3fd: {  	[sflag:s31] =	ssyncset.done $0x0  }
0x3fe: {  	s4 =	simm.s32 $0xE180;
	s0 =	rddreg [dreg:$0xf];
	[sflag:s31] =	ssyncadd.s32 $0xFFFF8000  }
.LBB2_4:
0x3ff: {  	_ =	swait.ge [sflag:s12], $0x8000;
	s24 =	sadd.s32 $0xFFFFFFFF, s24  }
0x400: {  	[sflag:s12] =	ssyncset.done $0x0;
	p0 =	sne.s32 s24, $0x0  }
.Ltmp1:
0x401: {  	s31 =	simm.s32 $0x2;
	[sflag:s12] =	ssyncadd.s32 $0xFFFF8000;
	(pc) =	sbr.rel @!p0 .LBB2_5-.Ltmp1, $4  }
0x402: {  	[hbm4b:s0+s3] =	stream.linear.scatter [tilespmem:s2], [sflag:$0x2], $0x8000, $0x38;
	[tilespmem:$0x1C180] =	vst v63  }
0x403: {  	_ =	swait.ge [sflag:s31], $0x8000  }
0x404: {  	[sflag:s31] =	ssyncset.done $0x0  }
0x405: {  	[sflag:s31] =	ssyncadd.s32 $0xFFFF8000  }
.LBB2_1:
0x406: {  	s0 =	rddreg [dreg:$0x5];
	s29 =	simm.s32 $0x2  }
0x407: {  	[tilespmem:s3], [sflag:$0x2] =	stream.linear.gather [hbm4b:s0+s3], $0x80, $0x38;
	[tilespmem:$0x1C180] =	vst v63  }
0x408: {  	_ =	swait.ge [sflag:s29], $0x80  }
0x409: {  	[sflag:s29] =	ssyncset.done $0x0  }
0x40a: {  	[sflag:s29] =	ssyncadd.s32 $0xFFFFFF80  }
0x40b: {  	v19 =	vld [tilespmem:$0x0];
	_ =	sdelay $0x4  }
0x40c: {  	(v2sf) =	vpush v19, $0x0;
	_ =	sdelay $0xe  }
0x40d: {  	s1 =	spop (v2sf)  }
0x40e: {  	s30 =	sshra.s32 s1, $0x1F  }
0x40f: {  	s2 =	sxor.u32 s30, s1  }
0x410: {  	s0 =	ssub.s32 s2, s30  }
0x411: {  	(drf) =	srem.u32 s17, s0;
	_ =	sdelay $0x8  }
0x412: {  	s0 =	spop (drf)  }
0x413: {  	s31 =	sadd.s32 $0x100, s0  }
0x414: {  	p0 =	sgt.s32 s31, s1;
	s1 =	sand.u32 $0x7, s0  }
0x415: {  	p1 =	sne.s32 @!p0 s1, $0x0  }
0x416: {  	p0 =	por p0, p1  }
.Ltmp2:
0x417: {  	_ = 	snop;
	(pc) =	sbr.rel @p0 .LBB2_3-.Ltmp2, $1  }
0x418: {  	_ =	sdelay $0x3  }
0x419: {  	s0 =	sshll.u32 s0, $0x7;
	s5 =	rddreg [dreg:$0x1]  }
0x41a: {  	s2 =	simm.s32 $0x180;
	s1 =	sadd.s32 s5, s0;
	s0 =	sand.u32 $0x1FFFFF80, s0  }
0x41b: {  	[tilespmem:s2], [sflag:$0x1] =	stream.linear.gather [hbm4b:s1+s3], $0xE000, $0x38;
	[tilespmem:$0x1C180] =	vst v63  }
0x41c: {  	s0 =	sadd.s32 s5, s0  }
0x41d: {  	s25 =	sadd.s32 $0x1C00, s0  }
0x41e: {  	[tilespmem:s4], [sflag:$0x1] =	stream.linear.gather [hbm4b:s25+s3], $0xE000, $0x38;
	[tilespmem:$0x1C180] =	vst v63  }
0x41f: {  	_ =	swait.ge [sflag:s12], $0xE000  }
0x420: {  	[sflag:s12] =	ssyncset.done $0x0  }
0x421: {  	s28 =	simm.s32 $0x2;
	s26 =	rddreg [dreg:$0x12];
	[sflag:s12] =	ssyncadd.s32 $0xFFFF2000  }
0x422: {  	[hbm4b:s26+s3] =	stream.linear.scatter [tilespmem:s2], [sflag:$0x2], $0xE000, $0x38;
	[tilespmem:$0x1C180] =	vst v63  }
0x423: {  	_ =	swait.ge [sflag:s28], $0xE000  }
0x424: {  	[sflag:s28] =	ssyncset.done $0x0  }
0x425: {  	s29 =	sadd.s32 $0x3800, s0;
	[sflag:s28] =	ssyncadd.s32 $0xFFFF2000  }
0x426: {  	[tilespmem:s2], [sflag:$0x1] =	stream.linear.gather [hbm4b:s29+s3], $0xE000, $0x38;
	[tilespmem:$0x1C180] =	vst v63  }
0x427: {  	_ =	swait.ge [sflag:s12], $0xE000  }
0x428: {  	[sflag:s12] =	ssyncset.done $0x0  }
0x429: {  	s30 =	rddreg [dreg:$0x6];
	[sflag:s12] =	ssyncadd.s32 $0xFFFF2000  }
0x42a: {  	[hbm4b:s30+s3] =	stream.linear.scatter [tilespmem:s4], [sflag:$0x2], $0xE000, $0x38;
	[tilespmem:$0x1C180] =	vst v63  }
0x42b: {  	_ =	swait.ge [sflag:s28], $0xE000  }
0x42c: {  	[sflag:s28] =	ssyncset.done $0x0  }
0x42d: {  	s31 =	sadd.s32 $0x5400, s0;
	[sflag:s28] =	ssyncadd.s32 $0xFFFF2000  }
0x42e: {  	[tilespmem:s4], [sflag:$0x1] =	stream.linear.gather [hbm4b:s31+s3], $0xE000, $0x38;
	[tilespmem:$0x1C180] =	vst v63  }
0x42f: {  	_ =	swait.ge [sflag:s12], $0xE000  }
0x430: {  	[sflag:s12] =	ssyncset.done $0x0  }
0x431: {  	[sflag:s12] =	ssyncadd.s32 $0xFFFF2000  }
0x432: {  	[hbm4b:s18+s3] =	stream.linear.scatter [tilespmem:s2], [sflag:$0x2], $0xE000, $0x38;
	[tilespmem:$0x1C180] =	vst v63  }
0x433: {  	_ =	swait.ge [sflag:s28], $0xE000  }
0x434: {  	[sflag:s28] =	ssyncset.done $0x0  }
0x435: {  	s0 =	sadd.s32 $0x7000, s0;
	[sflag:s28] =	ssyncadd.s32 $0xFFFF2000  }
0x436: {  	[tilespmem:s2], [sflag:$0x1] =	stream.linear.gather [hbm4b:s0+s3], $0x8000, $0x38;
	[tilespmem:$0x1C180] =	vst v63  }
0x437: {  	_ =	swait.ge [sflag:s12], $0xE000  }
0x438: {  	[sflag:s12] =	ssyncset.done $0x0  }
.Ltmp3:
0x439: {  	[sflag:s12] =	ssyncadd.s32 $0xFFFF2000;
	(pc) =	sbr.rel .LBB2_4-.Ltmp3, $4  }
0x43a: {  	[hbm4b:s23+s3] =	stream.linear.scatter [tilespmem:s4], [sflag:$0x2], $0xE000, $0x38;
	[tilespmem:$0x1C180] =	vst v63  }
0x43b: {  	_ =	swait.ge [sflag:s28], $0xE000  }
0x43c: {  	[sflag:s28] =	ssyncset.done $0x0  }
0x43d: {  	s0 =	smov.u32 s7;
	[sflag:s28] =	ssyncadd.s32 $0xFFFF2000  }
.LBB2_5:
0x43e: {  	_ =	sfence.sel $0x180000  }
0x43f: {  	[bflag:$0x0] =	sbarrier.arrive $0xFFFF  }
0x440: {  	_ =	strace $0x90000047  }
0x441: {  	s0 =	stileid.u32;
	[bflag:$0x2] =	sbarrier.arrive $0xFFFF  }
0x442: {  	p0 =	sne.s32 s0, $0x0;
	s0 =	rddreg [dreg:$0x3]  }
0x443: {  	s0 =	sadd.s32 @!p0 $0x100000, s0  }
0x444: {  	[sflag:s0] =	ssyncadd.tile.s32 @!p0 $0x1;
	_ =	shalt  }
.Lfunc_end2:
_tile_overlayer_lowered:
.L_overlay_start_2:
0x445: {  	(tag) =	ssettag $0x2  }
0x446: {  	s0 =	rddreg [dreg:$0x0];
	s2 =	stileid.u32  }
0x447: {  	s1 =	rddreg [dreg:$0x1];
	p0 =	sne.s32 s2, $0x0  }
0x448: {  	s3 =	rddreg [dreg:$0x2];
	[bflag:$0x3] =	sbarrier.arrive $0xFFFF;
	s2 =	simm.s32 @!p0 $0x1C02  }
0x449: {  	[timem:s3], [sflag:s2] =	dma.local @!p0 [hbm:s0], s1  }
0x44a: {  	s0 =	simm.s32 @!p0 $0x2  }
0x44b: {  	_ =	swait.ge @!p0 [sflag:s0], s1  }
0x44c: {  	s1 =	ssub.s32 @!p0 $0x0, s1;
	[sflag:s0] =	ssyncset.done @!p0 $0x0  }
0x44d: {  	[sflag:s0] =	ssyncadd.s32 @!p0 s1  }
0x44e: {  	[bflag:$0x3] =	sbarrier.arrive $0xFFFF  }
0x44f: {  	_ =	shalt  }

</sc_bundles>
